<compile_context>
chip_gen: v7x
topology: tpu7x:2x2x1
jax: 0.10.2.dev20260603
libtpu: 0.0.44.dev20260713+nightly
codegen_flags: <defaults>
</compile_context>

<pallas_src>
import functools

import jax
import jax.numpy as jnp
from jax import lax
from jax.experimental import pallas as pl
from jax.experimental.pallas import tpu as pltpu
from jax.experimental.pallas import tpu_sc as plsc

_N = 100000
_F = 150000
_NC = 2
_NS = 16
_NW = _NC * _NS
_PER_W = 3200
_NPAD = _NW * _PER_W
_B = 400
_NCH = _PER_W // _B
_GRP = _B // 16
_D = 8


def _sc_body(table_h, idx_h, ops_h, cont_h, out_h,
             idx_v, ops_v, ra_v, rb_v, rc_v, rd_v, cont_v, out_v,
             sem_s, sem_a, sem_b, sem_c, sem_d):
    wid = lax.axis_index("s") * _NC + lax.axis_index("c")
    wbase = wid * _PER_W

    s0 = pltpu.async_copy(
        idx_h.at[pl.ds(wid * _NCH * 3 * _B, _NCH * 3 * _B)], idx_v, sem_s)
    s1 = pltpu.async_copy(
        ops_h.at[:, pl.ds(wbase, _PER_W)], ops_v, sem_s)
    s0.wait()
    s1.wait()

    bufs = (ra_v, rb_v, rc_v, rd_v)
    sems = (sem_a, sem_b, sem_c, sem_d)
    nbuf = len(bufs)

    def fire(ch):
        return pltpu.async_copy(
            table_h.at[idx_v.at[pl.ds(ch * 3 * _B, 3 * _B)]],
            bufs[ch % nbuf], sems[ch % nbuf])

    def compute(ch, r_v):
        def group(g, carry):
            off = ch * _B + g * 16
            cells = g * 16 + lax.iota(jnp.int32, 16)

            def col(rows, j):
                return plsc.load_gather(
                    r_v, [rows, jnp.full((16,), j, jnp.int32)])

            cont = jnp.zeros((16,), jnp.float32)
            fa0 = jnp.zeros((16,), jnp.float32)
            fa1 = jnp.zeros((16,), jnp.float32)
            fp0 = jnp.zeros((16,), jnp.float32)
            fp1 = jnp.zeros((16,), jnp.float32)
            fd0 = jnp.zeros((16,), jnp.float32)
            fd1 = jnp.zeros((16,), jnp.float32)
            for k in range(3):
                rows = k * _B + cells
                u0 = col(rows, 0)
                u1 = col(rows, 1)
                p = col(rows, 2)
                g0 = col(rows, 3)
                g1 = col(rows, 4)
                ar = col(rows, 5)
                nx = ops_v[2 * k, pl.ds(off, 16)]
                ny = ops_v[2 * k + 1, pl.ds(off, 16)]
                da = (u0 * nx + u1 * ny) * ar
                pa = p * ar
                cont = cont + da
                fa0 = fa0 + u0 * da
                fa1 = fa1 + u1 * da
                fp0 = fp0 + pa * nx
                fp1 = fp1 + pa * ny
                fd0 = fd0 + g0
                fd1 = fd1 + g1
            inv = 1.0 / ops_v[6, pl.ds(off, 16)]
            rc = ops_v[7, pl.ds(off, 16)]
            o0 = rc * (-fa0 - fp0 * inv) + fd0
            o1 = rc * (-fa1 - fp1 * inv) + fd1
            cont_v[pl.ds(off, 16)] = cont
            ocells = ch * _B + cells
            plsc.store_scatter(
                out_v, [ocells, jnp.zeros((16,), jnp.int32)], o0)
            plsc.store_scatter(
                out_v, [ocells, jnp.ones((16,), jnp.int32)], o1)
            return carry

        lax.fori_loop(0, _GRP, group, 0)

    hs = [fire(ch) for ch in range(nbuf)]
    for ch in range(_NCH):
        hs[ch].wait()
        compute(ch, bufs[ch % nbuf])
        if ch + nbuf < _NCH:
            hs.append(fire(ch + nbuf))

    pltpu.sync_copy(cont_v, cont_h.at[pl.ds(wbase, _PER_W)])
    pltpu.sync_copy(out_v, out_h.at[pl.ds(wbase, _PER_W)])


_sc_call = functools.partial(
    pl.kernel,
    mesh=plsc.VectorSubcoreMesh(core_axis_name="c", subcore_axis_name="s"),
    compiler_params=pltpu.CompilerParams(
        needs_layout_passes=False, use_tc_tiling_on_sc=False),
    out_type=[
        jax.ShapeDtypeStruct((_NPAD,), jnp.float32),
        jax.ShapeDtypeStruct((_NPAD, 2), jnp.float32),
    ],
    scratch_types=[
        pltpu.VMEM((_NCH * 3 * _B,), jnp.int32),
        pltpu.VMEM((8, _PER_W), jnp.float32),
        pltpu.VMEM((3 * _B, _D), jnp.float32),
        pltpu.VMEM((3 * _B, _D), jnp.float32),
        pltpu.VMEM((3 * _B, _D), jnp.float32),
        pltpu.VMEM((3 * _B, _D), jnp.float32),
        pltpu.VMEM((_PER_W,), jnp.float32),
        pltpu.VMEM((_PER_W, 2), jnp.float32),
        pltpu.SemaphoreType.DMA,
        pltpu.SemaphoreType.DMA,
        pltpu.SemaphoreType.DMA,
        pltpu.SemaphoreType.DMA,
        pltpu.SemaphoreType.DMA,
    ],
)(_sc_body)


def kernel(uv_face, p_face, flux_D, unv, rho, rhs_coef, face_area, cell_face):
    table = jnp.concatenate(
        [uv_face, p_face, flux_D, face_area,
         jnp.zeros((_F, 2), jnp.float32)], axis=1)
    pad = _NPAD - _N
    cf = jnp.pad(cell_face, ((0, 0), (0, pad)))
    idx = cf.reshape(3, _NW, _NCH, _B).transpose(1, 2, 0, 3).reshape(-1)
    rho_p = jnp.pad(rho.reshape(1, _N), ((0, 0), (0, pad)),
                    constant_values=1.0)
    ops = jnp.concatenate(
        [jnp.pad(unv.reshape(_N, 6).T, ((0, 0), (0, pad))),
         rho_p,
         jnp.pad(rhs_coef.reshape(1, _N), ((0, 0), (0, pad)))], axis=0)
    cont, out = _sc_call(table, idx, ops)
    return cont[:_N].reshape(_N, 1), out[:_N]

# --- scband reference (transcript-rebuilt; emitter-appended) ---
"""Pipeline reference for scband-intergrator-5952824672851 (READ-ONLY COPY).

The authoritative reference and input builder live on the scoring server;
editing this copy changes nothing except your own understanding.
"""

import jax, jax.numpy as jnp
import numpy as np


def chain_dot_product(a, b):
    return jnp.sum(a * b, axis=-1, keepdims=True)


def chain_flux_dot_product(a, b):
    results = []
    for i in range(0, a.shape[1], 2):
        results.append(jnp.sum(a[:, i:i + 2] * b, axis=-1, keepdims=True))
    return jnp.concatenate(results, axis=-1)


def setup_inputs(seed: int = 0):
    key = jax.random.key(seed)
    ks = jax.random.split(key, 8)
    N = 100000
    F = 150000
    uv_face = jax.random.normal(ks[0], (F, 2), dtype=jnp.float32)
    p_face = jax.random.normal(ks[1], (F, 1), dtype=jnp.float32)
    flux_D = jax.random.normal(ks[2], (F, 2), dtype=jnp.float32)
    unv = jax.random.normal(ks[3], (N, 3, 2), dtype=jnp.float32)
    rho = jnp.ones((N, 1), dtype=jnp.float32)
    rhs_coef = jax.random.normal(ks[4], (N, 1), dtype=jnp.float32)
    face_area = jax.random.uniform(ks[5], (F, 1), dtype=jnp.float32)
    cell_face = jax.random.randint(ks[6], (3, N), 0, F, dtype=jnp.int32)
    return {"uv_face": uv_face, "p_face": p_face, "flux_D": flux_D, "unv": unv, "rho": rho, "rhs_coef": rhs_coef, "face_area": face_area, "cell_face": cell_face}


def reference(uv_face, p_face, flux_D, unv, rho, rhs_coef, face_area, cell_face):
    cf0 = cell_face[0]
    cf1 = cell_face[1]
    cf2 = cell_face[2]
    e_ED_0 = jnp.take(face_area, cf0, axis=0)
    e_ED_1 = jnp.take(face_area, cf1, axis=0)
    e_ED_2 = jnp.take(face_area, cf2, axis=0)
    # conserved form convection term
    uu_vu_face = jnp.concatenate((uv_face[:, 0:1] * uv_face, uv_face[:, 1:2] * uv_face), axis=-1)
    # continuity equation (loss_cont=1 > 0)
    loss_continuity = (chain_dot_product(jnp.take(uv_face, cf0, axis=0), unv[:, 0, :]) * e_ED_0
                       + chain_dot_product(jnp.take(uv_face, cf1, axis=0), unv[:, 1, :]) * e_ED_1
                       + chain_dot_product(jnp.take(uv_face, cf2, axis=0), unv[:, 2, :]) * e_ED_2)
    # convection term of momentum equation
    integrate_flux_A_threeedges = (chain_flux_dot_product(uu_vu_face[cf0], unv[:, 0, :]) * e_ED_0
                                   + chain_flux_dot_product(uu_vu_face[cf1], unv[:, 1, :]) * e_ED_1
                                   + chain_flux_dot_product(uu_vu_face[cf2], unv[:, 2, :]) * e_ED_2)
    # diffusion/viscous term
    integrate_flux_D_threeedges = (jnp.take(flux_D, cf0, axis=0)
                                   + jnp.take(flux_D, cf1, axis=0)
                                   + jnp.take(flux_D, cf2, axis=0))
    # pressure term
    integrate_flux_P_threeedges = (jnp.take(p_face, cf0, axis=0) * unv[:, 0, :] * e_ED_0
                                   + jnp.take(p_face, cf1, axis=0) * unv[:, 1, :] * e_ED_1
                                   + jnp.take(p_face, cf2, axis=0) * unv[:, 2, :] * e_ED_2)
    out = rhs_coef * (-integrate_flux_A_threeedges - 1.0 / rho * integrate_flux_P_threeedges) + integrate_flux_D_threeedges
    return (loss_continuity, out)

if __name__ == "__main__":
    import jax
    _d = setup_inputs()
    print(jax.jit(kernel)(*tuple(_d.values())))

</pallas_src>

<mosaic_0001>
#map = affine_map<(d0, d1) -> (0, 0)>
#map1 = affine_map<(d0, d1) -> (0)>
module attributes {stable_mosaic.version = 14 : i64} {
  func.func @_sc_body(%arg0: i32, %arg1: i32, %arg2: memref<150000x8xf32, #tpu.memory_space<hbm>>, %arg3: memref<307200xi32, #tpu.memory_space<hbm>>, %arg4: memref<8x102400xf32, #tpu.memory_space<hbm>>, %arg5: memref<102400xf32, #tpu.memory_space<hbm>>, %arg6: memref<102400x2xf32, #tpu.memory_space<hbm>>, %arg7: memref<9600xi32, #tpu.memory_space<vmem>>, %arg8: memref<8x3200xf32, #tpu.memory_space<vmem>>, %arg9: memref<1200x8xf32, #tpu.memory_space<vmem>>, %arg10: memref<1200x8xf32, #tpu.memory_space<vmem>>, %arg11: memref<1200x8xf32, #tpu.memory_space<vmem>>, %arg12: memref<1200x8xf32, #tpu.memory_space<vmem>>, %arg13: memref<3200xf32, #tpu.memory_space<vmem>>, %arg14: memref<3200x2xf32, #tpu.memory_space<vmem>>, %arg15: memref<!tpu.dma_semaphore, #tpu.memory_space<semaphore_mem>>, %arg16: memref<!tpu.dma_semaphore, #tpu.memory_space<semaphore_mem>>, %arg17: memref<!tpu.dma_semaphore, #tpu.memory_space<semaphore_mem>>, %arg18: memref<!tpu.dma_semaphore, #tpu.memory_space<semaphore_mem>>, %arg19: memref<!tpu.dma_semaphore, #tpu.memory_space<semaphore_mem>>) attributes {dimension_semantics = [#tpu.dimension_semantics<core_parallel>, #tpu.dimension_semantics<subcore_parallel>], iteration_bounds = array<i64: 2, 16>, scalar_prefetch = 0 : i64, scratch_operands = 13 : i64, tpu.core_type = #tpu.core_type<sc_vector_subcore>, window_params = [{transform_indices = #map}, {transform_indices = #map1}, {transform_indices = #map}, {transform_indices = #map1}, {transform_indices = #map}]} {
    %mul3A = arith.constant 2 : i32
    %mul3A_0 = arith.muli %arg1, %mul3A : i32
    %add3A = arith.addi %mul3A_0, %arg0 : i32
    %mul3A_1 = arith.constant 3200 : i32
    %mul3A_2 = arith.muli %add3A, %mul3A_1 : i32
    %mul3A_3 = arith.constant 8 : i32
    %mul3A_4 = arith.muli %add3A, %mul3A_3 : i32
    %mul3A_5 = arith.constant 3 : i32
    %mul3A_6 = arith.muli %mul3A_4, %mul3A_5 : i32
    %mul3A_7 = arith.constant 400 : i32
    %mul3A_8 = arith.muli %mul3A_6, %mul3A_7 : i32
    %dma_start3A = tpu.memref_slice %arg3[%mul3A_8] : memref<307200xi32, #tpu.memory_space<hbm>> -> memref<9600xi32, #tpu.memory_space<hbm>>
    %dma_start3A_9 = tpu.memref_slice %arg3[%mul3A_8] : memref<307200xi32, #tpu.memory_space<hbm>> -> memref<9600xi32, #tpu.memory_space<hbm>>
    tpu.enqueue_dma source(%dma_start3A_9 : memref<9600xi32, #tpu.memory_space<hbm>>) target(%arg7 : memref<9600xi32, #tpu.memory_space<vmem>>) target_semaphore(%arg15 : memref<!tpu.dma_semaphore, #tpu.memory_space<semaphore_mem>>)
    %dma_start3A_10 = arith.constant 0 : i32
    %dma_start3A_11 = tpu.memref_slice %arg4[%dma_start3A_10, %mul3A_2] : memref<8x102400xf32, #tpu.memory_space<hbm>> -> memref<8x3200xf32, #tpu.memory_space<hbm>>
    %dma_start3A_12 = arith.constant 0 : i32
    %dma_start3A_13 = tpu.memref_slice %arg4[%dma_start3A_12, %mul3A_2] : memref<8x102400xf32, #tpu.memory_space<hbm>> -> memref<8x3200xf32, #tpu.memory_space<hbm>>
    tpu.enqueue_dma source(%dma_start3A_13 : memref<8x3200xf32, #tpu.memory_space<hbm>>) target(%arg8 : memref<8x3200xf32, #tpu.memory_space<vmem>>) target_semaphore(%arg15 : memref<!tpu.dma_semaphore, #tpu.memory_space<semaphore_mem>>)
    %dma_wait3A = tpu.memref_slice %arg3[%mul3A_8] : memref<307200xi32, #tpu.memory_space<hbm>> -> memref<9600xi32, #tpu.memory_space<hbm>>
    %dma_wait3A_14 = tpu.memref_slice %arg3[%mul3A_8] : memref<307200xi32, #tpu.memory_space<hbm>> -> memref<9600xi32, #tpu.memory_space<hbm>>
    tpu.wait_dma2 semaphore(%arg15 : memref<!tpu.dma_semaphore, #tpu.memory_space<semaphore_mem>>) src(%dma_wait3A_14 : memref<9600xi32, #tpu.memory_space<hbm>>) dst(%arg7 : memref<9600xi32, #tpu.memory_space<vmem>>)
    %dma_wait3A_15 = arith.constant 0 : i32
    %dma_wait3A_16 = tpu.memref_slice %arg4[%dma_wait3A_15, %mul3A_2] : memref<8x102400xf32, #tpu.memory_space<hbm>> -> memref<8x3200xf32, #tpu.memory_space<hbm>>
    %dma_wait3A_17 = arith.constant 0 : i32
    %dma_wait3A_18 = tpu.memref_slice %arg4[%dma_wait3A_17, %mul3A_2] : memref<8x102400xf32, #tpu.memory_space<hbm>> -> memref<8x3200xf32, #tpu.memory_space<hbm>>
    tpu.wait_dma2 semaphore(%arg15 : memref<!tpu.dma_semaphore, #tpu.memory_space<semaphore_mem>>) src(%dma_wait3A_18 : memref<8x3200xf32, #tpu.memory_space<hbm>>) dst(%arg8 : memref<8x3200xf32, #tpu.memory_space<vmem>>)
    %dma_start3A_19 = arith.constant 0 : i32
    %dma_start3A_20 = tpu.memref_slice %arg7[%dma_start3A_19] : memref<9600xi32, #tpu.memory_space<vmem>> -> memref<1200xi32, #tpu.memory_space<vmem>>
    %dma_start3A_21 = arith.constant 0 : i32
    %dma_start3A_22 = arith.constant 0 : i32
    %dma_start3A_23 = tpu.memref_slice %arg2[%dma_start3A_21, %dma_start3A_22] : memref<150000x8xf32, #tpu.memory_space<hbm>> -> memref<150000x8xf32, #tpu.memory_space<hbm>>
    tpu.enqueue_indirect_dma source(%dma_start3A_23 : memref<150000x8xf32, #tpu.memory_space<hbm>>) target(%arg9 : memref<1200x8xf32, #tpu.memory_space<vmem>>) offsets(%dma_start3A_20 : memref<1200xi32, #tpu.memory_space<vmem>>) semaphore(%arg16 : memref<!tpu.dma_semaphore, #tpu.memory_space<semaphore_mem>>)
    %dma_start3A_24 = arith.constant 1200 : i32
    %dma_start3A_25 = tpu.memref_slice %arg7[%dma_start3A_24] : memref<9600xi32, #tpu.memory_space<vmem>> -> memref<1200xi32, #tpu.memory_space<vmem>>
    %dma_start3A_26 = arith.constant 0 : i32
    %dma_start3A_27 = arith.constant 0 : i32
    %dma_start3A_28 = tpu.memref_slice %arg2[%dma_start3A_26, %dma_start3A_27] : memref<150000x8xf32, #tpu.memory_space<hbm>> -> memref<150000x8xf32, #tpu.memory_space<hbm>>
    tpu.enqueue_indirect_dma source(%dma_start3A_28 : memref<150000x8xf32, #tpu.memory_space<hbm>>) target(%arg10 : memref<1200x8xf32, #tpu.memory_space<vmem>>) offsets(%dma_start3A_25 : memref<1200xi32, #tpu.memory_space<vmem>>) semaphore(%arg17 : memref<!tpu.dma_semaphore, #tpu.memory_space<semaphore_mem>>)
    %dma_start3A_29 = arith.constant 2400 : i32
    %dma_start3A_30 = tpu.memref_slice %arg7[%dma_start3A_29] : memref<9600xi32, #tpu.memory_space<vmem>> -> memref<1200xi32, #tpu.memory_space<vmem>>
    %dma_start3A_31 = arith.constant 0 : i32
    %dma_start3A_32 = arith.constant 0 : i32
    %dma_start3A_33 = tpu.memref_slice %arg2[%dma_start3A_31, %dma_start3A_32] : memref<150000x8xf32, #tpu.memory_space<hbm>> -> memref<150000x8xf32, #tpu.memory_space<hbm>>
    tpu.enqueue_indirect_dma source(%dma_start3A_33 : memref<150000x8xf32, #tpu.memory_space<hbm>>) target(%arg11 : memref<1200x8xf32, #tpu.memory_space<vmem>>) offsets(%dma_start3A_30 : memref<1200xi32, #tpu.memory_space<vmem>>) semaphore(%arg18 : memref<!tpu.dma_semaphore, #tpu.memory_space<semaphore_mem>>)
    %dma_start3A_34 = arith.constant 3600 : i32
    %dma_start3A_35 = tpu.memref_slice %arg7[%dma_start3A_34] : memref<9600xi32, #tpu.memory_space<vmem>> -> memref<1200xi32, #tpu.memory_space<vmem>>
    %dma_start3A_36 = arith.constant 0 : i32
    %dma_start3A_37 = arith.constant 0 : i32
    %dma_start3A_38 = tpu.memref_slice %arg2[%dma_start3A_36, %dma_start3A_37] : memref<150000x8xf32, #tpu.memory_space<hbm>> -> memref<150000x8xf32, #tpu.memory_space<hbm>>
    tpu.enqueue_indirect_dma source(%dma_start3A_38 : memref<150000x8xf32, #tpu.memory_space<hbm>>) target(%arg12 : memref<1200x8xf32, #tpu.memory_space<vmem>>) offsets(%dma_start3A_35 : memref<1200xi32, #tpu.memory_space<vmem>>) semaphore(%arg19 : memref<!tpu.dma_semaphore, #tpu.memory_space<semaphore_mem>>)
    %dma_wait3A_39 = arith.constant 0 : i32
    %dma_wait3A_40 = tpu.memref_slice %arg7[%dma_wait3A_39] : memref<9600xi32, #tpu.memory_space<vmem>> -> memref<1200xi32, #tpu.memory_space<vmem>>
    %dma_wait3A_41 = arith.constant 0 : i32
    %dma_wait3A_42 = arith.constant 0 : i32
    %dma_wait3A_43 = tpu.memref_slice %arg2[%dma_wait3A_41, %dma_wait3A_42] : memref<150000x8xf32, #tpu.memory_space<hbm>> -> memref<150000x8xf32, #tpu.memory_space<hbm>>
    tpu.wait_indirect_dma semaphore(%arg16 : memref<!tpu.dma_semaphore, #tpu.memory_space<semaphore_mem>>) src(%dma_wait3A_43 : memref<150000x8xf32, #tpu.memory_space<hbm>>) dst(%arg9 : memref<1200x8xf32, #tpu.memory_space<vmem>>)
    %scan3A = arith.constant 0 : i32
    %scan3A_44 = arith.constant 0 : i32
    %scan3A_45 = arith.constant 25 : i32
    %scan3A_46 = arith.addi %scan3A_44, %scan3A_45 : i32
    %scan3A_47 = arith.constant 1 : i32
    scf.for %scan3A_146 = %scan3A_44 to %scan3A_46 step %scan3A_47  : i32 {
      %mul3A_147 = arith.constant 16 : i32
      %mul3A_148 = arith.muli %scan3A_146, %mul3A_147 : i32
      %add3A_149 = arith.constant 0 : i32
      %add3A_150 = arith.addi %add3A_149, %mul3A_148 : i32
      %mul3A_151 = arith.constant 16 : i32
      %mul3A_152 = arith.muli %scan3A_146, %mul3A_151 : i32
      %iota3A = tpu.iota {dimensions = array<i32: 0>} : vector<16xi32>
      %add3A_153 = vector.broadcast %mul3A_152 : i32 to vector<16xi32>
      %add3A_154 = arith.addi %add3A_153, %iota3A : vector<16xi32>
      %broadcast_in_dim3A = arith.constant 0.000000e+00 : f32
      %broadcast_in_dim3A_155 = vector.broadcast %broadcast_in_dim3A : f32 to vector<16xf32>
      %broadcast_in_dim3A_156 = arith.constant 0.000000e+00 : f32
      %broadcast_in_dim3A_157 = vector.broadcast %broadcast_in_dim3A_156 : f32 to vector<16xf32>
      %broadcast_in_dim3A_158 = arith.constant 0.000000e+00 : f32
      %broadcast_in_dim3A_159 = vector.broadcast %broadcast_in_dim3A_158 : f32 to vector<16xf32>
      %broadcast_in_dim3A_160 = arith.constant 0.000000e+00 : f32
      %broadcast_in_dim3A_161 = vector.broadcast %broadcast_in_dim3A_160 : f32 to vector<16xf32>
      %broadcast_in_dim3A_162 = arith.constant 0.000000e+00 : f32
      %broadcast_in_dim3A_163 = vector.broadcast %broadcast_in_dim3A_162 : f32 to vector<16xf32>
      %broadcast_in_dim3A_164 = arith.constant 0.000000e+00 : f32
      %broadcast_in_dim3A_165 = vector.broadcast %broadcast_in_dim3A_164 : f32 to vector<16xf32>
      %broadcast_in_dim3A_166 = arith.constant 0.000000e+00 : f32
      %broadcast_in_dim3A_167 = vector.broadcast %broadcast_in_dim3A_166 : f32 to vector<16xf32>
      %add3A_168 = arith.constant 0 : i32
      %add3A_169 = vector.broadcast %add3A_168 : i32 to vector<16xi32>
      %add3A_170 = arith.addi %add3A_169, %add3A_154 : vector<16xi32>
      %broadcast_in_dim3A_171 = arith.constant 0 : i32
      %broadcast_in_dim3A_172 = vector.broadcast %broadcast_in_dim3A_171 : i32 to vector<16xi32>
      %gather3A = tpu.vector_load_idx %arg9[%add3A_170, %broadcast_in_dim3A_172] : memref<1200x8xf32, #tpu.memory_space<vmem>>[vector<16xi32>, vector<16xi32>], vector<16xf32>,
      %broadcast_in_dim3A_173 = arith.constant 1 : i32
      %broadcast_in_dim3A_174 = vector.broadcast %broadcast_in_dim3A_173 : i32 to vector<16xi32>
      %gather3A_175 = tpu.vector_load_idx %arg9[%add3A_170, %broadcast_in_dim3A_174] : memref<1200x8xf32, #tpu.memory_space<vmem>>[vector<16xi32>, vector<16xi32>], vector<16xf32>,
      %broadcast_in_dim3A_176 = arith.constant 2 : i32
      %broadcast_in_dim3A_177 = vector.broadcast %broadcast_in_dim3A_176 : i32 to vector<16xi32>
      %gather3A_178 = tpu.vector_load_idx %arg9[%add3A_170, %broadcast_in_dim3A_177] : memref<1200x8xf32, #tpu.memory_space<vmem>>[vector<16xi32>, vector<16xi32>], vector<16xf32>,
      %broadcast_in_dim3A_179 = arith.constant 3 : i32
      %broadcast_in_dim3A_180 = vector.broadcast %broadcast_in_dim3A_179 : i32 to vector<16xi32>
      %gather3A_181 = tpu.vector_load_idx %arg9[%add3A_170, %broadcast_in_dim3A_180] : memref<1200x8xf32, #tpu.memory_space<vmem>>[vector<16xi32>, vector<16xi32>], vector<16xf32>,
      %broadcast_in_dim3A_182 = arith.constant 4 : i32
      %broadcast_in_dim3A_183 = vector.broadcast %broadcast_in_dim3A_182 : i32 to vector<16xi32>
      %gather3A_184 = tpu.vector_load_idx %arg9[%add3A_170, %broadcast_in_dim3A_183] : memref<1200x8xf32, #tpu.memory_space<vmem>>[vector<16xi32>, vector<16xi32>], vector<16xf32>,
      %broadcast_in_dim3A_185 = arith.constant 5 : i32
      %broadcast_in_dim3A_186 = vector.broadcast %broadcast_in_dim3A_185 : i32 to vector<16xi32>
      %gather3A_187 = tpu.vector_load_idx %arg9[%add3A_170, %broadcast_in_dim3A_186] : memref<1200x8xf32, #tpu.memory_space<vmem>>[vector<16xi32>, vector<16xi32>], vector<16xf32>,
      %get3A = arith.constant 0 : i32
      %get3A_188 = arith.index_cast %get3A : i32 to index
      %get3A_189 = arith.index_cast %add3A_150 : i32 to index
      %get3A_190 = tpu.vector_load %arg8[%get3A_188, %get3A_189] {strides = array<i32>} : memref<8x3200xf32, #tpu.memory_space<vmem>>, vector<16xf32>,
      %get3A_191 = arith.constant 1 : i32
      %get3A_192 = arith.index_cast %get3A_191 : i32 to index
      %get3A_193 = arith.index_cast %add3A_150 : i32 to index
      %get3A_194 = tpu.vector_load %arg8[%get3A_192, %get3A_193] {strides = array<i32>} : memref<8x3200xf32, #tpu.memory_space<vmem>>, vector<16xf32>,
      %mul3A_195 = arith.mulf %gather3A, %get3A_190 : vector<16xf32>
      %mul3A_196 = arith.mulf %gather3A_175, %get3A_194 : vector<16xf32>
      %add3A_197 = arith.addf %mul3A_195, %mul3A_196 : vector<16xf32>
      %mul3A_198 = arith.mulf %add3A_197, %gather3A_187 : vector<16xf32>
      %mul3A_199 = arith.mulf %gather3A_178, %gather3A_187 : vector<16xf32>
      %add3A_200 = arith.addf %broadcast_in_dim3A_155, %mul3A_198 : vector<16xf32>
      %mul3A_201 = arith.mulf %gather3A, %mul3A_198 : vector<16xf32>
      %add3A_202 = arith.addf %broadcast_in_dim3A_157, %mul3A_201 : vector<16xf32>
      %mul3A_203 = arith.mulf %gather3A_175, %mul3A_198 : vector<16xf32>
      %add3A_204 = arith.addf %broadcast_in_dim3A_159, %mul3A_203 : vector<16xf32>
      %mul3A_205 = arith.mulf %mul3A_199, %get3A_190 : vector<16xf32>
      %add3A_206 = arith.addf %broadcast_in_dim3A_161, %mul3A_205 : vector<16xf32>
      %mul3A_207 = arith.mulf %mul3A_199, %get3A_194 : vector<16xf32>
      %add3A_208 = arith.addf %broadcast_in_dim3A_163, %mul3A_207 : vector<16xf32>
      %add3A_209 = arith.addf %broadcast_in_dim3A_165, %gather3A_181 : vector<16xf32>
      %add3A_210 = arith.addf %broadcast_in_dim3A_167, %gather3A_184 : vector<16xf32>
      %add3A_211 = arith.constant 400 : i32
      %add3A_212 = vector.broadcast %add3A_211 : i32 to vector<16xi32>
      %add3A_213 = arith.addi %add3A_212, %add3A_154 : vector<16xi32>
      %broadcast_in_dim3A_214 = arith.constant 0 : i32
      %broadcast_in_dim3A_215 = vector.broadcast %broadcast_in_dim3A_214 : i32 to vector<16xi32>
      %gather3A_216 = tpu.vector_load_idx %arg9[%add3A_213, %broadcast_in_dim3A_215] : memref<1200x8xf32, #tpu.memory_space<vmem>>[vector<16xi32>, vector<16xi32>], vector<16xf32>,
      %broadcast_in_dim3A_217 = arith.constant 1 : i32
      %broadcast_in_dim3A_218 = vector.broadcast %broadcast_in_dim3A_217 : i32 to vector<16xi32>
      %gather3A_219 = tpu.vector_load_idx %arg9[%add3A_213, %broadcast_in_dim3A_218] : memref<1200x8xf32, #tpu.memory_space<vmem>>[vector<16xi32>, vector<16xi32>], vector<16xf32>,
      %broadcast_in_dim3A_220 = arith.constant 2 : i32
      %broadcast_in_dim3A_221 = vector.broadcast %broadcast_in_dim3A_220 : i32 to vector<16xi32>
      %gather3A_222 = tpu.vector_load_idx %arg9[%add3A_213, %broadcast_in_dim3A_221] : memref<1200x8xf32, #tpu.memory_space<vmem>>[vector<16xi32>, vector<16xi32>], vector<16xf32>,
      %broadcast_in_dim3A_223 = arith.constant 3 : i32
      %broadcast_in_dim3A_224 = vector.broadcast %broadcast_in_dim3A_223 : i32 to vector<16xi32>
      %gather3A_225 = tpu.vector_load_idx %arg9[%add3A_213, %broadcast_in_dim3A_224] : memref<1200x8xf32, #tpu.memory_space<vmem>>[vector<16xi32>, vector<16xi32>], vector<16xf32>,
      %broadcast_in_dim3A_226 = arith.constant 4 : i32
      %broadcast_in_dim3A_227 = vector.broadcast %broadcast_in_dim3A_226 : i32 to vector<16xi32>
      %gather3A_228 = tpu.vector_load_idx %arg9[%add3A_213, %broadcast_in_dim3A_227] : memref<1200x8xf32, #tpu.memory_space<vmem>>[vector<16xi32>, vector<16xi32>], vector<16xf32>,
      %broadcast_in_dim3A_229 = arith.constant 5 : i32
      %broadcast_in_dim3A_230 = vector.broadcast %broadcast_in_dim3A_229 : i32 to vector<16xi32>
      %gather3A_231 = tpu.vector_load_idx %arg9[%add3A_213, %broadcast_in_dim3A_230] : memref<1200x8xf32, #tpu.memory_space<vmem>>[vector<16xi32>, vector<16xi32>], vector<16xf32>,
      %get3A_232 = arith.constant 2 : i32
      %get3A_233 = arith.index_cast %get3A_232 : i32 to index
      %get3A_234 = arith.index_cast %add3A_150 : i32 to index
      %get3A_235 = tpu.vector_load %arg8[%get3A_233, %get3A_234] {strides = array<i32>} : memref<8x3200xf32, #tpu.memory_space<vmem>>, vector<16xf32>,
      %get3A_236 = arith.constant 3 : i32
      %get3A_237 = arith.index_cast %get3A_236 : i32 to index
      %get3A_238 = arith.index_cast %add3A_150 : i32 to index
      %get3A_239 = tpu.vector_load %arg8[%get3A_237, %get3A_238] {strides = array<i32>} : memref<8x3200xf32, #tpu.memory_space<vmem>>, vector<16xf32>,
      %mul3A_240 = arith.mulf %gather3A_216, %get3A_235 : vector<16xf32>
      %mul3A_241 = arith.mulf %gather3A_219, %get3A_239 : vector<16xf32>
      %add3A_242 = arith.addf %mul3A_240, %mul3A_241 : vector<16xf32>
      %mul3A_243 = arith.mulf %add3A_242, %gather3A_231 : vector<16xf32>
      %mul3A_244 = arith.mulf %gather3A_222, %gather3A_231 : vector<16xf32>
      %add3A_245 = arith.addf %add3A_200, %mul3A_243 : vector<16xf32>
      %mul3A_246 = arith.mulf %gather3A_216, %mul3A_243 : vector<16xf32>
      %add3A_247 = arith.addf %add3A_202, %mul3A_246 : vector<16xf32>
      %mul3A_248 = arith.mulf %gather3A_219, %mul3A_243 : vector<16xf32>
      %add3A_249 = arith.addf %add3A_204, %mul3A_248 : vector<16xf32>
      %mul3A_250 = arith.mulf %mul3A_244, %get3A_235 : vector<16xf32>
      %add3A_251 = arith.addf %add3A_206, %mul3A_250 : vector<16xf32>
      %mul3A_252 = arith.mulf %mul3A_244, %get3A_239 : vector<16xf32>
      %add3A_253 = arith.addf %add3A_208, %mul3A_252 : vector<16xf32>
      %add3A_254 = arith.addf %add3A_209, %gather3A_225 : vector<16xf32>
      %add3A_255 = arith.addf %add3A_210, %gather3A_228 : vector<16xf32>
      %add3A_256 = arith.constant 800 : i32
      %add3A_257 = vector.broadcast %add3A_256 : i32 to vector<16xi32>
      %add3A_258 = arith.addi %add3A_257, %add3A_154 : vector<16xi32>
      %broadcast_in_dim3A_259 = arith.constant 0 : i32
      %broadcast_in_dim3A_260 = vector.broadcast %broadcast_in_dim3A_259 : i32 to vector<16xi32>
      %gather3A_261 = tpu.vector_load_idx %arg9[%add3A_258, %broadcast_in_dim3A_260] : memref<1200x8xf32, #tpu.memory_space<vmem>>[vector<16xi32>, vector<16xi32>], vector<16xf32>,
      %broadcast_in_dim3A_262 = arith.constant 1 : i32
      %broadcast_in_dim3A_263 = vector.broadcast %broadcast_in_dim3A_262 : i32 to vector<16xi32>
      %gather3A_264 = tpu.vector_load_idx %arg9[%add3A_258, %broadcast_in_dim3A_263] : memref<1200x8xf32, #tpu.memory_space<vmem>>[vector<16xi32>, vector<16xi32>], vector<16xf32>,
      %broadcast_in_dim3A_265 = arith.constant 2 : i32
      %broadcast_in_dim3A_266 = vector.broadcast %broadcast_in_dim3A_265 : i32 to vector<16xi32>
      %gather3A_267 = tpu.vector_load_idx %arg9[%add3A_258, %broadcast_in_dim3A_266] : memref<1200x8xf32, #tpu.memory_space<vmem>>[vector<16xi32>, vector<16xi32>], vector<16xf32>,
      %broadcast_in_dim3A_268 = arith.constant 3 : i32
      %broadcast_in_dim3A_269 = vector.broadcast %broadcast_in_dim3A_268 : i32 to vector<16xi32>
      %gather3A_270 = tpu.vector_load_idx %arg9[%add3A_258, %broadcast_in_dim3A_269] : memref<1200x8xf32, #tpu.memory_space<vmem>>[vector<16xi32>, vector<16xi32>], vector<16xf32>,
      %broadcast_in_dim3A_271 = arith.constant 4 : i32
      %broadcast_in_dim3A_272 = vector.broadcast %broadcast_in_dim3A_271 : i32 to vector<16xi32>
      %gather3A_273 = tpu.vector_load_idx %arg9[%add3A_258, %broadcast_in_dim3A_272] : memref<1200x8xf32, #tpu.memory_space<vmem>>[vector<16xi32>, vector<16xi32>], vector<16xf32>,
      %broadcast_in_dim3A_274 = arith.constant 5 : i32
      %broadcast_in_dim3A_275 = vector.broadcast %broadcast_in_dim3A_274 : i32 to vector<16xi32>
      %gather3A_276 = tpu.vector_load_idx %arg9[%add3A_258, %broadcast_in_dim3A_275] : memref<1200x8xf32, #tpu.memory_space<vmem>>[vector<16xi32>, vector<16xi32>], vector<16xf32>,
      %get3A_277 = arith.constant 4 : i32
      %get3A_278 = arith.index_cast %get3A_277 : i32 to index
      %get3A_279 = arith.index_cast %add3A_150 : i32 to index
      %get3A_280 = tpu.vector_load %arg8[%get3A_278, %get3A_279] {strides = array<i32>} : memref<8x3200xf32, #tpu.memory_space<vmem>>, vector<16xf32>,
      %get3A_281 = arith.constant 5 : i32
      %get3A_282 = arith.index_cast %get3A_281 : i32 to index
      %get3A_283 = arith.index_cast %add3A_150 : i32 to index
      %get3A_284 = tpu.vector_load %arg8[%get3A_282, %get3A_283] {strides = array<i32>} : memref<8x3200xf32, #tpu.memory_space<vmem>>, vector<16xf32>,
      %mul3A_285 = arith.mulf %gather3A_261, %get3A_280 : vector<16xf32>
      %mul3A_286 = arith.mulf %gather3A_264, %get3A_284 : vector<16xf32>
      %add3A_287 = arith.addf %mul3A_285, %mul3A_286 : vector<16xf32>
      %mul3A_288 = arith.mulf %add3A_287, %gather3A_276 : vector<16xf32>
      %mul3A_289 = arith.mulf %gather3A_267, %gather3A_276 : vector<16xf32>
      %add3A_290 = arith.addf %add3A_245, %mul3A_288 : vector<16xf32>
      %mul3A_291 = arith.mulf %gather3A_261, %mul3A_288 : vector<16xf32>
      %add3A_292 = arith.addf %add3A_247, %mul3A_291 : vector<16xf32>
      %mul3A_293 = arith.mulf %gather3A_264, %mul3A_288 : vector<16xf32>
      %add3A_294 = arith.addf %add3A_249, %mul3A_293 : vector<16xf32>
      %mul3A_295 = arith.mulf %mul3A_289, %get3A_280 : vector<16xf32>
      %add3A_296 = arith.addf %add3A_251, %mul3A_295 : vector<16xf32>
      %mul3A_297 = arith.mulf %mul3A_289, %get3A_284 : vector<16xf32>
      %add3A_298 = arith.addf %add3A_253, %mul3A_297 : vector<16xf32>
      %add3A_299 = arith.addf %add3A_254, %gather3A_270 : vector<16xf32>
      %add3A_300 = arith.addf %add3A_255, %gather3A_273 : vector<16xf32>
      %get3A_301 = arith.constant 6 : i32
      %get3A_302 = arith.index_cast %get3A_301 : i32 to index
      %get3A_303 = arith.index_cast %add3A_150 : i32 to index
      %get3A_304 = tpu.vector_load %arg8[%get3A_302, %get3A_303] {strides = array<i32>} : memref<8x3200xf32, #tpu.memory_space<vmem>>, vector<16xf32>,
      %div3A = arith.constant 1.000000e+00 : f32
      %div3A_305 = vector.broadcast %div3A : f32 to vector<16xf32>
      %div3A_306 = arith.divf %div3A_305, %get3A_304 : vector<16xf32>
      %get3A_307 = arith.constant 7 : i32
      %get3A_308 = arith.index_cast %get3A_307 : i32 to index
      %get3A_309 = arith.index_cast %add3A_150 : i32 to index
      %get3A_310 = tpu.vector_load %arg8[%get3A_308, %get3A_309] {strides = array<i32>} : memref<8x3200xf32, #tpu.memory_space<vmem>>, vector<16xf32>,
      %neg3A = arith.constant 0.000000e+00 : f32
      %neg3A_311 = vector.broadcast %neg3A : f32 to vector<16xf32>
      %neg3A_312 = arith.subf %neg3A_311, %add3A_292 : vector<16xf32>
      %mul3A_313 = arith.mulf %add3A_296, %div3A_306 : vector<16xf32>
      %sub3A = arith.subf %neg3A_312, %mul3A_313 : vector<16xf32>
      %mul3A_314 = arith.mulf %get3A_310, %sub3A : vector<16xf32>
      %add3A_315 = arith.addf %mul3A_314, %add3A_299 : vector<16xf32>
      %neg3A_316 = arith.constant 0.000000e+00 : f32
      %neg3A_317 = vector.broadcast %neg3A_316 : f32 to vector<16xf32>
      %neg3A_318 = arith.subf %neg3A_317, %add3A_294 : vector<16xf32>
      %mul3A_319 = arith.mulf %add3A_298, %div3A_306 : vector<16xf32>
      %sub3A_320 = arith.subf %neg3A_318, %mul3A_319 : vector<16xf32>
      %mul3A_321 = arith.mulf %get3A_310, %sub3A_320 : vector<16xf32>
      %add3A_322 = arith.addf %mul3A_321, %add3A_300 : vector<16xf32>
      %swap3A = arith.index_cast %add3A_150 : i32 to index
      %swap3A_323 = tpu.vector_load %arg13[%swap3A] {strides = array<i32>} : memref<3200xf32, #tpu.memory_space<vmem>>, vector<16xf32>,
      tpu.vector_store %arg13[%swap3A], %add3A_290 {strides = array<i32>} : memref<3200xf32, #tpu.memory_space<vmem>>, vector<16xf32>,
      %add3A_324 = arith.constant 0 : i32
      %add3A_325 = vector.broadcast %add3A_324 : i32 to vector<16xi32>
      %add3A_326 = arith.addi %add3A_325, %add3A_154 : vector<16xi32>
      %broadcast_in_dim3A_327 = arith.constant 0 : i32
      %broadcast_in_dim3A_328 = vector.broadcast %broadcast_in_dim3A_327 : i32 to vector<16xi32>
      tpu.vector_store_idx %arg14[%add3A_326, %broadcast_in_dim3A_328], %add3A_315 : memref<3200x2xf32, #tpu.memory_space<vmem>>[vector<16xi32>, vector<16xi32>], vector<16xf32>,
      %broadcast_in_dim3A_329 = arith.constant 1 : i32
      %broadcast_in_dim3A_330 = vector.broadcast %broadcast_in_dim3A_329 : i32 to vector<16xi32>
      tpu.vector_store_idx %arg14[%add3A_326, %broadcast_in_dim3A_330], %add3A_322 : memref<3200x2xf32, #tpu.memory_space<vmem>>[vector<16xi32>, vector<16xi32>], vector<16xf32>,
    }
    %scan3A_48 = arith.constant 25 : i32
    %dma_start3A_49 = arith.constant 4800 : i32
    %dma_start3A_50 = tpu.memref_slice %arg7[%dma_start3A_49] : memref<9600xi32, #tpu.memory_space<vmem>> -> memref<1200xi32, #tpu.memory_space<vmem>>
    %dma_start3A_51 = arith.constant 0 : i32
    %dma_start3A_52 = arith.constant 0 : i32
    %dma_start3A_53 = tpu.memref_slice %arg2[%dma_start3A_51, %dma_start3A_52] : memref<150000x8xf32, #tpu.memory_space<hbm>> -> memref<150000x8xf32, #tpu.memory_space<hbm>>
    tpu.enqueue_indirect_dma source(%dma_start3A_53 : memref<150000x8xf32, #tpu.memory_space<hbm>>) target(%arg9 : memref<1200x8xf32, #tpu.memory_space<vmem>>) offsets(%dma_start3A_50 : memref<1200xi32, #tpu.memory_space<vmem>>) semaphore(%arg16 : memref<!tpu.dma_semaphore, #tpu.memory_space<semaphore_mem>>)
    %dma_wait3A_54 = arith.constant 1200 : i32
    %dma_wait3A_55 = tpu.memref_slice %arg7[%dma_wait3A_54] : memref<9600xi32, #tpu.memory_space<vmem>> -> memref<1200xi32, #tpu.memory_space<vmem>>
    %dma_wait3A_56 = arith.constant 0 : i32
    %dma_wait3A_57 = arith.constant 0 : i32
    %dma_wait3A_58 = tpu.memref_slice %arg2[%dma_wait3A_56, %dma_wait3A_57] : memref<150000x8xf32, #tpu.memory_space<hbm>> -> memref<150000x8xf32, #tpu.memory_space<hbm>>
    tpu.wait_indirect_dma semaphore(%arg17 : memref<!tpu.dma_semaphore, #tpu.memory_space<semaphore_mem>>) src(%dma_wait3A_58 : memref<150000x8xf32, #tpu.memory_space<hbm>>) dst(%arg10 : memref<1200x8xf32, #tpu.memory_space<vmem>>)
    %scan3A_59 = arith.constant 0 : i32
    %scan3A_60 = arith.constant 0 : i32
    %scan3A_61 = arith.constant 25 : i32
    %scan3A_62 = arith.addi %scan3A_60, %scan3A_61 : i32
    %scan3A_63 = arith.constant 1 : i32
    scf.for %scan3A_146 = %scan3A_60 to %scan3A_62 step %scan3A_63  : i32 {
      %mul3A_147 = arith.constant 16 : i32
      %mul3A_148 = arith.muli %scan3A_146, %mul3A_147 : i32
      %add3A_149 = arith.constant 400 : i32
      %add3A_150 = arith.addi %add3A_149, %mul3A_148 : i32
      %mul3A_151 = arith.constant 16 : i32
      %mul3A_152 = arith.muli %scan3A_146, %mul3A_151 : i32
      %iota3A = tpu.iota {dimensions = array<i32: 0>} : vector<16xi32>
      %add3A_153 = vector.broadcast %mul3A_152 : i32 to vector<16xi32>
      %add3A_154 = arith.addi %add3A_153, %iota3A : vector<16xi32>
      %broadcast_in_dim3A = arith.constant 0.000000e+00 : f32
      %broadcast_in_dim3A_155 = vector.broadcast %broadcast_in_dim3A : f32 to vector<16xf32>
      %broadcast_in_dim3A_156 = arith.constant 0.000000e+00 : f32
      %broadcast_in_dim3A_157 = vector.broadcast %broadcast_in_dim3A_156 : f32 to vector<16xf32>
      %broadcast_in_dim3A_158 = arith.constant 0.000000e+00 : f32
      %broadcast_in_dim3A_159 = vector.broadcast %broadcast_in_dim3A_158 : f32 to vector<16xf32>
      %broadcast_in_dim3A_160 = arith.constant 0.000000e+00 : f32
      %broadcast_in_dim3A_161 = vector.broadcast %broadcast_in_dim3A_160 : f32 to vector<16xf32>
      %broadcast_in_dim3A_162 = arith.constant 0.000000e+00 : f32
      %broadcast_in_dim3A_163 = vector.broadcast %broadcast_in_dim3A_162 : f32 to vector<16xf32>
      %broadcast_in_dim3A_164 = arith.constant 0.000000e+00 : f32
      %broadcast_in_dim3A_165 = vector.broadcast %broadcast_in_dim3A_164 : f32 to vector<16xf32>
      %broadcast_in_dim3A_166 = arith.constant 0.000000e+00 : f32
      %broadcast_in_dim3A_167 = vector.broadcast %broadcast_in_dim3A_166 : f32 to vector<16xf32>
      %add3A_168 = arith.constant 0 : i32
      %add3A_169 = vector.broadcast %add3A_168 : i32 to vector<16xi32>
      %add3A_170 = arith.addi %add3A_169, %add3A_154 : vector<16xi32>
      %broadcast_in_dim3A_171 = arith.constant 0 : i32
      %broadcast_in_dim3A_172 = vector.broadcast %broadcast_in_dim3A_171 : i32 to vector<16xi32>
      %gather3A = tpu.vector_load_idx %arg10[%add3A_170, %broadcast_in_dim3A_172] : memref<1200x8xf32, #tpu.memory_space<vmem>>[vector<16xi32>, vector<16xi32>], vector<16xf32>,
      %broadcast_in_dim3A_173 = arith.constant 1 : i32
      %broadcast_in_dim3A_174 = vector.broadcast %broadcast_in_dim3A_173 : i32 to vector<16xi32>
      %gather3A_175 = tpu.vector_load_idx %arg10[%add3A_170, %broadcast_in_dim3A_174] : memref<1200x8xf32, #tpu.memory_space<vmem>>[vector<16xi32>, vector<16xi32>], vector<16xf32>,
      %broadcast_in_dim3A_176 = arith.constant 2 : i32
      %broadcast_in_dim3A_177 = vector.broadcast %broadcast_in_dim3A_176 : i32 to vector<16xi32>
      %gather3A_178 = tpu.vector_load_idx %arg10[%add3A_170, %broadcast_in_dim3A_177] : memref<1200x8xf32, #tpu.memory_space<vmem>>[vector<16xi32>, vector<16xi32>], vector<16xf32>,
      %broadcast_in_dim3A_179 = arith.constant 3 : i32
      %broadcast_in_dim3A_180 = vector.broadcast %broadcast_in_dim3A_179 : i32 to vector<16xi32>
      %gather3A_181 = tpu.vector_load_idx %arg10[%add3A_170, %broadcast_in_dim3A_180] : memref<1200x8xf32, #tpu.memory_space<vmem>>[vector<16xi32>, vector<16xi32>], vector<16xf32>,
      %broadcast_in_dim3A_182 = arith.constant 4 : i32
      %broadcast_in_dim3A_183 = vector.broadcast %broadcast_in_dim3A_182 : i32 to vector<16xi32>
      %gather3A_184 = tpu.vector_load_idx %arg10[%add3A_170, %broadcast_in_dim3A_183] : memref<1200x8xf32, #tpu.memory_space<vmem>>[vector<16xi32>, vector<16xi32>], vector<16xf32>,
      %broadcast_in_dim3A_185 = arith.constant 5 : i32
      %broadcast_in_dim3A_186 = vector.broadcast %broadcast_in_dim3A_185 : i32 to vector<16xi32>
      %gather3A_187 = tpu.vector_load_idx %arg10[%add3A_170, %broadcast_in_dim3A_186] : memref<1200x8xf32, #tpu.memory_space<vmem>>[vector<16xi32>, vector<16xi32>], vector<16xf32>,
      %get3A = arith.constant 0 : i32
      %get3A_188 = arith.index_cast %get3A : i32 to index
      %get3A_189 = arith.index_cast %add3A_150 : i32 to index
      %get3A_190 = tpu.vector_load %arg8[%get3A_188, %get3A_189] {strides = array<i32>} : memref<8x3200xf32, #tpu.memory_space<vmem>>, vector<16xf32>,
      %get3A_191 = arith.constant 1 : i32
      %get3A_192 = arith.index_cast %get3A_191 : i32 to index
      %get3A_193 = arith.index_cast %add3A_150 : i32 to index
      %get3A_194 = tpu.vector_load %arg8[%get3A_192, %get3A_193] {strides = array<i32>} : memref<8x3200xf32, #tpu.memory_space<vmem>>, vector<16xf32>,
      %mul3A_195 = arith.mulf %gather3A, %get3A_190 : vector<16xf32>
      %mul3A_196 = arith.mulf %gather3A_175, %get3A_194 : vector<16xf32>
      %add3A_197 = arith.addf %mul3A_195, %mul3A_196 : vector<16xf32>
      %mul3A_198 = arith.mulf %add3A_197, %gather3A_187 : vector<16xf32>
      %mul3A_199 = arith.mulf %gather3A_178, %gather3A_187 : vector<16xf32>
      %add3A_200 = arith.addf %broadcast_in_dim3A_155, %mul3A_198 : vector<16xf32>
      %mul3A_201 = arith.mulf %gather3A, %mul3A_198 : vector<16xf32>
      %add3A_202 = arith.addf %broadcast_in_dim3A_157, %mul3A_201 : vector<16xf32>
      %mul3A_203 = arith.mulf %gather3A_175, %mul3A_198 : vector<16xf32>
      %add3A_204 = arith.addf %broadcast_in_dim3A_159, %mul3A_203 : vector<16xf32>
      %mul3A_205 = arith.mulf %mul3A_199, %get3A_190 : vector<16xf32>
      %add3A_206 = arith.addf %broadcast_in_dim3A_161, %mul3A_205 : vector<16xf32>
      %mul3A_207 = arith.mulf %mul3A_199, %get3A_194 : vector<16xf32>
      %add3A_208 = arith.addf %broadcast_in_dim3A_163, %mul3A_207 : vector<16xf32>
      %add3A_209 = arith.addf %broadcast_in_dim3A_165, %gather3A_181 : vector<16xf32>
      %add3A_210 = arith.addf %broadcast_in_dim3A_167, %gather3A_184 : vector<16xf32>
      %add3A_211 = arith.constant 400 : i32
      %add3A_212 = vector.broadcast %add3A_211 : i32 to vector<16xi32>
      %add3A_213 = arith.addi %add3A_212, %add3A_154 : vector<16xi32>
      %broadcast_in_dim3A_214 = arith.constant 0 : i32
      %broadcast_in_dim3A_215 = vector.broadcast %broadcast_in_dim3A_214 : i32 to vector<16xi32>
      %gather3A_216 = tpu.vector_load_idx %arg10[%add3A_213, %broadcast_in_dim3A_215] : memref<1200x8xf32, #tpu.memory_space<vmem>>[vector<16xi32>, vector<16xi32>], vector<16xf32>,
      %broadcast_in_dim3A_217 = arith.constant 1 : i32
      %broadcast_in_dim3A_218 = vector.broadcast %broadcast_in_dim3A_217 : i32 to vector<16xi32>
      %gather3A_219 = tpu.vector_load_idx %arg10[%add3A_213, %broadcast_in_dim3A_218] : memref<1200x8xf32, #tpu.memory_space<vmem>>[vector<16xi32>, vector<16xi32>], vector<16xf32>,
      %broadcast_in_dim3A_220 = arith.constant 2 : i32
      %broadcast_in_dim3A_221 = vector.broadcast %broadcast_in_dim3A_220 : i32 to vector<16xi32>
      %gather3A_222 = tpu.vector_load_idx %arg10[%add3A_213, %broadcast_in_dim3A_221] : memref<1200x8xf32, #tpu.memory_space<vmem>>[vector<16xi32>, vector<16xi32>], vector<16xf32>,
      %broadcast_in_dim3A_223 = arith.constant 3 : i32
      %broadcast_in_dim3A_224 = vector.broadcast %broadcast_in_dim3A_223 : i32 to vector<16xi32>
      %gather3A_225 = tpu.vector_load_idx %arg10[%add3A_213, %broadcast_in_dim3A_224] : memref<1200x8xf32, #tpu.memory_space<vmem>>[vector<16xi32>, vector<16xi32>], vector<16xf32>,
      %broadcast_in_dim3A_226 = arith.constant 4 : i32
      %broadcast_in_dim3A_227 = vector.broadcast %broadcast_in_dim3A_226 : i32 to vector<16xi32>
      %gather3A_228 = tpu.vector_load_idx %arg10[%add3A_213, %broadcast_in_dim3A_227] : memref<1200x8xf32, #tpu.memory_space<vmem>>[vector<16xi32>, vector<16xi32>], vector<16xf32>,
      %broadcast_in_dim3A_229 = arith.constant 5 : i32
      %broadcast_in_dim3A_230 = vector.broadcast %broadcast_in_dim3A_229 : i32 to vector<16xi32>
      %gather3A_231 = tpu.vector_load_idx %arg10[%add3A_213, %broadcast_in_dim3A_230] : memref<1200x8xf32, #tpu.memory_space<vmem>>[vector<16xi32>, vector<16xi32>], vector<16xf32>,
      %get3A_232 = arith.constant 2 : i32
      %get3A_233 = arith.index_cast %get3A_232 : i32 to index
      %get3A_234 = arith.index_cast %add3A_150 : i32 to index
      %get3A_235 = tpu.vector_load %arg8[%get3A_233, %get3A_234] {strides = array<i32>} : memref<8x3200xf32, #tpu.memory_space<vmem>>, vector<16xf32>,
      %get3A_236 = arith.constant 3 : i32
      %get3A_237 = arith.index_cast %get3A_236 : i32 to index
      %get3A_238 = arith.index_cast %add3A_150 : i32 to index
      %get3A_239 = tpu.vector_load %arg8[%get3A_237, %get3A_238] {strides = array<i32>} : memref<8x3200xf32, #tpu.memory_space<vmem>>, vector<16xf32>,
      %mul3A_240 = arith.mulf %gather3A_216, %get3A_235 : vector<16xf32>
      %mul3A_241 = arith.mulf %gather3A_219, %get3A_239 : vector<16xf32>
      %add3A_242 = arith.addf %mul3A_240, %mul3A_241 : vector<16xf32>
      %mul3A_243 = arith.mulf %add3A_242, %gather3A_231 : vector<16xf32>
      %mul3A_244 = arith.mulf %gather3A_222, %gather3A_231 : vector<16xf32>
      %add3A_245 = arith.addf %add3A_200, %mul3A_243 : vector<16xf32>
      %mul3A_246 = arith.mulf %gather3A_216, %mul3A_243 : vector<16xf32>
      %add3A_247 = arith.addf %add3A_202, %mul3A_246 : vector<16xf32>
      %mul3A_248 = arith.mulf %gather3A_219, %mul3A_243 : vector<16xf32>
      %add3A_249 = arith.addf %add3A_204, %mul3A_248 : vector<16xf32>
      %mul3A_250 = arith.mulf %mul3A_244, %get3A_235 : vector<16xf32>
      %add3A_251 = arith.addf %add3A_206, %mul3A_250 : vector<16xf32>
      %mul3A_252 = arith.mulf %mul3A_244, %get3A_239 : vector<16xf32>
      %add3A_253 = arith.addf %add3A_208, %mul3A_252 : vector<16xf32>
      %add3A_254 = arith.addf %add3A_209, %gather3A_225 : vector<16xf32>
      %add3A_255 = arith.addf %add3A_210, %gather3A_228 : vector<16xf32>
      %add3A_256 = arith.constant 800 : i32
      %add3A_257 = vector.broadcast %add3A_256 : i32 to vector<16xi32>
      %add3A_258 = arith.addi %add3A_257, %add3A_154 : vector<16xi32>
      %broadcast_in_dim3A_259 = arith.constant 0 : i32
      %broadcast_in_dim3A_260 = vector.broadcast %broadcast_in_dim3A_259 : i32 to vector<16xi32>
      %gather3A_261 = tpu.vector_load_idx %arg10[%add3A_258, %broadcast_in_dim3A_260] : memref<1200x8xf32, #tpu.memory_space<vmem>>[vector<16xi32>, vector<16xi32>], vector<16xf32>,
      %broadcast_in_dim3A_262 = arith.constant 1 : i32
      %broadcast_in_dim3A_263 = vector.broadcast %broadcast_in_dim3A_262 : i32 to vector<16xi32>
      %gather3A_264 = tpu.vector_load_idx %arg10[%add3A_258, %broadcast_in_dim3A_263] : memref<1200x8xf32, #tpu.memory_space<vmem>>[vector<16xi32>, vector<16xi32>], vector<16xf32>,
      %broadcast_in_dim3A_265 = arith.constant 2 : i32
      %broadcast_in_dim3A_266 = vector.broadcast %broadcast_in_dim3A_265 : i32 to vector<16xi32>
      %gather3A_267 = tpu.vector_load_idx %arg10[%add3A_258, %broadcast_in_dim3A_266] : memref<1200x8xf32, #tpu.memory_space<vmem>>[vector<16xi32>, vector<16xi32>], vector<16xf32>,
      %broadcast_in_dim3A_268 = arith.constant 3 : i32
      %broadcast_in_dim3A_269 = vector.broadcast %broadcast_in_dim3A_268 : i32 to vector<16xi32>
      %gather3A_270 = tpu.vector_load_idx %arg10[%add3A_258, %broadcast_in_dim3A_269] : memref<1200x8xf32, #tpu.memory_space<vmem>>[vector<16xi32>, vector<16xi32>], vector<16xf32>,
      %broadcast_in_dim3A_271 = arith.constant 4 : i32
      %broadcast_in_dim3A_272 = vector.broadcast %broadcast_in_dim3A_271 : i32 to vector<16xi32>
      %gather3A_273 = tpu.vector_load_idx %arg10[%add3A_258, %broadcast_in_dim3A_272] : memref<1200x8xf32, #tpu.memory_space<vmem>>[vector<16xi32>, vector<16xi32>], vector<16xf32>,
      %broadcast_in_dim3A_274 = arith.constant 5 : i32
      %broadcast_in_dim3A_275 = vector.broadcast %broadcast_in_dim3A_274 : i32 to vector<16xi32>
      %gather3A_276 = tpu.vector_load_idx %arg10[%add3A_258, %broadcast_in_dim3A_275] : memref<1200x8xf32, #tpu.memory_space<vmem>>[vector<16xi32>, vector<16xi32>], vector<16xf32>,
      %get3A_277 = arith.constant 4 : i32
      %get3A_278 = arith.index_cast %get3A_277 : i32 to index
      %get3A_279 = arith.index_cast %add3A_150 : i32 to index
      %get3A_280 = tpu.vector_load %arg8[%get3A_278, %get3A_279] {strides = array<i32>} : memref<8x3200xf32, #tpu.memory_space<vmem>>, vector<16xf32>,
      %get3A_281 = arith.constant 5 : i32
      %get3A_282 = arith.index_cast %get3A_281 : i32 to index
      %get3A_283 = arith.index_cast %add3A_150 : i32 to index
      %get3A_284 = tpu.vector_load %arg8[%get3A_282, %get3A_283] {strides = array<i32>} : memref<8x3200xf32, #tpu.memory_space<vmem>>, vector<16xf32>,
      %mul3A_285 = arith.mulf %gather3A_261, %get3A_280 : vector<16xf32>
      %mul3A_286 = arith.mulf %gather3A_264, %get3A_284 : vector<16xf32>
      %add3A_287 = arith.addf %mul3A_285, %mul3A_286 : vector<16xf32>
      %mul3A_288 = arith.mulf %add3A_287, %gather3A_276 : vector<16xf32>
      %mul3A_289 = arith.mulf %gather3A_267, %gather3A_276 : vector<16xf32>
      %add3A_290 = arith.addf %add3A_245, %mul3A_288 : vector<16xf32>
      %mul3A_291 = arith.mulf %gather3A_261, %mul3A_288 : vector<16xf32>
      %add3A_292 = arith.addf %add3A_247, %mul3A_291 : vector<16xf32>
      %mul3A_293 = arith.mulf %gather3A_264, %mul3A_288 : vector<16xf32>
      %add3A_294 = arith.addf %add3A_249, %mul3A_293 : vector<16xf32>
      %mul3A_295 = arith.mulf %mul3A_289, %get3A_280 : vector<16xf32>
      %add3A_296 = arith.addf %add3A_251, %mul3A_295 : vector<16xf32>
      %mul3A_297 = arith.mulf %mul3A_289, %get3A_284 : vector<16xf32>
      %add3A_298 = arith.addf %add3A_253, %mul3A_297 : vector<16xf32>
      %add3A_299 = arith.addf %add3A_254, %gather3A_270 : vector<16xf32>
      %add3A_300 = arith.addf %add3A_255, %gather3A_273 : vector<16xf32>
      %get3A_301 = arith.constant 6 : i32
      %get3A_302 = arith.index_cast %get3A_301 : i32 to index
      %get3A_303 = arith.index_cast %add3A_150 : i32 to index
      %get3A_304 = tpu.vector_load %arg8[%get3A_302, %get3A_303] {strides = array<i32>} : memref<8x3200xf32, #tpu.memory_space<vmem>>, vector<16xf32>,
      %div3A = arith.constant 1.000000e+00 : f32
      %div3A_305 = vector.broadcast %div3A : f32 to vector<16xf32>
      %div3A_306 = arith.divf %div3A_305, %get3A_304 : vector<16xf32>
      %get3A_307 = arith.constant 7 : i32
      %get3A_308 = arith.index_cast %get3A_307 : i32 to index
      %get3A_309 = arith.index_cast %add3A_150 : i32 to index
      %get3A_310 = tpu.vector_load %arg8[%get3A_308, %get3A_309] {strides = array<i32>} : memref<8x3200xf32, #tpu.memory_space<vmem>>, vector<16xf32>,
      %neg3A = arith.constant 0.000000e+00 : f32
      %neg3A_311 = vector.broadcast %neg3A : f32 to vector<16xf32>
      %neg3A_312 = arith.subf %neg3A_311, %add3A_292 : vector<16xf32>
      %mul3A_313 = arith.mulf %add3A_296, %div3A_306 : vector<16xf32>
      %sub3A = arith.subf %neg3A_312, %mul3A_313 : vector<16xf32>
      %mul3A_314 = arith.mulf %get3A_310, %sub3A : vector<16xf32>
      %add3A_315 = arith.addf %mul3A_314, %add3A_299 : vector<16xf32>
      %neg3A_316 = arith.constant 0.000000e+00 : f32
      %neg3A_317 = vector.broadcast %neg3A_316 : f32 to vector<16xf32>
      %neg3A_318 = arith.subf %neg3A_317, %add3A_294 : vector<16xf32>
      %mul3A_319 = arith.mulf %add3A_298, %div3A_306 : vector<16xf32>
      %sub3A_320 = arith.subf %neg3A_318, %mul3A_319 : vector<16xf32>
      %mul3A_321 = arith.mulf %get3A_310, %sub3A_320 : vector<16xf32>
      %add3A_322 = arith.addf %mul3A_321, %add3A_300 : vector<16xf32>
      %swap3A = arith.index_cast %add3A_150 : i32 to index
      %swap3A_323 = tpu.vector_load %arg13[%swap3A] {strides = array<i32>} : memref<3200xf32, #tpu.memory_space<vmem>>, vector<16xf32>,
      tpu.vector_store %arg13[%swap3A], %add3A_290 {strides = array<i32>} : memref<3200xf32, #tpu.memory_space<vmem>>, vector<16xf32>,
      %add3A_324 = arith.constant 400 : i32
      %add3A_325 = vector.broadcast %add3A_324 : i32 to vector<16xi32>
      %add3A_326 = arith.addi %add3A_325, %add3A_154 : vector<16xi32>
      %broadcast_in_dim3A_327 = arith.constant 0 : i32
      %broadcast_in_dim3A_328 = vector.broadcast %broadcast_in_dim3A_327 : i32 to vector<16xi32>
      tpu.vector_store_idx %arg14[%add3A_326, %broadcast_in_dim3A_328], %add3A_315 : memref<3200x2xf32, #tpu.memory_space<vmem>>[vector<16xi32>, vector<16xi32>], vector<16xf32>,
      %broadcast_in_dim3A_329 = arith.constant 1 : i32
      %broadcast_in_dim3A_330 = vector.broadcast %broadcast_in_dim3A_329 : i32 to vector<16xi32>
      tpu.vector_store_idx %arg14[%add3A_326, %broadcast_in_dim3A_330], %add3A_322 : memref<3200x2xf32, #tpu.memory_space<vmem>>[vector<16xi32>, vector<16xi32>], vector<16xf32>,
    }
    %scan3A_64 = arith.constant 25 : i32
    %dma_start3A_65 = arith.constant 6000 : i32
    %dma_start3A_66 = tpu.memref_slice %arg7[%dma_start3A_65] : memref<9600xi32, #tpu.memory_space<vmem>> -> memref<1200xi32, #tpu.memory_space<vmem>>
    %dma_start3A_67 = arith.constant 0 : i32
    %dma_start3A_68 = arith.constant 0 : i32
    %dma_start3A_69 = tpu.memref_slice %arg2[%dma_start3A_67, %dma_start3A_68] : memref<150000x8xf32, #tpu.memory_space<hbm>> -> memref<150000x8xf32, #tpu.memory_space<hbm>>
    tpu.enqueue_indirect_dma source(%dma_start3A_69 : memref<150000x8xf32, #tpu.memory_space<hbm>>) target(%arg10 : memref<1200x8xf32, #tpu.memory_space<vmem>>) offsets(%dma_start3A_66 : memref<1200xi32, #tpu.memory_space<vmem>>) semaphore(%arg17 : memref<!tpu.dma_semaphore, #tpu.memory_space<semaphore_mem>>)
    %dma_wait3A_70 = arith.constant 2400 : i32
    %dma_wait3A_71 = tpu.memref_slice %arg7[%dma_wait3A_70] : memref<9600xi32, #tpu.memory_space<vmem>> -> memref<1200xi32, #tpu.memory_space<vmem>>
    %dma_wait3A_72 = arith.constant 0 : i32
    %dma_wait3A_73 = arith.constant 0 : i32
    %dma_wait3A_74 = tpu.memref_slice %arg2[%dma_wait3A_72, %dma_wait3A_73] : memref<150000x8xf32, #tpu.memory_space<hbm>> -> memref<150000x8xf32, #tpu.memory_space<hbm>>
    tpu.wait_indirect_dma semaphore(%arg18 : memref<!tpu.dma_semaphore, #tpu.memory_space<semaphore_mem>>) src(%dma_wait3A_74 : memref<150000x8xf32, #tpu.memory_space<hbm>>) dst(%arg11 : memref<1200x8xf32, #tpu.memory_space<vmem>>)
    %scan3A_75 = arith.constant 0 : i32
    %scan3A_76 = arith.constant 0 : i32
    %scan3A_77 = arith.constant 25 : i32
    %scan3A_78 = arith.addi %scan3A_76, %scan3A_77 : i32
    %scan3A_79 = arith.constant 1 : i32
    scf.for %scan3A_146 = %scan3A_76 to %scan3A_78 step %scan3A_79  : i32 {
      %mul3A_147 = arith.constant 16 : i32
      %mul3A_148 = arith.muli %scan3A_146, %mul3A_147 : i32
      %add3A_149 = arith.constant 800 : i32
      %add3A_150 = arith.addi %add3A_149, %mul3A_148 : i32
      %mul3A_151 = arith.constant 16 : i32
      %mul3A_152 = arith.muli %scan3A_146, %mul3A_151 : i32
      %iota3A = tpu.iota {dimensions = array<i32: 0>} : vector<16xi32>
      %add3A_153 = vector.broadcast %mul3A_152 : i32 to vector<16xi32>
      %add3A_154 = arith.addi %add3A_153, %iota3A : vector<16xi32>
      %broadcast_in_dim3A = arith.constant 0.000000e+00 : f32
      %broadcast_in_dim3A_155 = vector.broadcast %broadcast_in_dim3A : f32 to vector<16xf32>
      %broadcast_in_dim3A_156 = arith.constant 0.000000e+00 : f32
      %broadcast_in_dim3A_157 = vector.broadcast %broadcast_in_dim3A_156 : f32 to vector<16xf32>
      %broadcast_in_dim3A_158 = arith.constant 0.000000e+00 : f32
      %broadcast_in_dim3A_159 = vector.broadcast %broadcast_in_dim3A_158 : f32 to vector<16xf32>
      %broadcast_in_dim3A_160 = arith.constant 0.000000e+00 : f32
      %broadcast_in_dim3A_161 = vector.broadcast %broadcast_in_dim3A_160 : f32 to vector<16xf32>
      %broadcast_in_dim3A_162 = arith.constant 0.000000e+00 : f32
      %broadcast_in_dim3A_163 = vector.broadcast %broadcast_in_dim3A_162 : f32 to vector<16xf32>
      %broadcast_in_dim3A_164 = arith.constant 0.000000e+00 : f32
      %broadcast_in_dim3A_165 = vector.broadcast %broadcast_in_dim3A_164 : f32 to vector<16xf32>
      %broadcast_in_dim3A_166 = arith.constant 0.000000e+00 : f32
      %broadcast_in_dim3A_167 = vector.broadcast %broadcast_in_dim3A_166 : f32 to vector<16xf32>
      %add3A_168 = arith.constant 0 : i32
      %add3A_169 = vector.broadcast %add3A_168 : i32 to vector<16xi32>
      %add3A_170 = arith.addi %add3A_169, %add3A_154 : vector<16xi32>
      %broadcast_in_dim3A_171 = arith.constant 0 : i32
      %broadcast_in_dim3A_172 = vector.broadcast %broadcast_in_dim3A_171 : i32 to vector<16xi32>
      %gather3A = tpu.vector_load_idx %arg11[%add3A_170, %broadcast_in_dim3A_172] : memref<1200x8xf32, #tpu.memory_space<vmem>>[vector<16xi32>, vector<16xi32>], vector<16xf32>,
      %broadcast_in_dim3A_173 = arith.constant 1 : i32
      %broadcast_in_dim3A_174 = vector.broadcast %broadcast_in_dim3A_173 : i32 to vector<16xi32>
      %gather3A_175 = tpu.vector_load_idx %arg11[%add3A_170, %broadcast_in_dim3A_174] : memref<1200x8xf32, #tpu.memory_space<vmem>>[vector<16xi32>, vector<16xi32>], vector<16xf32>,
      %broadcast_in_dim3A_176 = arith.constant 2 : i32
      %broadcast_in_dim3A_177 = vector.broadcast %broadcast_in_dim3A_176 : i32 to vector<16xi32>
      %gather3A_178 = tpu.vector_load_idx %arg11[%add3A_170, %broadcast_in_dim3A_177] : memref<1200x8xf32, #tpu.memory_space<vmem>>[vector<16xi32>, vector<16xi32>], vector<16xf32>,
      %broadcast_in_dim3A_179 = arith.constant 3 : i32
      %broadcast_in_dim3A_180 = vector.broadcast %broadcast_in_dim3A_179 : i32 to vector<16xi32>
      %gather3A_181 = tpu.vector_load_idx %arg11[%add3A_170, %broadcast_in_dim3A_180] : memref<1200x8xf32, #tpu.memory_space<vmem>>[vector<16xi32>, vector<16xi32>], vector<16xf32>,
      %broadcast_in_dim3A_182 = arith.constant 4 : i32
      %broadcast_in_dim3A_183 = vector.broadcast %broadcast_in_dim3A_182 : i32 to vector<16xi32>
      %gather3A_184 = tpu.vector_load_idx %arg11[%add3A_170, %broadcast_in_dim3A_183] : memref<1200x8xf32, #tpu.memory_space<vmem>>[vector<16xi32>, vector<16xi32>], vector<16xf32>,
      %broadcast_in_dim3A_185 = arith.constant 5 : i32
      %broadcast_in_dim3A_186 = vector.broadcast %broadcast_in_dim3A_185 : i32 to vector<16xi32>
      %gather3A_187 = tpu.vector_load_idx %arg11[%add3A_170, %broadcast_in_dim3A_186] : memref<1200x8xf32, #tpu.memory_space<vmem>>[vector<16xi32>, vector<16xi32>], vector<16xf32>,
      %get3A = arith.constant 0 : i32
      %get3A_188 = arith.index_cast %get3A : i32 to index
      %get3A_189 = arith.index_cast %add3A_150 : i32 to index
      %get3A_190 = tpu.vector_load %arg8[%get3A_188, %get3A_189] {strides = array<i32>} : memref<8x3200xf32, #tpu.memory_space<vmem>>, vector<16xf32>,
      %get3A_191 = arith.constant 1 : i32
      %get3A_192 = arith.index_cast %get3A_191 : i32 to index
      %get3A_193 = arith.index_cast %add3A_150 : i32 to index
      %get3A_194 = tpu.vector_load %arg8[%get3A_192, %get3A_193] {strides = array<i32>} : memref<8x3200xf32, #tpu.memory_space<vmem>>, vector<16xf32>,
      %mul3A_195 = arith.mulf %gather3A, %get3A_190 : vector<16xf32>
      %mul3A_196 = arith.mulf %gather3A_175, %get3A_194 : vector<16xf32>
      %add3A_197 = arith.addf %mul3A_195, %mul3A_196 : vector<16xf32>
      %mul3A_198 = arith.mulf %add3A_197, %gather3A_187 : vector<16xf32>
      %mul3A_199 = arith.mulf %gather3A_178, %gather3A_187 : vector<16xf32>
      %add3A_200 = arith.addf %broadcast_in_dim3A_155, %mul3A_198 : vector<16xf32>
      %mul3A_201 = arith.mulf %gather3A, %mul3A_198 : vector<16xf32>
      %add3A_202 = arith.addf %broadcast_in_dim3A_157, %mul3A_201 : vector<16xf32>
      %mul3A_203 = arith.mulf %gather3A_175, %mul3A_198 : vector<16xf32>
      %add3A_204 = arith.addf %broadcast_in_dim3A_159, %mul3A_203 : vector<16xf32>
      %mul3A_205 = arith.mulf %mul3A_199, %get3A_190 : vector<16xf32>
      %add3A_206 = arith.addf %broadcast_in_dim3A_161, %mul3A_205 : vector<16xf32>
      %mul3A_207 = arith.mulf %mul3A_199, %get3A_194 : vector<16xf32>
      %add3A_208 = arith.addf %broadcast_in_dim3A_163, %mul3A_207 : vector<16xf32>
      %add3A_209 = arith.addf %broadcast_in_dim3A_165, %gather3A_181 : vector<16xf32>
      %add3A_210 = arith.addf %broadcast_in_dim3A_167, %gather3A_184 : vector<16xf32>
      %add3A_211 = arith.constant 400 : i32
      %add3A_212 = vector.broadcast %add3A_211 : i32 to vector<16xi32>
      %add3A_213 = arith.addi %add3A_212, %add3A_154 : vector<16xi32>
      %broadcast_in_dim3A_214 = arith.constant 0 : i32
      %broadcast_in_dim3A_215 = vector.broadcast %broadcast_in_dim3A_214 : i32 to vector<16xi32>
      %gather3A_216 = tpu.vector_load_idx %arg11[%add3A_213, %broadcast_in_dim3A_215] : memref<1200x8xf32, #tpu.memory_space<vmem>>[vector<16xi32>, vector<16xi32>], vector<16xf32>,
      %broadcast_in_dim3A_217 = arith.constant 1 : i32
      %broadcast_in_dim3A_218 = vector.broadcast %broadcast_in_dim3A_217 : i32 to vector<16xi32>
      %gather3A_219 = tpu.vector_load_idx %arg11[%add3A_213, %broadcast_in_dim3A_218] : memref<1200x8xf32, #tpu.memory_space<vmem>>[vector<16xi32>, vector<16xi32>], vector<16xf32>,
      %broadcast_in_dim3A_220 = arith.constant 2 : i32
      %broadcast_in_dim3A_221 = vector.broadcast %broadcast_in_dim3A_220 : i32 to vector<16xi32>
      %gather3A_222 = tpu.vector_load_idx %arg11[%add3A_213, %broadcast_in_dim3A_221] : memref<1200x8xf32, #tpu.memory_space<vmem>>[vector<16xi32>, vector<16xi32>], vector<16xf32>,
      %broadcast_in_dim3A_223 = arith.constant 3 : i32
      %broadcast_in_dim3A_224 = vector.broadcast %broadcast_in_dim3A_223 : i32 to vector<16xi32>
      %gather3A_225 = tpu.vector_load_idx %arg11[%add3A_213, %broadcast_in_dim3A_224] : memref<1200x8xf32, #tpu.memory_space<vmem>>[vector<16xi32>, vector<16xi32>], vector<16xf32>,
      %broadcast_in_dim3A_226 = arith.constant 4 : i32
      %broadcast_in_dim3A_227 = vector.broadcast %broadcast_in_dim3A_226 : i32 to vector<16xi32>
      %gather3A_228 = tpu.vector_load_idx %arg11[%add3A_213, %broadcast_in_dim3A_227] : memref<1200x8xf32, #tpu.memory_space<vmem>>[vector<16xi32>, vector<16xi32>], vector<16xf32>,
      %broadcast_in_dim3A_229 = arith.constant 5 : i32
      %broadcast_in_dim3A_230 = vector.broadcast %broadcast_in_dim3A_229 : i32 to vector<16xi32>
      %gather3A_231 = tpu.vector_load_idx %arg11[%add3A_213, %broadcast_in_dim3A_230] : memref<1200x8xf32, #tpu.memory_space<vmem>>[vector<16xi32>, vector<16xi32>], vector<16xf32>,
      %get3A_232 = arith.constant 2 : i32
      %get3A_233 = arith.index_cast %get3A_232 : i32 to index
      %get3A_234 = arith.index_cast %add3A_150 : i32 to index
      %get3A_235 = tpu.vector_load %arg8[%get3A_233, %get3A_234] {strides = array<i32>} : memref<8x3200xf32, #tpu.memory_space<vmem>>, vector<16xf32>,
      %get3A_236 = arith.constant 3 : i32
      %get3A_237 = arith.index_cast %get3A_236 : i32 to index
      %get3A_238 = arith.index_cast %add3A_150 : i32 to index
      %get3A_239 = tpu.vector_load %arg8[%get3A_237, %get3A_238] {strides = array<i32>} : memref<8x3200xf32, #tpu.memory_space<vmem>>, vector<16xf32>,
      %mul3A_240 = arith.mulf %gather3A_216, %get3A_235 : vector<16xf32>
      %mul3A_241 = arith.mulf %gather3A_219, %get3A_239 : vector<16xf32>
      %add3A_242 = arith.addf %mul3A_240, %mul3A_241 : vector<16xf32>
      %mul3A_243 = arith.mulf %add3A_242, %gather3A_231 : vector<16xf32>
      %mul3A_244 = arith.mulf %gather3A_222, %gather3A_231 : vector<16xf32>
      %add3A_245 = arith.addf %add3A_200, %mul3A_243 : vector<16xf32>
      %mul3A_246 = arith.mulf %gather3A_216, %mul3A_243 : vector<16xf32>
      %add3A_247 = arith.addf %add3A_202, %mul3A_246 : vector<16xf32>
      %mul3A_248 = arith.mulf %gather3A_219, %mul3A_243 : vector<16xf32>
      %add3A_249 = arith.addf %add3A_204, %mul3A_248 : vector<16xf32>
      %mul3A_250 = arith.mulf %mul3A_244, %get3A_235 : vector<16xf32>
      %add3A_251 = arith.addf %add3A_206, %mul3A_250 : vector<16xf32>
      %mul3A_252 = arith.mulf %mul3A_244, %get3A_239 : vector<16xf32>
      %add3A_253 = arith.addf %add3A_208, %mul3A_252 : vector<16xf32>
      %add3A_254 = arith.addf %add3A_209, %gather3A_225 : vector<16xf32>
      %add3A_255 = arith.addf %add3A_210, %gather3A_228 : vector<16xf32>
      %add3A_256 = arith.constant 800 : i32
      %add3A_257 = vector.broadcast %add3A_256 : i32 to vector<16xi32>
      %add3A_258 = arith.addi %add3A_257, %add3A_154 : vector<16xi32>
      %broadcast_in_dim3A_259 = arith.constant 0 : i32
      %broadcast_in_dim3A_260 = vector.broadcast %broadcast_in_dim3A_259 : i32 to vector<16xi32>
      %gather3A_261 = tpu.vector_load_idx %arg11[%add3A_258, %broadcast_in_dim3A_260] : memref<1200x8xf32, #tpu.memory_space<vmem>>[vector<16xi32>, vector<16xi32>], vector<16xf32>,
      %broadcast_in_dim3A_262 = arith.constant 1 : i32
      %broadcast_in_dim3A_263 = vector.broadcast %broadcast_in_dim3A_262 : i32 to vector<16xi32>
      %gather3A_264 = tpu.vector_load_idx %arg11[%add3A_258, %broadcast_in_dim3A_263] : memref<1200x8xf32, #tpu.memory_space<vmem>>[vector<16xi32>, vector<16xi32>], vector<16xf32>,
      %broadcast_in_dim3A_265 = arith.constant 2 : i32
      %broadcast_in_dim3A_266 = vector.broadcast %broadcast_in_dim3A_265 : i32 to vector<16xi32>
      %gather3A_267 = tpu.vector_load_idx %arg11[%add3A_258, %broadcast_in_dim3A_266] : memref<1200x8xf32, #tpu.memory_space<vmem>>[vector<16xi32>, vector<16xi32>], vector<16xf32>,
      %broadcast_in_dim3A_268 = arith.constant 3 : i32
      %broadcast_in_dim3A_269 = vector.broadcast %broadcast_in_dim3A_268 : i32 to vector<16xi32>
      %gather3A_270 = tpu.vector_load_idx %arg11[%add3A_258, %broadcast_in_dim3A_269] : memref<1200x8xf32, #tpu.memory_space<vmem>>[vector<16xi32>, vector<16xi32>], vector<16xf32>,
      %broadcast_in_dim3A_271 = arith.constant 4 : i32
      %broadcast_in_dim3A_272 = vector.broadcast %broadcast_in_dim3A_271 : i32 to vector<16xi32>
      %gather3A_273 = tpu.vector_load_idx %arg11[%add3A_258, %broadcast_in_dim3A_272] : memref<1200x8xf32, #tpu.memory_space<vmem>>[vector<16xi32>, vector<16xi32>], vector<16xf32>,
      %broadcast_in_dim3A_274 = arith.constant 5 : i32
      %broadcast_in_dim3A_275 = vector.broadcast %broadcast_in_dim3A_274 : i32 to vector<16xi32>
      %gather3A_276 = tpu.vector_load_idx %arg11[%add3A_258, %broadcast_in_dim3A_275] : memref<1200x8xf32, #tpu.memory_space<vmem>>[vector<16xi32>, vector<16xi32>], vector<16xf32>,
      %get3A_277 = arith.constant 4 : i32
      %get3A_278 = arith.index_cast %get3A_277 : i32 to index
      %get3A_279 = arith.index_cast %add3A_150 : i32 to index
      %get3A_280 = tpu.vector_load %arg8[%get3A_278, %get3A_279] {strides = array<i32>} : memref<8x3200xf32, #tpu.memory_space<vmem>>, vector<16xf32>,
      %get3A_281 = arith.constant 5 : i32
      %get3A_282 = arith.index_cast %get3A_281 : i32 to index
      %get3A_283 = arith.index_cast %add3A_150 : i32 to index
      %get3A_284 = tpu.vector_load %arg8[%get3A_282, %get3A_283] {strides = array<i32>} : memref<8x3200xf32, #tpu.memory_space<vmem>>, vector<16xf32>,
      %mul3A_285 = arith.mulf %gather3A_261, %get3A_280 : vector<16xf32>
      %mul3A_286 = arith.mulf %gather3A_264, %get3A_284 : vector<16xf32>
      %add3A_287 = arith.addf %mul3A_285, %mul3A_286 : vector<16xf32>
      %mul3A_288 = arith.mulf %add3A_287, %gather3A_276 : vector<16xf32>
      %mul3A_289 = arith.mulf %gather3A_267, %gather3A_276 : vector<16xf32>
      %add3A_290 = arith.addf %add3A_245, %mul3A_288 : vector<16xf32>
      %mul3A_291 = arith.mulf %gather3A_261, %mul3A_288 : vector<16xf32>
      %add3A_292 = arith.addf %add3A_247, %mul3A_291 : vector<16xf32>
      %mul3A_293 = arith.mulf %gather3A_264, %mul3A_288 : vector<16xf32>
      %add3A_294 = arith.addf %add3A_249, %mul3A_293 : vector<16xf32>
      %mul3A_295 = arith.mulf %mul3A_289, %get3A_280 : vector<16xf32>
      %add3A_296 = arith.addf %add3A_251, %mul3A_295 : vector<16xf32>
      %mul3A_297 = arith.mulf %mul3A_289, %get3A_284 : vector<16xf32>
      %add3A_298 = arith.addf %add3A_253, %mul3A_297 : vector<16xf32>
      %add3A_299 = arith.addf %add3A_254, %gather3A_270 : vector<16xf32>
      %add3A_300 = arith.addf %add3A_255, %gather3A_273 : vector<16xf32>
      %get3A_301 = arith.constant 6 : i32
      %get3A_302 = arith.index_cast %get3A_301 : i32 to index
      %get3A_303 = arith.index_cast %add3A_150 : i32 to index
      %get3A_304 = tpu.vector_load %arg8[%get3A_302, %get3A_303] {strides = array<i32>} : memref<8x3200xf32, #tpu.memory_space<vmem>>, vector<16xf32>,
      %div3A = arith.constant 1.000000e+00 : f32
      %div3A_305 = vector.broadcast %div3A : f32 to vector<16xf32>
      %div3A_306 = arith.divf %div3A_305, %get3A_304 : vector<16xf32>
      %get3A_307 = arith.constant 7 : i32
      %get3A_308 = arith.index_cast %get3A_307 : i32 to index
      %get3A_309 = arith.index_cast %add3A_150 : i32 to index
      %get3A_310 = tpu.vector_load %arg8[%get3A_308, %get3A_309] {strides = array<i32>} : memref<8x3200xf32, #tpu.memory_space<vmem>>, vector<16xf32>,
      %neg3A = arith.constant 0.000000e+00 : f32
      %neg3A_311 = vector.broadcast %neg3A : f32 to vector<16xf32>
      %neg3A_312 = arith.subf %neg3A_311, %add3A_292 : vector<16xf32>
      %mul3A_313 = arith.mulf %add3A_296, %div3A_306 : vector<16xf32>
      %sub3A = arith.subf %neg3A_312, %mul3A_313 : vector<16xf32>
      %mul3A_314 = arith.mulf %get3A_310, %sub3A : vector<16xf32>
      %add3A_315 = arith.addf %mul3A_314, %add3A_299 : vector<16xf32>
      %neg3A_316 = arith.constant 0.000000e+00 : f32
      %neg3A_317 = vector.broadcast %neg3A_316 : f32 to vector<16xf32>
      %neg3A_318 = arith.subf %neg3A_317, %add3A_294 : vector<16xf32>
      %mul3A_319 = arith.mulf %add3A_298, %div3A_306 : vector<16xf32>
      %sub3A_320 = arith.subf %neg3A_318, %mul3A_319 : vector<16xf32>
      %mul3A_321 = arith.mulf %get3A_310, %sub3A_320 : vector<16xf32>
      %add3A_322 = arith.addf %mul3A_321, %add3A_300 : vector<16xf32>
      %swap3A = arith.index_cast %add3A_150 : i32 to index
      %swap3A_323 = tpu.vector_load %arg13[%swap3A] {strides = array<i32>} : memref<3200xf32, #tpu.memory_space<vmem>>, vector<16xf32>,
      tpu.vector_store %arg13[%swap3A], %add3A_290 {strides = array<i32>} : memref<3200xf32, #tpu.memory_space<vmem>>, vector<16xf32>,
      %add3A_324 = arith.constant 800 : i32
      %add3A_325 = vector.broadcast %add3A_324 : i32 to vector<16xi32>
      %add3A_326 = arith.addi %add3A_325, %add3A_154 : vector<16xi32>
      %broadcast_in_dim3A_327 = arith.constant 0 : i32
      %broadcast_in_dim3A_328 = vector.broadcast %broadcast_in_dim3A_327 : i32 to vector<16xi32>
      tpu.vector_store_idx %arg14[%add3A_326, %broadcast_in_dim3A_328], %add3A_315 : memref<3200x2xf32, #tpu.memory_space<vmem>>[vector<16xi32>, vector<16xi32>], vector<16xf32>,
      %broadcast_in_dim3A_329 = arith.constant 1 : i32
      %broadcast_in_dim3A_330 = vector.broadcast %broadcast_in_dim3A_329 : i32 to vector<16xi32>
      tpu.vector_store_idx %arg14[%add3A_326, %broadcast_in_dim3A_330], %add3A_322 : memref<3200x2xf32, #tpu.memory_space<vmem>>[vector<16xi32>, vector<16xi32>], vector<16xf32>,
    }
    %scan3A_80 = arith.constant 25 : i32
    %dma_start3A_81 = arith.constant 7200 : i32
    %dma_start3A_82 = tpu.memref_slice %arg7[%dma_start3A_81] : memref<9600xi32, #tpu.memory_space<vmem>> -> memref<1200xi32, #tpu.memory_space<vmem>>
    %dma_start3A_83 = arith.constant 0 : i32
    %dma_start3A_84 = arith.constant 0 : i32
    %dma_start3A_85 = tpu.memref_slice %arg2[%dma_start3A_83, %dma_start3A_84] : memref<150000x8xf32, #tpu.memory_space<hbm>> -> memref<150000x8xf32, #tpu.memory_space<hbm>>
    tpu.enqueue_indirect_dma source(%dma_start3A_85 : memref<150000x8xf32, #tpu.memory_space<hbm>>) target(%arg11 : memref<1200x8xf32, #tpu.memory_space<vmem>>) offsets(%dma_start3A_82 : memref<1200xi32, #tpu.memory_space<vmem>>) semaphore(%arg18 : memref<!tpu.dma_semaphore, #tpu.memory_space<semaphore_mem>>)
    %dma_wait3A_86 = arith.constant 3600 : i32
    %dma_wait3A_87 = tpu.memref_slice %arg7[%dma_wait3A_86] : memref<9600xi32, #tpu.memory_space<vmem>> -> memref<1200xi32, #tpu.memory_space<vmem>>
    %dma_wait3A_88 = arith.constant 0 : i32
    %dma_wait3A_89 = arith.constant 0 : i32
    %dma_wait3A_90 = tpu.memref_slice %arg2[%dma_wait3A_88, %dma_wait3A_89] : memref<150000x8xf32, #tpu.memory_space<hbm>> -> memref<150000x8xf32, #tpu.memory_space<hbm>>
    tpu.wait_indirect_dma semaphore(%arg19 : memref<!tpu.dma_semaphore, #tpu.memory_space<semaphore_mem>>) src(%dma_wait3A_90 : memref<150000x8xf32, #tpu.memory_space<hbm>>) dst(%arg12 : memref<1200x8xf32, #tpu.memory_space<vmem>>)
    %scan3A_91 = arith.constant 0 : i32
    %scan3A_92 = arith.constant 0 : i32
    %scan3A_93 = arith.constant 25 : i32
    %scan3A_94 = arith.addi %scan3A_92, %scan3A_93 : i32
    %scan3A_95 = arith.constant 1 : i32
    scf.for %scan3A_146 = %scan3A_92 to %scan3A_94 step %scan3A_95  : i32 {
      %mul3A_147 = arith.constant 16 : i32
      %mul3A_148 = arith.muli %scan3A_146, %mul3A_147 : i32
      %add3A_149 = arith.constant 1200 : i32
      %add3A_150 = arith.addi %add3A_149, %mul3A_148 : i32
      %mul3A_151 = arith.constant 16 : i32
      %mul3A_152 = arith.muli %scan3A_146, %mul3A_151 : i32
      %iota3A = tpu.iota {dimensions = array<i32: 0>} : vector<16xi32>
      %add3A_153 = vector.broadcast %mul3A_152 : i32 to vector<16xi32>
      %add3A_154 = arith.addi %add3A_153, %iota3A : vector<16xi32>
      %broadcast_in_dim3A = arith.constant 0.000000e+00 : f32
      %broadcast_in_dim3A_155 = vector.broadcast %broadcast_in_dim3A : f32 to vector<16xf32>
      %broadcast_in_dim3A_156 = arith.constant 0.000000e+00 : f32
      %broadcast_in_dim3A_157 = vector.broadcast %broadcast_in_dim3A_156 : f32 to vector<16xf32>
      %broadcast_in_dim3A_158 = arith.constant 0.000000e+00 : f32
      %broadcast_in_dim3A_159 = vector.broadcast %broadcast_in_dim3A_158 : f32 to vector<16xf32>
      %broadcast_in_dim3A_160 = arith.constant 0.000000e+00 : f32
      %broadcast_in_dim3A_161 = vector.broadcast %broadcast_in_dim3A_160 : f32 to vector<16xf32>
      %broadcast_in_dim3A_162 = arith.constant 0.000000e+00 : f32
      %broadcast_in_dim3A_163 = vector.broadcast %broadcast_in_dim3A_162 : f32 to vector<16xf32>
      %broadcast_in_dim3A_164 = arith.constant 0.000000e+00 : f32
      %broadcast_in_dim3A_165 = vector.broadcast %broadcast_in_dim3A_164 : f32 to vector<16xf32>
      %broadcast_in_dim3A_166 = arith.constant 0.000000e+00 : f32
      %broadcast_in_dim3A_167 = vector.broadcast %broadcast_in_dim3A_166 : f32 to vector<16xf32>
      %add3A_168 = arith.constant 0 : i32
      %add3A_169 = vector.broadcast %add3A_168 : i32 to vector<16xi32>
      %add3A_170 = arith.addi %add3A_169, %add3A_154 : vector<16xi32>
      %broadcast_in_dim3A_171 = arith.constant 0 : i32
      %broadcast_in_dim3A_172 = vector.broadcast %broadcast_in_dim3A_171 : i32 to vector<16xi32>
      %gather3A = tpu.vector_load_idx %arg12[%add3A_170, %broadcast_in_dim3A_172] : memref<1200x8xf32, #tpu.memory_space<vmem>>[vector<16xi32>, vector<16xi32>], vector<16xf32>,
      %broadcast_in_dim3A_173 = arith.constant 1 : i32
      %broadcast_in_dim3A_174 = vector.broadcast %broadcast_in_dim3A_173 : i32 to vector<16xi32>
      %gather3A_175 = tpu.vector_load_idx %arg12[%add3A_170, %broadcast_in_dim3A_174] : memref<1200x8xf32, #tpu.memory_space<vmem>>[vector<16xi32>, vector<16xi32>], vector<16xf32>,
      %broadcast_in_dim3A_176 = arith.constant 2 : i32
      %broadcast_in_dim3A_177 = vector.broadcast %broadcast_in_dim3A_176 : i32 to vector<16xi32>
      %gather3A_178 = tpu.vector_load_idx %arg12[%add3A_170, %broadcast_in_dim3A_177] : memref<1200x8xf32, #tpu.memory_space<vmem>>[vector<16xi32>, vector<16xi32>], vector<16xf32>,
      %broadcast_in_dim3A_179 = arith.constant 3 : i32
      %broadcast_in_dim3A_180 = vector.broadcast %broadcast_in_dim3A_179 : i32 to vector<16xi32>
      %gather3A_181 = tpu.vector_load_idx %arg12[%add3A_170, %broadcast_in_dim3A_180] : memref<1200x8xf32, #tpu.memory_space<vmem>>[vector<16xi32>, vector<16xi32>], vector<16xf32>,
      %broadcast_in_dim3A_182 = arith.constant 4 : i32
      %broadcast_in_dim3A_183 = vector.broadcast %broadcast_in_dim3A_182 : i32 to vector<16xi32>
      %gather3A_184 = tpu.vector_load_idx %arg12[%add3A_170, %broadcast_in_dim3A_183] : memref<1200x8xf32, #tpu.memory_space<vmem>>[vector<16xi32>, vector<16xi32>], vector<16xf32>,
      %broadcast_in_dim3A_185 = arith.constant 5 : i32
      %broadcast_in_dim3A_186 = vector.broadcast %broadcast_in_dim3A_185 : i32 to vector<16xi32>
      %gather3A_187 = tpu.vector_load_idx %arg12[%add3A_170, %broadcast_in_dim3A_186] : memref<1200x8xf32, #tpu.memory_space<vmem>>[vector<16xi32>, vector<16xi32>], vector<16xf32>,
      %get3A = arith.constant 0 : i32
      %get3A_188 = arith.index_cast %get3A : i32 to index
      %get3A_189 = arith.index_cast %add3A_150 : i32 to index
      %get3A_190 = tpu.vector_load %arg8[%get3A_188, %get3A_189] {strides = array<i32>} : memref<8x3200xf32, #tpu.memory_space<vmem>>, vector<16xf32>,
      %get3A_191 = arith.constant 1 : i32
      %get3A_192 = arith.index_cast %get3A_191 : i32 to index
      %get3A_193 = arith.index_cast %add3A_150 : i32 to index
      %get3A_194 = tpu.vector_load %arg8[%get3A_192, %get3A_193] {strides = array<i32>} : memref<8x3200xf32, #tpu.memory_space<vmem>>, vector<16xf32>,
      %mul3A_195 = arith.mulf %gather3A, %get3A_190 : vector<16xf32>
      %mul3A_196 = arith.mulf %gather3A_175, %get3A_194 : vector<16xf32>
      %add3A_197 = arith.addf %mul3A_195, %mul3A_196 : vector<16xf32>
      %mul3A_198 = arith.mulf %add3A_197, %gather3A_187 : vector<16xf32>
      %mul3A_199 = arith.mulf %gather3A_178, %gather3A_187 : vector<16xf32>
      %add3A_200 = arith.addf %broadcast_in_dim3A_155, %mul3A_198 : vector<16xf32>
      %mul3A_201 = arith.mulf %gather3A, %mul3A_198 : vector<16xf32>
      %add3A_202 = arith.addf %broadcast_in_dim3A_157, %mul3A_201 : vector<16xf32>
      %mul3A_203 = arith.mulf %gather3A_175, %mul3A_198 : vector<16xf32>
      %add3A_204 = arith.addf %broadcast_in_dim3A_159, %mul3A_203 : vector<16xf32>
      %mul3A_205 = arith.mulf %mul3A_199, %get3A_190 : vector<16xf32>
      %add3A_206 = arith.addf %broadcast_in_dim3A_161, %mul3A_205 : vector<16xf32>
      %mul3A_207 = arith.mulf %mul3A_199, %get3A_194 : vector<16xf32>
      %add3A_208 = arith.addf %broadcast_in_dim3A_163, %mul3A_207 : vector<16xf32>
      %add3A_209 = arith.addf %broadcast_in_dim3A_165, %gather3A_181 : vector<16xf32>
      %add3A_210 = arith.addf %broadcast_in_dim3A_167, %gather3A_184 : vector<16xf32>
      %add3A_211 = arith.constant 400 : i32
      %add3A_212 = vector.broadcast %add3A_211 : i32 to vector<16xi32>
      %add3A_213 = arith.addi %add3A_212, %add3A_154 : vector<16xi32>
      %broadcast_in_dim3A_214 = arith.constant 0 : i32
      %broadcast_in_dim3A_215 = vector.broadcast %broadcast_in_dim3A_214 : i32 to vector<16xi32>
      %gather3A_216 = tpu.vector_load_idx %arg12[%add3A_213, %broadcast_in_dim3A_215] : memref<1200x8xf32, #tpu.memory_space<vmem>>[vector<16xi32>, vector<16xi32>], vector<16xf32>,
      %broadcast_in_dim3A_217 = arith.constant 1 : i32
      %broadcast_in_dim3A_218 = vector.broadcast %broadcast_in_dim3A_217 : i32 to vector<16xi32>
      %gather3A_219 = tpu.vector_load_idx %arg12[%add3A_213, %broadcast_in_dim3A_218] : memref<1200x8xf32, #tpu.memory_space<vmem>>[vector<16xi32>, vector<16xi32>], vector<16xf32>,
      %broadcast_in_dim3A_220 = arith.constant 2 : i32
      %broadcast_in_dim3A_221 = vector.broadcast %broadcast_in_dim3A_220 : i32 to vector<16xi32>
      %gather3A_222 = tpu.vector_load_idx %arg12[%add3A_213, %broadcast_in_dim3A_221] : memref<1200x8xf32, #tpu.memory_space<vmem>>[vector<16xi32>, vector<16xi32>], vector<16xf32>,
      %broadcast_in_dim3A_223 = arith.constant 3 : i32
      %broadcast_in_dim3A_224 = vector.broadcast %broadcast_in_dim3A_223 : i32 to vector<16xi32>
      %gather3A_225 = tpu.vector_load_idx %arg12[%add3A_213, %broadcast_in_dim3A_224] : memref<1200x8xf32, #tpu.memory_space<vmem>>[vector<16xi32>, vector<16xi32>], vector<16xf32>,
      %broadcast_in_dim3A_226 = arith.constant 4 : i32
      %broadcast_in_dim3A_227 = vector.broadcast %broadcast_in_dim3A_226 : i32 to vector<16xi32>
      %gather3A_228 = tpu.vector_load_idx %arg12[%add3A_213, %broadcast_in_dim3A_227] : memref<1200x8xf32, #tpu.memory_space<vmem>>[vector<16xi32>, vector<16xi32>], vector<16xf32>,
      %broadcast_in_dim3A_229 = arith.constant 5 : i32
      %broadcast_in_dim3A_230 = vector.broadcast %broadcast_in_dim3A_229 : i32 to vector<16xi32>
      %gather3A_231 = tpu.vector_load_idx %arg12[%add3A_213, %broadcast_in_dim3A_230] : memref<1200x8xf32, #tpu.memory_space<vmem>>[vector<16xi32>, vector<16xi32>], vector<16xf32>,
      %get3A_232 = arith.constant 2 : i32
      %get3A_233 = arith.index_cast %get3A_232 : i32 to index
      %get3A_234 = arith.index_cast %add3A_150 : i32 to index
      %get3A_235 = tpu.vector_load %arg8[%get3A_233, %get3A_234] {strides = array<i32>} : memref<8x3200xf32, #tpu.memory_space<vmem>>, vector<16xf32>,
      %get3A_236 = arith.constant 3 : i32
      %get3A_237 = arith.index_cast %get3A_236 : i32 to index
      %get3A_238 = arith.index_cast %add3A_150 : i32 to index
      %get3A_239 = tpu.vector_load %arg8[%get3A_237, %get3A_238] {strides = array<i32>} : memref<8x3200xf32, #tpu.memory_space<vmem>>, vector<16xf32>,
      %mul3A_240 = arith.mulf %gather3A_216, %get3A_235 : vector<16xf32>
      %mul3A_241 = arith.mulf %gather3A_219, %get3A_239 : vector<16xf32>
      %add3A_242 = arith.addf %mul3A_240, %mul3A_241 : vector<16xf32>
      %mul3A_243 = arith.mulf %add3A_242, %gather3A_231 : vector<16xf32>
      %mul3A_244 = arith.mulf %gather3A_222, %gather3A_231 : vector<16xf32>
      %add3A_245 = arith.addf %add3A_200, %mul3A_243 : vector<16xf32>
      %mul3A_246 = arith.mulf %gather3A_216, %mul3A_243 : vector<16xf32>
      %add3A_247 = arith.addf %add3A_202, %mul3A_246 : vector<16xf32>
      %mul3A_248 = arith.mulf %gather3A_219, %mul3A_243 : vector<16xf32>
      %add3A_249 = arith.addf %add3A_204, %mul3A_248 : vector<16xf32>
      %mul3A_250 = arith.mulf %mul3A_244, %get3A_235 : vector<16xf32>
      %add3A_251 = arith.addf %add3A_206, %mul3A_250 : vector<16xf32>
      %mul3A_252 = arith.mulf %mul3A_244, %get3A_239 : vector<16xf32>
      %add3A_253 = arith.addf %add3A_208, %mul3A_252 : vector<16xf32>
      %add3A_254 = arith.addf %add3A_209, %gather3A_225 : vector<16xf32>
      %add3A_255 = arith.addf %add3A_210, %gather3A_228 : vector<16xf32>
      %add3A_256 = arith.constant 800 : i32
      %add3A_257 = vector.broadcast %add3A_256 : i32 to vector<16xi32>
      %add3A_258 = arith.addi %add3A_257, %add3A_154 : vector<16xi32>
      %broadcast_in_dim3A_259 = arith.constant 0 : i32
      %broadcast_in_dim3A_260 = vector.broadcast %broadcast_in_dim3A_259 : i32 to vector<16xi32>
      %gather3A_261 = tpu.vector_load_idx %arg12[%add3A_258, %broadcast_in_dim3A_260] : memref<1200x8xf32, #tpu.memory_space<vmem>>[vector<16xi32>, vector<16xi32>], vector<16xf32>,
      %broadcast_in_dim3A_262 = arith.constant 1 : i32
      %broadcast_in_dim3A_263 = vector.broadcast %broadcast_in_dim3A_262 : i32 to vector<16xi32>
      %gather3A_264 = tpu.vector_load_idx %arg12[%add3A_258, %broadcast_in_dim3A_263] : memref<1200x8xf32, #tpu.memory_space<vmem>>[vector<16xi32>, vector<16xi32>], vector<16xf32>,
      %broadcast_in_dim3A_265 = arith.constant 2 : i32
      %broadcast_in_dim3A_266 = vector.broadcast %broadcast_in_dim3A_265 : i32 to vector<16xi32>
      %gather3A_267 = tpu.vector_load_idx %arg12[%add3A_258, %broadcast_in_dim3A_266] : memref<1200x8xf32, #tpu.memory_space<vmem>>[vector<16xi32>, vector<16xi32>], vector<16xf32>,
      %broadcast_in_dim3A_268 = arith.constant 3 : i32
      %broadcast_in_dim3A_269 = vector.broadcast %broadcast_in_dim3A_268 : i32 to vector<16xi32>
      %gather3A_270 = tpu.vector_load_idx %arg12[%add3A_258, %broadcast_in_dim3A_269] : memref<1200x8xf32, #tpu.memory_space<vmem>>[vector<16xi32>, vector<16xi32>], vector<16xf32>,
      %broadcast_in_dim3A_271 = arith.constant 4 : i32
      %broadcast_in_dim3A_272 = vector.broadcast %broadcast_in_dim3A_271 : i32 to vector<16xi32>
      %gather3A_273 = tpu.vector_load_idx %arg12[%add3A_258, %broadcast_in_dim3A_272] : memref<1200x8xf32, #tpu.memory_space<vmem>>[vector<16xi32>, vector<16xi32>], vector<16xf32>,
      %broadcast_in_dim3A_274 = arith.constant 5 : i32
      %broadcast_in_dim3A_275 = vector.broadcast %broadcast_in_dim3A_274 : i32 to vector<16xi32>
      %gather3A_276 = tpu.vector_load_idx %arg12[%add3A_258, %broadcast_in_dim3A_275] : memref<1200x8xf32, #tpu.memory_space<vmem>>[vector<16xi32>, vector<16xi32>], vector<16xf32>,
      %get3A_277 = arith.constant 4 : i32
      %get3A_278 = arith.index_cast %get3A_277 : i32 to index
      %get3A_279 = arith.index_cast %add3A_150 : i32 to index
      %get3A_280 = tpu.vector_load %arg8[%get3A_278, %get3A_279] {strides = array<i32>} : memref<8x3200xf32, #tpu.memory_space<vmem>>, vector<16xf32>,
      %get3A_281 = arith.constant 5 : i32
      %get3A_282 = arith.index_cast %get3A_281 : i32 to index
      %get3A_283 = arith.index_cast %add3A_150 : i32 to index
      %get3A_284 = tpu.vector_load %arg8[%get3A_282, %get3A_283] {strides = array<i32>} : memref<8x3200xf32, #tpu.memory_space<vmem>>, vector<16xf32>,
      %mul3A_285 = arith.mulf %gather3A_261, %get3A_280 : vector<16xf32>
      %mul3A_286 = arith.mulf %gather3A_264, %get3A_284 : vector<16xf32>
      %add3A_287 = arith.addf %mul3A_285, %mul3A_286 : vector<16xf32>
      %mul3A_288 = arith.mulf %add3A_287, %gather3A_276 : vector<16xf32>
      %mul3A_289 = arith.mulf %gather3A_267, %gather3A_276 : vector<16xf32>
      %add3A_290 = arith.addf %add3A_245, %mul3A_288 : vector<16xf32>
      %mul3A_291 = arith.mulf %gather3A_261, %mul3A_288 : vector<16xf32>
      %add3A_292 = arith.addf %add3A_247, %mul3A_291 : vector<16xf32>
      %mul3A_293 = arith.mulf %gather3A_264, %mul3A_288 : vector<16xf32>
      %add3A_294 = arith.addf %add3A_249, %mul3A_293 : vector<16xf32>
      %mul3A_295 = arith.mulf %mul3A_289, %get3A_280 : vector<16xf32>
      %add3A_296 = arith.addf %add3A_251, %mul3A_295 : vector<16xf32>
      %mul3A_297 = arith.mulf %mul3A_289, %get3A_284 : vector<16xf32>
      %add3A_298 = arith.addf %add3A_253, %mul3A_297 : vector<16xf32>
      %add3A_299 = arith.addf %add3A_254, %gather3A_270 : vector<16xf32>
      %add3A_300 = arith.addf %add3A_255, %gather3A_273 : vector<16xf32>
      %get3A_301 = arith.constant 6 : i32
      %get3A_302 = arith.index_cast %get3A_301 : i32 to index
      %get3A_303 = arith.index_cast %add3A_150 : i32 to index
      %get3A_304 = tpu.vector_load %arg8[%get3A_302, %get3A_303] {strides = array<i32>} : memref<8x3200xf32, #tpu.memory_space<vmem>>, vector<16xf32>,
      %div3A = arith.constant 1.000000e+00 : f32
      %div3A_305 = vector.broadcast %div3A : f32 to vector<16xf32>
      %div3A_306 = arith.divf %div3A_305, %get3A_304 : vector<16xf32>
      %get3A_307 = arith.constant 7 : i32
      %get3A_308 = arith.index_cast %get3A_307 : i32 to index
      %get3A_309 = arith.index_cast %add3A_150 : i32 to index
      %get3A_310 = tpu.vector_load %arg8[%get3A_308, %get3A_309] {strides = array<i32>} : memref<8x3200xf32, #tpu.memory_space<vmem>>, vector<16xf32>,
      %neg3A = arith.constant 0.000000e+00 : f32
      %neg3A_311 = vector.broadcast %neg3A : f32 to vector<16xf32>
      %neg3A_312 = arith.subf %neg3A_311, %add3A_292 : vector<16xf32>
      %mul3A_313 = arith.mulf %add3A_296, %div3A_306 : vector<16xf32>
      %sub3A = arith.subf %neg3A_312, %mul3A_313 : vector<16xf32>
      %mul3A_314 = arith.mulf %get3A_310, %sub3A : vector<16xf32>
      %add3A_315 = arith.addf %mul3A_314, %add3A_299 : vector<16xf32>
      %neg3A_316 = arith.constant 0.000000e+00 : f32
      %neg3A_317 = vector.broadcast %neg3A_316 : f32 to vector<16xf32>
      %neg3A_318 = arith.subf %neg3A_317, %add3A_294 : vector<16xf32>
      %mul3A_319 = arith.mulf %add3A_298, %div3A_306 : vector<16xf32>
      %sub3A_320 = arith.subf %neg3A_318, %mul3A_319 : vector<16xf32>
      %mul3A_321 = arith.mulf %get3A_310, %sub3A_320 : vector<16xf32>
      %add3A_322 = arith.addf %mul3A_321, %add3A_300 : vector<16xf32>
      %swap3A = arith.index_cast %add3A_150 : i32 to index
      %swap3A_323 = tpu.vector_load %arg13[%swap3A] {strides = array<i32>} : memref<3200xf32, #tpu.memory_space<vmem>>, vector<16xf32>,
      tpu.vector_store %arg13[%swap3A], %add3A_290 {strides = array<i32>} : memref<3200xf32, #tpu.memory_space<vmem>>, vector<16xf32>,
      %add3A_324 = arith.constant 1200 : i32
      %add3A_325 = vector.broadcast %add3A_324 : i32 to vector<16xi32>
      %add3A_326 = arith.addi %add3A_325, %add3A_154 : vector<16xi32>
      %broadcast_in_dim3A_327 = arith.constant 0 : i32
      %broadcast_in_dim3A_328 = vector.broadcast %broadcast_in_dim3A_327 : i32 to vector<16xi32>
      tpu.vector_store_idx %arg14[%add3A_326, %broadcast_in_dim3A_328], %add3A_315 : memref<3200x2xf32, #tpu.memory_space<vmem>>[vector<16xi32>, vector<16xi32>], vector<16xf32>,
      %broadcast_in_dim3A_329 = arith.constant 1 : i32
      %broadcast_in_dim3A_330 = vector.broadcast %broadcast_in_dim3A_329 : i32 to vector<16xi32>
      tpu.vector_store_idx %arg14[%add3A_326, %broadcast_in_dim3A_330], %add3A_322 : memref<3200x2xf32, #tpu.memory_space<vmem>>[vector<16xi32>, vector<16xi32>], vector<16xf32>,
    }
    %scan3A_96 = arith.constant 25 : i32
    %dma_start3A_97 = arith.constant 8400 : i32
    %dma_start3A_98 = tpu.memref_slice %arg7[%dma_start3A_97] : memref<9600xi32, #tpu.memory_space<vmem>> -> memref<1200xi32, #tpu.memory_space<vmem>>
    %dma_start3A_99 = arith.constant 0 : i32
    %dma_start3A_100 = arith.constant 0 : i32
    %dma_start3A_101 = tpu.memref_slice %arg2[%dma_start3A_99, %dma_start3A_100] : memref<150000x8xf32, #tpu.memory_space<hbm>> -> memref<150000x8xf32, #tpu.memory_space<hbm>>
    tpu.enqueue_indirect_dma source(%dma_start3A_101 : memref<150000x8xf32, #tpu.memory_space<hbm>>) target(%arg12 : memref<1200x8xf32, #tpu.memory_space<vmem>>) offsets(%dma_start3A_98 : memref<1200xi32, #tpu.memory_space<vmem>>) semaphore(%arg19 : memref<!tpu.dma_semaphore, #tpu.memory_space<semaphore_mem>>)
    %dma_wait3A_102 = arith.constant 4800 : i32
    %dma_wait3A_103 = tpu.memref_slice %arg7[%dma_wait3A_102] : memref<9600xi32, #tpu.memory_space<vmem>> -> memref<1200xi32, #tpu.memory_space<vmem>>
    %dma_wait3A_104 = arith.constant 0 : i32
    %dma_wait3A_105 = arith.constant 0 : i32
    %dma_wait3A_106 = tpu.memref_slice %arg2[%dma_wait3A_104, %dma_wait3A_105] : memref<150000x8xf32, #tpu.memory_space<hbm>> -> memref<150000x8xf32, #tpu.memory_space<hbm>>
    tpu.wait_indirect_dma semaphore(%arg16 : memref<!tpu.dma_semaphore, #tpu.memory_space<semaphore_mem>>) src(%dma_wait3A_106 : memref<150000x8xf32, #tpu.memory_space<hbm>>) dst(%arg9 : memref<1200x8xf32, #tpu.memory_space<vmem>>)
    %scan3A_107 = arith.constant 0 : i32
    %scan3A_108 = arith.constant 0 : i32
    %scan3A_109 = arith.constant 25 : i32
    %scan3A_110 = arith.addi %scan3A_108, %scan3A_109 : i32
    %scan3A_111 = arith.constant 1 : i32
    scf.for %scan3A_146 = %scan3A_108 to %scan3A_110 step %scan3A_111  : i32 {
      %mul3A_147 = arith.constant 16 : i32
      %mul3A_148 = arith.muli %scan3A_146, %mul3A_147 : i32
      %add3A_149 = arith.constant 1600 : i32
      %add3A_150 = arith.addi %add3A_149, %mul3A_148 : i32
      %mul3A_151 = arith.constant 16 : i32
      %mul3A_152 = arith.muli %scan3A_146, %mul3A_151 : i32
      %iota3A = tpu.iota {dimensions = array<i32: 0>} : vector<16xi32>
      %add3A_153 = vector.broadcast %mul3A_152 : i32 to vector<16xi32>
      %add3A_154 = arith.addi %add3A_153, %iota3A : vector<16xi32>
      %broadcast_in_dim3A = arith.constant 0.000000e+00 : f32
      %broadcast_in_dim3A_155 = vector.broadcast %broadcast_in_dim3A : f32 to vector<16xf32>
      %broadcast_in_dim3A_156 = arith.constant 0.000000e+00 : f32
      %broadcast_in_dim3A_157 = vector.broadcast %broadcast_in_dim3A_156 : f32 to vector<16xf32>
      %broadcast_in_dim3A_158 = arith.constant 0.000000e+00 : f32
      %broadcast_in_dim3A_159 = vector.broadcast %broadcast_in_dim3A_158 : f32 to vector<16xf32>
      %broadcast_in_dim3A_160 = arith.constant 0.000000e+00 : f32
      %broadcast_in_dim3A_161 = vector.broadcast %broadcast_in_dim3A_160 : f32 to vector<16xf32>
      %broadcast_in_dim3A_162 = arith.constant 0.000000e+00 : f32
      %broadcast_in_dim3A_163 = vector.broadcast %broadcast_in_dim3A_162 : f32 to vector<16xf32>
      %broadcast_in_dim3A_164 = arith.constant 0.000000e+00 : f32
      %broadcast_in_dim3A_165 = vector.broadcast %broadcast_in_dim3A_164 : f32 to vector<16xf32>
      %broadcast_in_dim3A_166 = arith.constant 0.000000e+00 : f32
      %broadcast_in_dim3A_167 = vector.broadcast %broadcast_in_dim3A_166 : f32 to vector<16xf32>
      %add3A_168 = arith.constant 0 : i32
      %add3A_169 = vector.broadcast %add3A_168 : i32 to vector<16xi32>
      %add3A_170 = arith.addi %add3A_169, %add3A_154 : vector<16xi32>
      %broadcast_in_dim3A_171 = arith.constant 0 : i32
      %broadcast_in_dim3A_172 = vector.broadcast %broadcast_in_dim3A_171 : i32 to vector<16xi32>
      %gather3A = tpu.vector_load_idx %arg9[%add3A_170, %broadcast_in_dim3A_172] : memref<1200x8xf32, #tpu.memory_space<vmem>>[vector<16xi32>, vector<16xi32>], vector<16xf32>,
      %broadcast_in_dim3A_173 = arith.constant 1 : i32
      %broadcast_in_dim3A_174 = vector.broadcast %broadcast_in_dim3A_173 : i32 to vector<16xi32>
      %gather3A_175 = tpu.vector_load_idx %arg9[%add3A_170, %broadcast_in_dim3A_174] : memref<1200x8xf32, #tpu.memory_space<vmem>>[vector<16xi32>, vector<16xi32>], vector<16xf32>,
      %broadcast_in_dim3A_176 = arith.constant 2 : i32
      %broadcast_in_dim3A_177 = vector.broadcast %broadcast_in_dim3A_176 : i32 to vector<16xi32>
      %gather3A_178 = tpu.vector_load_idx %arg9[%add3A_170, %broadcast_in_dim3A_177] : memref<1200x8xf32, #tpu.memory_space<vmem>>[vector<16xi32>, vector<16xi32>], vector<16xf32>,
      %broadcast_in_dim3A_179 = arith.constant 3 : i32
      %broadcast_in_dim3A_180 = vector.broadcast %broadcast_in_dim3A_179 : i32 to vector<16xi32>
      %gather3A_181 = tpu.vector_load_idx %arg9[%add3A_170, %broadcast_in_dim3A_180] : memref<1200x8xf32, #tpu.memory_space<vmem>>[vector<16xi32>, vector<16xi32>], vector<16xf32>,
      %broadcast_in_dim3A_182 = arith.constant 4 : i32
      %broadcast_in_dim3A_183 = vector.broadcast %broadcast_in_dim3A_182 : i32 to vector<16xi32>
      %gather3A_184 = tpu.vector_load_idx %arg9[%add3A_170, %broadcast_in_dim3A_183] : memref<1200x8xf32, #tpu.memory_space<vmem>>[vector<16xi32>, vector<16xi32>], vector<16xf32>,
      %broadcast_in_dim3A_185 = arith.constant 5 : i32
      %broadcast_in_dim3A_186 = vector.broadcast %broadcast_in_dim3A_185 : i32 to vector<16xi32>
      %gather3A_187 = tpu.vector_load_idx %arg9[%add3A_170, %broadcast_in_dim3A_186] : memref<1200x8xf32, #tpu.memory_space<vmem>>[vector<16xi32>, vector<16xi32>], vector<16xf32>,
      %get3A = arith.constant 0 : i32
      %get3A_188 = arith.index_cast %get3A : i32 to index
      %get3A_189 = arith.index_cast %add3A_150 : i32 to index
      %get3A_190 = tpu.vector_load %arg8[%get3A_188, %get3A_189] {strides = array<i32>} : memref<8x3200xf32, #tpu.memory_space<vmem>>, vector<16xf32>,
      %get3A_191 = arith.constant 1 : i32
      %get3A_192 = arith.index_cast %get3A_191 : i32 to index
      %get3A_193 = arith.index_cast %add3A_150 : i32 to index
      %get3A_194 = tpu.vector_load %arg8[%get3A_192, %get3A_193] {strides = array<i32>} : memref<8x3200xf32, #tpu.memory_space<vmem>>, vector<16xf32>,
      %mul3A_195 = arith.mulf %gather3A, %get3A_190 : vector<16xf32>
      %mul3A_196 = arith.mulf %gather3A_175, %get3A_194 : vector<16xf32>
      %add3A_197 = arith.addf %mul3A_195, %mul3A_196 : vector<16xf32>
      %mul3A_198 = arith.mulf %add3A_197, %gather3A_187 : vector<16xf32>
      %mul3A_199 = arith.mulf %gather3A_178, %gather3A_187 : vector<16xf32>
      %add3A_200 = arith.addf %broadcast_in_dim3A_155, %mul3A_198 : vector<16xf32>
      %mul3A_201 = arith.mulf %gather3A, %mul3A_198 : vector<16xf32>
      %add3A_202 = arith.addf %broadcast_in_dim3A_157, %mul3A_201 : vector<16xf32>
      %mul3A_203 = arith.mulf %gather3A_175, %mul3A_198 : vector<16xf32>
      %add3A_204 = arith.addf %broadcast_in_dim3A_159, %mul3A_203 : vector<16xf32>
      %mul3A_205 = arith.mulf %mul3A_199, %get3A_190 : vector<16xf32>
      %add3A_206 = arith.addf %broadcast_in_dim3A_161, %mul3A_205 : vector<16xf32>
      %mul3A_207 = arith.mulf %mul3A_199, %get3A_194 : vector<16xf32>
      %add3A_208 = arith.addf %broadcast_in_dim3A_163, %mul3A_207 : vector<16xf32>
      %add3A_209 = arith.addf %broadcast_in_dim3A_165, %gather3A_181 : vector<16xf32>
      %add3A_210 = arith.addf %broadcast_in_dim3A_167, %gather3A_184 : vector<16xf32>
      %add3A_211 = arith.constant 400 : i32
      %add3A_212 = vector.broadcast %add3A_211 : i32 to vector<16xi32>
      %add3A_213 = arith.addi %add3A_212, %add3A_154 : vector<16xi32>
      %broadcast_in_dim3A_214 = arith.constant 0 : i32
      %broadcast_in_dim3A_215 = vector.broadcast %broadcast_in_dim3A_214 : i32 to vector<16xi32>
      %gather3A_216 = tpu.vector_load_idx %arg9[%add3A_213, %broadcast_in_dim3A_215] : memref<1200x8xf32, #tpu.memory_space<vmem>>[vector<16xi32>, vector<16xi32>], vector<16xf32>,
      %broadcast_in_dim3A_217 = arith.constant 1 : i32
      %broadcast_in_dim3A_218 = vector.broadcast %broadcast_in_dim3A_217 : i32 to vector<16xi32>
      %gather3A_219 = tpu.vector_load_idx %arg9[%add3A_213, %broadcast_in_dim3A_218] : memref<1200x8xf32, #tpu.memory_space<vmem>>[vector<16xi32>, vector<16xi32>], vector<16xf32>,
      %broadcast_in_dim3A_220 = arith.constant 2 : i32
      %broadcast_in_dim3A_221 = vector.broadcast %broadcast_in_dim3A_220 : i32 to vector<16xi32>
      %gather3A_222 = tpu.vector_load_idx %arg9[%add3A_213, %broadcast_in_dim3A_221] : memref<1200x8xf32, #tpu.memory_space<vmem>>[vector<16xi32>, vector<16xi32>], vector<16xf32>,
      %broadcast_in_dim3A_223 = arith.constant 3 : i32
      %broadcast_in_dim3A_224 = vector.broadcast %broadcast_in_dim3A_223 : i32 to vector<16xi32>
      %gather3A_225 = tpu.vector_load_idx %arg9[%add3A_213, %broadcast_in_dim3A_224] : memref<1200x8xf32, #tpu.memory_space<vmem>>[vector<16xi32>, vector<16xi32>], vector<16xf32>,
      %broadcast_in_dim3A_226 = arith.constant 4 : i32
      %broadcast_in_dim3A_227 = vector.broadcast %broadcast_in_dim3A_226 : i32 to vector<16xi32>
      %gather3A_228 = tpu.vector_load_idx %arg9[%add3A_213, %broadcast_in_dim3A_227] : memref<1200x8xf32, #tpu.memory_space<vmem>>[vector<16xi32>, vector<16xi32>], vector<16xf32>,
      %broadcast_in_dim3A_229 = arith.constant 5 : i32
      %broadcast_in_dim3A_230 = vector.broadcast %broadcast_in_dim3A_229 : i32 to vector<16xi32>
      %gather3A_231 = tpu.vector_load_idx %arg9[%add3A_213, %broadcast_in_dim3A_230] : memref<1200x8xf32, #tpu.memory_space<vmem>>[vector<16xi32>, vector<16xi32>], vector<16xf32>,
      %get3A_232 = arith.constant 2 : i32
      %get3A_233 = arith.index_cast %get3A_232 : i32 to index
      %get3A_234 = arith.index_cast %add3A_150 : i32 to index
      %get3A_235 = tpu.vector_load %arg8[%get3A_233, %get3A_234] {strides = array<i32>} : memref<8x3200xf32, #tpu.memory_space<vmem>>, vector<16xf32>,
      %get3A_236 = arith.constant 3 : i32
      %get3A_237 = arith.index_cast %get3A_236 : i32 to index
      %get3A_238 = arith.index_cast %add3A_150 : i32 to index
      %get3A_239 = tpu.vector_load %arg8[%get3A_237, %get3A_238] {strides = array<i32>} : memref<8x3200xf32, #tpu.memory_space<vmem>>, vector<16xf32>,
      %mul3A_240 = arith.mulf %gather3A_216, %get3A_235 : vector<16xf32>
      %mul3A_241 = arith.mulf %gather3A_219, %get3A_239 : vector<16xf32>
      %add3A_242 = arith.addf %mul3A_240, %mul3A_241 : vector<16xf32>
      %mul3A_243 = arith.mulf %add3A_242, %gather3A_231 : vector<16xf32>
      %mul3A_244 = arith.mulf %gather3A_222, %gather3A_231 : vector<16xf32>
      %add3A_245 = arith.addf %add3A_200, %mul3A_243 : vector<16xf32>
      %mul3A_246 = arith.mulf %gather3A_216, %mul3A_243 : vector<16xf32>
      %add3A_247 = arith.addf %add3A_202, %mul3A_246 : vector<16xf32>
      %mul3A_248 = arith.mulf %gather3A_219, %mul3A_243 : vector<16xf32>
      %add3A_249 = arith.addf %add3A_204, %mul3A_248 : vector<16xf32>
      %mul3A_250 = arith.mulf %mul3A_244, %get3A_235 : vector<16xf32>
      %add3A_251 = arith.addf %add3A_206, %mul3A_250 : vector<16xf32>
      %mul3A_252 = arith.mulf %mul3A_244, %get3A_239 : vector<16xf32>
      %add3A_253 = arith.addf %add3A_208, %mul3A_252 : vector<16xf32>
      %add3A_254 = arith.addf %add3A_209, %gather3A_225 : vector<16xf32>
      %add3A_255 = arith.addf %add3A_210, %gather3A_228 : vector<16xf32>
      %add3A_256 = arith.constant 800 : i32
      %add3A_257 = vector.broadcast %add3A_256 : i32 to vector<16xi32>
      %add3A_258 = arith.addi %add3A_257, %add3A_154 : vector<16xi32>
      %broadcast_in_dim3A_259 = arith.constant 0 : i32
      %broadcast_in_dim3A_260 = vector.broadcast %broadcast_in_dim3A_259 : i32 to vector<16xi32>
      %gather3A_261 = tpu.vector_load_idx %arg9[%add3A_258, %broadcast_in_dim3A_260] : memref<1200x8xf32, #tpu.memory_space<vmem>>[vector<16xi32>, vector<16xi32>], vector<16xf32>,
      %broadcast_in_dim3A_262 = arith.constant 1 : i32
      %broadcast_in_dim3A_263 = vector.broadcast %broadcast_in_dim3A_262 : i32 to vector<16xi32>
      %gather3A_264 = tpu.vector_load_idx %arg9[%add3A_258, %broadcast_in_dim3A_263] : memref<1200x8xf32, #tpu.memory_space<vmem>>[vector<16xi32>, vector<16xi32>], vector<16xf32>,
      %broadcast_in_dim3A_265 = arith.constant 2 : i32
      %broadcast_in_dim3A_266 = vector.broadcast %broadcast_in_dim3A_265 : i32 to vector<16xi32>
      %gather3A_267 = tpu.vector_load_idx %arg9[%add3A_258, %broadcast_in_dim3A_266] : memref<1200x8xf32, #tpu.memory_space<vmem>>[vector<16xi32>, vector<16xi32>], vector<16xf32>,
      %broadcast_in_dim3A_268 = arith.constant 3 : i32
      %broadcast_in_dim3A_269 = vector.broadcast %broadcast_in_dim3A_268 : i32 to vector<16xi32>
      %gather3A_270 = tpu.vector_load_idx %arg9[%add3A_258, %broadcast_in_dim3A_269] : memref<1200x8xf32, #tpu.memory_space<vmem>>[vector<16xi32>, vector<16xi32>], vector<16xf32>,
      %broadcast_in_dim3A_271 = arith.constant 4 : i32
      %broadcast_in_dim3A_272 = vector.broadcast %broadcast_in_dim3A_271 : i32 to vector<16xi32>
      %gather3A_273 = tpu.vector_load_idx %arg9[%add3A_258, %broadcast_in_dim3A_272] : memref<1200x8xf32, #tpu.memory_space<vmem>>[vector<16xi32>, vector<16xi32>], vector<16xf32>,
      %broadcast_in_dim3A_274 = arith.constant 5 : i32
      %broadcast_in_dim3A_275 = vector.broadcast %broadcast_in_dim3A_274 : i32 to vector<16xi32>
      %gather3A_276 = tpu.vector_load_idx %arg9[%add3A_258, %broadcast_in_dim3A_275] : memref<1200x8xf32, #tpu.memory_space<vmem>>[vector<16xi32>, vector<16xi32>], vector<16xf32>,
      %get3A_277 = arith.constant 4 : i32
      %get3A_278 = arith.index_cast %get3A_277 : i32 to index
      %get3A_279 = arith.index_cast %add3A_150 : i32 to index
      %get3A_280 = tpu.vector_load %arg8[%get3A_278, %get3A_279] {strides = array<i32>} : memref<8x3200xf32, #tpu.memory_space<vmem>>, vector<16xf32>,
      %get3A_281 = arith.constant 5 : i32
      %get3A_282 = arith.index_cast %get3A_281 : i32 to index
      %get3A_283 = arith.index_cast %add3A_150 : i32 to index
      %get3A_284 = tpu.vector_load %arg8[%get3A_282, %get3A_283] {strides = array<i32>} : memref<8x3200xf32, #tpu.memory_space<vmem>>, vector<16xf32>,
      %mul3A_285 = arith.mulf %gather3A_261, %get3A_280 : vector<16xf32>
      %mul3A_286 = arith.mulf %gather3A_264, %get3A_284 : vector<16xf32>
      %add3A_287 = arith.addf %mul3A_285, %mul3A_286 : vector<16xf32>
      %mul3A_288 = arith.mulf %add3A_287, %gather3A_276 : vector<16xf32>
      %mul3A_289 = arith.mulf %gather3A_267, %gather3A_276 : vector<16xf32>
      %add3A_290 = arith.addf %add3A_245, %mul3A_288 : vector<16xf32>
      %mul3A_291 = arith.mulf %gather3A_261, %mul3A_288 : vector<16xf32>
      %add3A_292 = arith.addf %add3A_247, %mul3A_291 : vector<16xf32>
      %mul3A_293 = arith.mulf %gather3A_264, %mul3A_288 : vector<16xf32>
      %add3A_294 = arith.addf %add3A_249, %mul3A_293 : vector<16xf32>
      %mul3A_295 = arith.mulf %mul3A_289, %get3A_280 : vector<16xf32>
      %add3A_296 = arith.addf %add3A_251, %mul3A_295 : vector<16xf32>
      %mul3A_297 = arith.mulf %mul3A_289, %get3A_284 : vector<16xf32>
      %add3A_298 = arith.addf %add3A_253, %mul3A_297 : vector<16xf32>
      %add3A_299 = arith.addf %add3A_254, %gather3A_270 : vector<16xf32>
      %add3A_300 = arith.addf %add3A_255, %gather3A_273 : vector<16xf32>
      %get3A_301 = arith.constant 6 : i32
      %get3A_302 = arith.index_cast %get3A_301 : i32 to index
      %get3A_303 = arith.index_cast %add3A_150 : i32 to index
      %get3A_304 = tpu.vector_load %arg8[%get3A_302, %get3A_303] {strides = array<i32>} : memref<8x3200xf32, #tpu.memory_space<vmem>>, vector<16xf32>,
      %div3A = arith.constant 1.000000e+00 : f32
      %div3A_305 = vector.broadcast %div3A : f32 to vector<16xf32>
      %div3A_306 = arith.divf %div3A_305, %get3A_304 : vector<16xf32>
      %get3A_307 = arith.constant 7 : i32
      %get3A_308 = arith.index_cast %get3A_307 : i32 to index
      %get3A_309 = arith.index_cast %add3A_150 : i32 to index
      %get3A_310 = tpu.vector_load %arg8[%get3A_308, %get3A_309] {strides = array<i32>} : memref<8x3200xf32, #tpu.memory_space<vmem>>, vector<16xf32>,
      %neg3A = arith.constant 0.000000e+00 : f32
      %neg3A_311 = vector.broadcast %neg3A : f32 to vector<16xf32>
      %neg3A_312 = arith.subf %neg3A_311, %add3A_292 : vector<16xf32>
      %mul3A_313 = arith.mulf %add3A_296, %div3A_306 : vector<16xf32>
      %sub3A = arith.subf %neg3A_312, %mul3A_313 : vector<16xf32>
      %mul3A_314 = arith.mulf %get3A_310, %sub3A : vector<16xf32>
      %add3A_315 = arith.addf %mul3A_314, %add3A_299 : vector<16xf32>
      %neg3A_316 = arith.constant 0.000000e+00 : f32
      %neg3A_317 = vector.broadcast %neg3A_316 : f32 to vector<16xf32>
      %neg3A_318 = arith.subf %neg3A_317, %add3A_294 : vector<16xf32>
      %mul3A_319 = arith.mulf %add3A_298, %div3A_306 : vector<16xf32>
      %sub3A_320 = arith.subf %neg3A_318, %mul3A_319 : vector<16xf32>
      %mul3A_321 = arith.mulf %get3A_310, %sub3A_320 : vector<16xf32>
      %add3A_322 = arith.addf %mul3A_321, %add3A_300 : vector<16xf32>
      %swap3A = arith.index_cast %add3A_150 : i32 to index
      %swap3A_323 = tpu.vector_load %arg13[%swap3A] {strides = array<i32>} : memref<3200xf32, #tpu.memory_space<vmem>>, vector<16xf32>,
      tpu.vector_store %arg13[%swap3A], %add3A_290 {strides = array<i32>} : memref<3200xf32, #tpu.memory_space<vmem>>, vector<16xf32>,
      %add3A_324 = arith.constant 1600 : i32
      %add3A_325 = vector.broadcast %add3A_324 : i32 to vector<16xi32>
      %add3A_326 = arith.addi %add3A_325, %add3A_154 : vector<16xi32>
      %broadcast_in_dim3A_327 = arith.constant 0 : i32
      %broadcast_in_dim3A_328 = vector.broadcast %broadcast_in_dim3A_327 : i32 to vector<16xi32>
      tpu.vector_store_idx %arg14[%add3A_326, %broadcast_in_dim3A_328], %add3A_315 : memref<3200x2xf32, #tpu.memory_space<vmem>>[vector<16xi32>, vector<16xi32>], vector<16xf32>,
      %broadcast_in_dim3A_329 = arith.constant 1 : i32
      %broadcast_in_dim3A_330 = vector.broadcast %broadcast_in_dim3A_329 : i32 to vector<16xi32>
      tpu.vector_store_idx %arg14[%add3A_326, %broadcast_in_dim3A_330], %add3A_322 : memref<3200x2xf32, #tpu.memory_space<vmem>>[vector<16xi32>, vector<16xi32>], vector<16xf32>,
    }
    %scan3A_112 = arith.constant 25 : i32
    %dma_wait3A_113 = arith.constant 6000 : i32
    %dma_wait3A_114 = tpu.memref_slice %arg7[%dma_wait3A_113] : memref<9600xi32, #tpu.memory_space<vmem>> -> memref<1200xi32, #tpu.memory_space<vmem>>
    %dma_wait3A_115 = arith.constant 0 : i32
    %dma_wait3A_116 = arith.constant 0 : i32
    %dma_wait3A_117 = tpu.memref_slice %arg2[%dma_wait3A_115, %dma_wait3A_116] : memref<150000x8xf32, #tpu.memory_space<hbm>> -> memref<150000x8xf32, #tpu.memory_space<hbm>>
    tpu.wait_indirect_dma semaphore(%arg17 : memref<!tpu.dma_semaphore, #tpu.memory_space<semaphore_mem>>) src(%dma_wait3A_117 : memref<150000x8xf32, #tpu.memory_space<hbm>>) dst(%arg10 : memref<1200x8xf32, #tpu.memory_space<vmem>>)
    %scan3A_118 = arith.constant 0 : i32
    %scan3A_119 = arith.constant 0 : i32
    %scan3A_120 = arith.constant 25 : i32
    %scan3A_121 = arith.addi %scan3A_119, %scan3A_120 : i32
    %scan3A_122 = arith.constant 1 : i32
    scf.for %scan3A_146 = %scan3A_119 to %scan3A_121 step %scan3A_122  : i32 {
      %mul3A_147 = arith.constant 16 : i32
      %mul3A_148 = arith.muli %scan3A_146, %mul3A_147 : i32
      %add3A_149 = arith.constant 2000 : i32
      %add3A_150 = arith.addi %add3A_149, %mul3A_148 : i32
      %mul3A_151 = arith.constant 16 : i32
      %mul3A_152 = arith.muli %scan3A_146, %mul3A_151 : i32
      %iota3A = tpu.iota {dimensions = array<i32: 0>} : vector<16xi32>
      %add3A_153 = vector.broadcast %mul3A_152 : i32 to vector<16xi32>
      %add3A_154 = arith.addi %add3A_153, %iota3A : vector<16xi32>
      %broadcast_in_dim3A = arith.constant 0.000000e+00 : f32
      %broadcast_in_dim3A_155 = vector.broadcast %broadcast_in_dim3A : f32 to vector<16xf32>
      %broadcast_in_dim3A_156 = arith.constant 0.000000e+00 : f32
      %broadcast_in_dim3A_157 = vector.broadcast %broadcast_in_dim3A_156 : f32 to vector<16xf32>
      %broadcast_in_dim3A_158 = arith.constant 0.000000e+00 : f32
      %broadcast_in_dim3A_159 = vector.broadcast %broadcast_in_dim3A_158 : f32 to vector<16xf32>
      %broadcast_in_dim3A_160 = arith.constant 0.000000e+00 : f32
      %broadcast_in_dim3A_161 = vector.broadcast %broadcast_in_dim3A_160 : f32 to vector<16xf32>
      %broadcast_in_dim3A_162 = arith.constant 0.000000e+00 : f32
      %broadcast_in_dim3A_163 = vector.broadcast %broadcast_in_dim3A_162 : f32 to vector<16xf32>
      %broadcast_in_dim3A_164 = arith.constant 0.000000e+00 : f32
      %broadcast_in_dim3A_165 = vector.broadcast %broadcast_in_dim3A_164 : f32 to vector<16xf32>
      %broadcast_in_dim3A_166 = arith.constant 0.000000e+00 : f32
      %broadcast_in_dim3A_167 = vector.broadcast %broadcast_in_dim3A_166 : f32 to vector<16xf32>
      %add3A_168 = arith.constant 0 : i32
      %add3A_169 = vector.broadcast %add3A_168 : i32 to vector<16xi32>
      %add3A_170 = arith.addi %add3A_169, %add3A_154 : vector<16xi32>
      %broadcast_in_dim3A_171 = arith.constant 0 : i32
      %broadcast_in_dim3A_172 = vector.broadcast %broadcast_in_dim3A_171 : i32 to vector<16xi32>
      %gather3A = tpu.vector_load_idx %arg10[%add3A_170, %broadcast_in_dim3A_172] : memref<1200x8xf32, #tpu.memory_space<vmem>>[vector<16xi32>, vector<16xi32>], vector<16xf32>,
      %broadcast_in_dim3A_173 = arith.constant 1 : i32
      %broadcast_in_dim3A_174 = vector.broadcast %broadcast_in_dim3A_173 : i32 to vector<16xi32>
      %gather3A_175 = tpu.vector_load_idx %arg10[%add3A_170, %broadcast_in_dim3A_174] : memref<1200x8xf32, #tpu.memory_space<vmem>>[vector<16xi32>, vector<16xi32>], vector<16xf32>,
      %broadcast_in_dim3A_176 = arith.constant 2 : i32
      %broadcast_in_dim3A_177 = vector.broadcast %broadcast_in_dim3A_176 : i32 to vector<16xi32>
      %gather3A_178 = tpu.vector_load_idx %arg10[%add3A_170, %broadcast_in_dim3A_177] : memref<1200x8xf32, #tpu.memory_space<vmem>>[vector<16xi32>, vector<16xi32>], vector<16xf32>,
      %broadcast_in_dim3A_179 = arith.constant 3 : i32
      %broadcast_in_dim3A_180 = vector.broadcast %broadcast_in_dim3A_179 : i32 to vector<16xi32>
      %gather3A_181 = tpu.vector_load_idx %arg10[%add3A_170, %broadcast_in_dim3A_180] : memref<1200x8xf32, #tpu.memory_space<vmem>>[vector<16xi32>, vector<16xi32>], vector<16xf32>,
      %broadcast_in_dim3A_182 = arith.constant 4 : i32
      %broadcast_in_dim3A_183 = vector.broadcast %broadcast_in_dim3A_182 : i32 to vector<16xi32>
      %gather3A_184 = tpu.vector_load_idx %arg10[%add3A_170, %broadcast_in_dim3A_183] : memref<1200x8xf32, #tpu.memory_space<vmem>>[vector<16xi32>, vector<16xi32>], vector<16xf32>,
      %broadcast_in_dim3A_185 = arith.constant 5 : i32
      %broadcast_in_dim3A_186 = vector.broadcast %broadcast_in_dim3A_185 : i32 to vector<16xi32>
      %gather3A_187 = tpu.vector_load_idx %arg10[%add3A_170, %broadcast_in_dim3A_186] : memref<1200x8xf32, #tpu.memory_space<vmem>>[vector<16xi32>, vector<16xi32>], vector<16xf32>,
      %get3A = arith.constant 0 : i32
      %get3A_188 = arith.index_cast %get3A : i32 to index
      %get3A_189 = arith.index_cast %add3A_150 : i32 to index
      %get3A_190 = tpu.vector_load %arg8[%get3A_188, %get3A_189] {strides = array<i32>} : memref<8x3200xf32, #tpu.memory_space<vmem>>, vector<16xf32>,
      %get3A_191 = arith.constant 1 : i32
      %get3A_192 = arith.index_cast %get3A_191 : i32 to index
      %get3A_193 = arith.index_cast %add3A_150 : i32 to index
      %get3A_194 = tpu.vector_load %arg8[%get3A_192, %get3A_193] {strides = array<i32>} : memref<8x3200xf32, #tpu.memory_space<vmem>>, vector<16xf32>,
      %mul3A_195 = arith.mulf %gather3A, %get3A_190 : vector<16xf32>
      %mul3A_196 = arith.mulf %gather3A_175, %get3A_194 : vector<16xf32>
      %add3A_197 = arith.addf %mul3A_195, %mul3A_196 : vector<16xf32>
      %mul3A_198 = arith.mulf %add3A_197, %gather3A_187 : vector<16xf32>
      %mul3A_199 = arith.mulf %gather3A_178, %gather3A_187 : vector<16xf32>
      %add3A_200 = arith.addf %broadcast_in_dim3A_155, %mul3A_198 : vector<16xf32>
      %mul3A_201 = arith.mulf %gather3A, %mul3A_198 : vector<16xf32>
      %add3A_202 = arith.addf %broadcast_in_dim3A_157, %mul3A_201 : vector<16xf32>
      %mul3A_203 = arith.mulf %gather3A_175, %mul3A_198 : vector<16xf32>
      %add3A_204 = arith.addf %broadcast_in_dim3A_159, %mul3A_203 : vector<16xf32>
      %mul3A_205 = arith.mulf %mul3A_199, %get3A_190 : vector<16xf32>
      %add3A_206 = arith.addf %broadcast_in_dim3A_161, %mul3A_205 : vector<16xf32>
      %mul3A_207 = arith.mulf %mul3A_199, %get3A_194 : vector<16xf32>
      %add3A_208 = arith.addf %broadcast_in_dim3A_163, %mul3A_207 : vector<16xf32>
      %add3A_209 = arith.addf %broadcast_in_dim3A_165, %gather3A_181 : vector<16xf32>
      %add3A_210 = arith.addf %broadcast_in_dim3A_167, %gather3A_184 : vector<16xf32>
      %add3A_211 = arith.constant 400 : i32
      %add3A_212 = vector.broadcast %add3A_211 : i32 to vector<16xi32>
      %add3A_213 = arith.addi %add3A_212, %add3A_154 : vector<16xi32>
      %broadcast_in_dim3A_214 = arith.constant 0 : i32
      %broadcast_in_dim3A_215 = vector.broadcast %broadcast_in_dim3A_214 : i32 to vector<16xi32>
      %gather3A_216 = tpu.vector_load_idx %arg10[%add3A_213, %broadcast_in_dim3A_215] : memref<1200x8xf32, #tpu.memory_space<vmem>>[vector<16xi32>, vector<16xi32>], vector<16xf32>,
      %broadcast_in_dim3A_217 = arith.constant 1 : i32
      %broadcast_in_dim3A_218 = vector.broadcast %broadcast_in_dim3A_217 : i32 to vector<16xi32>
      %gather3A_219 = tpu.vector_load_idx %arg10[%add3A_213, %broadcast_in_dim3A_218] : memref<1200x8xf32, #tpu.memory_space<vmem>>[vector<16xi32>, vector<16xi32>], vector<16xf32>,
      %broadcast_in_dim3A_220 = arith.constant 2 : i32
      %broadcast_in_dim3A_221 = vector.broadcast %broadcast_in_dim3A_220 : i32 to vector<16xi32>
      %gather3A_222 = tpu.vector_load_idx %arg10[%add3A_213, %broadcast_in_dim3A_221] : memref<1200x8xf32, #tpu.memory_space<vmem>>[vector<16xi32>, vector<16xi32>], vector<16xf32>,
      %broadcast_in_dim3A_223 = arith.constant 3 : i32
      %broadcast_in_dim3A_224 = vector.broadcast %broadcast_in_dim3A_223 : i32 to vector<16xi32>
      %gather3A_225 = tpu.vector_load_idx %arg10[%add3A_213, %broadcast_in_dim3A_224] : memref<1200x8xf32, #tpu.memory_space<vmem>>[vector<16xi32>, vector<16xi32>], vector<16xf32>,
      %broadcast_in_dim3A_226 = arith.constant 4 : i32
      %broadcast_in_dim3A_227 = vector.broadcast %broadcast_in_dim3A_226 : i32 to vector<16xi32>
      %gather3A_228 = tpu.vector_load_idx %arg10[%add3A_213, %broadcast_in_dim3A_227] : memref<1200x8xf32, #tpu.memory_space<vmem>>[vector<16xi32>, vector<16xi32>], vector<16xf32>,
      %broadcast_in_dim3A_229 = arith.constant 5 : i32
      %broadcast_in_dim3A_230 = vector.broadcast %broadcast_in_dim3A_229 : i32 to vector<16xi32>
      %gather3A_231 = tpu.vector_load_idx %arg10[%add3A_213, %broadcast_in_dim3A_230] : memref<1200x8xf32, #tpu.memory_space<vmem>>[vector<16xi32>, vector<16xi32>], vector<16xf32>,
      %get3A_232 = arith.constant 2 : i32
      %get3A_233 = arith.index_cast %get3A_232 : i32 to index
      %get3A_234 = arith.index_cast %add3A_150 : i32 to index
      %get3A_235 = tpu.vector_load %arg8[%get3A_233, %get3A_234] {strides = array<i32>} : memref<8x3200xf32, #tpu.memory_space<vmem>>, vector<16xf32>,
      %get3A_236 = arith.constant 3 : i32
      %get3A_237 = arith.index_cast %get3A_236 : i32 to index
      %get3A_238 = arith.index_cast %add3A_150 : i32 to index
      %get3A_239 = tpu.vector_load %arg8[%get3A_237, %get3A_238] {strides = array<i32>} : memref<8x3200xf32, #tpu.memory_space<vmem>>, vector<16xf32>,
      %mul3A_240 = arith.mulf %gather3A_216, %get3A_235 : vector<16xf32>
      %mul3A_241 = arith.mulf %gather3A_219, %get3A_239 : vector<16xf32>
      %add3A_242 = arith.addf %mul3A_240, %mul3A_241 : vector<16xf32>
      %mul3A_243 = arith.mulf %add3A_242, %gather3A_231 : vector<16xf32>
      %mul3A_244 = arith.mulf %gather3A_222, %gather3A_231 : vector<16xf32>
      %add3A_245 = arith.addf %add3A_200, %mul3A_243 : vector<16xf32>
      %mul3A_246 = arith.mulf %gather3A_216, %mul3A_243 : vector<16xf32>
      %add3A_247 = arith.addf %add3A_202, %mul3A_246 : vector<16xf32>
      %mul3A_248 = arith.mulf %gather3A_219, %mul3A_243 : vector<16xf32>
      %add3A_249 = arith.addf %add3A_204, %mul3A_248 : vector<16xf32>
      %mul3A_250 = arith.mulf %mul3A_244, %get3A_235 : vector<16xf32>
      %add3A_251 = arith.addf %add3A_206, %mul3A_250 : vector<16xf32>
      %mul3A_252 = arith.mulf %mul3A_244, %get3A_239 : vector<16xf32>
      %add3A_253 = arith.addf %add3A_208, %mul3A_252 : vector<16xf32>
      %add3A_254 = arith.addf %add3A_209, %gather3A_225 : vector<16xf32>
      %add3A_255 = arith.addf %add3A_210, %gather3A_228 : vector<16xf32>
      %add3A_256 = arith.constant 800 : i32
      %add3A_257 = vector.broadcast %add3A_256 : i32 to vector<16xi32>
      %add3A_258 = arith.addi %add3A_257, %add3A_154 : vector<16xi32>
      %broadcast_in_dim3A_259 = arith.constant 0 : i32
      %broadcast_in_dim3A_260 = vector.broadcast %broadcast_in_dim3A_259 : i32 to vector<16xi32>
      %gather3A_261 = tpu.vector_load_idx %arg10[%add3A_258, %broadcast_in_dim3A_260] : memref<1200x8xf32, #tpu.memory_space<vmem>>[vector<16xi32>, vector<16xi32>], vector<16xf32>,
      %broadcast_in_dim3A_262 = arith.constant 1 : i32
      %broadcast_in_dim3A_263 = vector.broadcast %broadcast_in_dim3A_262 : i32 to vector<16xi32>
      %gather3A_264 = tpu.vector_load_idx %arg10[%add3A_258, %broadcast_in_dim3A_263] : memref<1200x8xf32, #tpu.memory_space<vmem>>[vector<16xi32>, vector<16xi32>], vector<16xf32>,
      %broadcast_in_dim3A_265 = arith.constant 2 : i32
      %broadcast_in_dim3A_266 = vector.broadcast %broadcast_in_dim3A_265 : i32 to vector<16xi32>
      %gather3A_267 = tpu.vector_load_idx %arg10[%add3A_258, %broadcast_in_dim3A_266] : memref<1200x8xf32, #tpu.memory_space<vmem>>[vector<16xi32>, vector<16xi32>], vector<16xf32>,
      %broadcast_in_dim3A_268 = arith.constant 3 : i32
      %broadcast_in_dim3A_269 = vector.broadcast %broadcast_in_dim3A_268 : i32 to vector<16xi32>
      %gather3A_270 = tpu.vector_load_idx %arg10[%add3A_258, %broadcast_in_dim3A_269] : memref<1200x8xf32, #tpu.memory_space<vmem>>[vector<16xi32>, vector<16xi32>], vector<16xf32>,
      %broadcast_in_dim3A_271 = arith.constant 4 : i32
      %broadcast_in_dim3A_272 = vector.broadcast %broadcast_in_dim3A_271 : i32 to vector<16xi32>
      %gather3A_273 = tpu.vector_load_idx %arg10[%add3A_258, %broadcast_in_dim3A_272] : memref<1200x8xf32, #tpu.memory_space<vmem>>[vector<16xi32>, vector<16xi32>], vector<16xf32>,
      %broadcast_in_dim3A_274 = arith.constant 5 : i32
      %broadcast_in_dim3A_275 = vector.broadcast %broadcast_in_dim3A_274 : i32 to vector<16xi32>
      %gather3A_276 = tpu.vector_load_idx %arg10[%add3A_258, %broadcast_in_dim3A_275] : memref<1200x8xf32, #tpu.memory_space<vmem>>[vector<16xi32>, vector<16xi32>], vector<16xf32>,
      %get3A_277 = arith.constant 4 : i32
      %get3A_278 = arith.index_cast %get3A_277 : i32 to index
      %get3A_279 = arith.index_cast %add3A_150 : i32 to index
      %get3A_280 = tpu.vector_load %arg8[%get3A_278, %get3A_279] {strides = array<i32>} : memref<8x3200xf32, #tpu.memory_space<vmem>>, vector<16xf32>,
      %get3A_281 = arith.constant 5 : i32
      %get3A_282 = arith.index_cast %get3A_281 : i32 to index
      %get3A_283 = arith.index_cast %add3A_150 : i32 to index
      %get3A_284 = tpu.vector_load %arg8[%get3A_282, %get3A_283] {strides = array<i32>} : memref<8x3200xf32, #tpu.memory_space<vmem>>, vector<16xf32>,
      %mul3A_285 = arith.mulf %gather3A_261, %get3A_280 : vector<16xf32>
      %mul3A_286 = arith.mulf %gather3A_264, %get3A_284 : vector<16xf32>
      %add3A_287 = arith.addf %mul3A_285, %mul3A_286 : vector<16xf32>
      %mul3A_288 = arith.mulf %add3A_287, %gather3A_276 : vector<16xf32>
      %mul3A_289 = arith.mulf %gather3A_267, %gather3A_276 : vector<16xf32>
      %add3A_290 = arith.addf %add3A_245, %mul3A_288 : vector<16xf32>
      %mul3A_291 = arith.mulf %gather3A_261, %mul3A_288 : vector<16xf32>
      %add3A_292 = arith.addf %add3A_247, %mul3A_291 : vector<16xf32>
      %mul3A_293 = arith.mulf %gather3A_264, %mul3A_288 : vector<16xf32>
      %add3A_294 = arith.addf %add3A_249, %mul3A_293 : vector<16xf32>
      %mul3A_295 = arith.mulf %mul3A_289, %get3A_280 : vector<16xf32>
      %add3A_296 = arith.addf %add3A_251, %mul3A_295 : vector<16xf32>
      %mul3A_297 = arith.mulf %mul3A_289, %get3A_284 : vector<16xf32>
      %add3A_298 = arith.addf %add3A_253, %mul3A_297 : vector<16xf32>
      %add3A_299 = arith.addf %add3A_254, %gather3A_270 : vector<16xf32>
      %add3A_300 = arith.addf %add3A_255, %gather3A_273 : vector<16xf32>
      %get3A_301 = arith.constant 6 : i32
      %get3A_302 = arith.index_cast %get3A_301 : i32 to index
      %get3A_303 = arith.index_cast %add3A_150 : i32 to index
      %get3A_304 = tpu.vector_load %arg8[%get3A_302, %get3A_303] {strides = array<i32>} : memref<8x3200xf32, #tpu.memory_space<vmem>>, vector<16xf32>,
      %div3A = arith.constant 1.000000e+00 : f32
      %div3A_305 = vector.broadcast %div3A : f32 to vector<16xf32>
      %div3A_306 = arith.divf %div3A_305, %get3A_304 : vector<16xf32>
      %get3A_307 = arith.constant 7 : i32
      %get3A_308 = arith.index_cast %get3A_307 : i32 to index
      %get3A_309 = arith.index_cast %add3A_150 : i32 to index
      %get3A_310 = tpu.vector_load %arg8[%get3A_308, %get3A_309] {strides = array<i32>} : memref<8x3200xf32, #tpu.memory_space<vmem>>, vector<16xf32>,
      %neg3A = arith.constant 0.000000e+00 : f32
      %neg3A_311 = vector.broadcast %neg3A : f32 to vector<16xf32>
      %neg3A_312 = arith.subf %neg3A_311, %add3A_292 : vector<16xf32>
      %mul3A_313 = arith.mulf %add3A_296, %div3A_306 : vector<16xf32>
      %sub3A = arith.subf %neg3A_312, %mul3A_313 : vector<16xf32>
      %mul3A_314 = arith.mulf %get3A_310, %sub3A : vector<16xf32>
      %add3A_315 = arith.addf %mul3A_314, %add3A_299 : vector<16xf32>
      %neg3A_316 = arith.constant 0.000000e+00 : f32
      %neg3A_317 = vector.broadcast %neg3A_316 : f32 to vector<16xf32>
      %neg3A_318 = arith.subf %neg3A_317, %add3A_294 : vector<16xf32>
      %mul3A_319 = arith.mulf %add3A_298, %div3A_306 : vector<16xf32>
      %sub3A_320 = arith.subf %neg3A_318, %mul3A_319 : vector<16xf32>
      %mul3A_321 = arith.mulf %get3A_310, %sub3A_320 : vector<16xf32>
      %add3A_322 = arith.addf %mul3A_321, %add3A_300 : vector<16xf32>
      %swap3A = arith.index_cast %add3A_150 : i32 to index
      %swap3A_323 = tpu.vector_load %arg13[%swap3A] {strides = array<i32>} : memref<3200xf32, #tpu.memory_space<vmem>>, vector<16xf32>,
      tpu.vector_store %arg13[%swap3A], %add3A_290 {strides = array<i32>} : memref<3200xf32, #tpu.memory_space<vmem>>, vector<16xf32>,
      %add3A_324 = arith.constant 2000 : i32
      %add3A_325 = vector.broadcast %add3A_324 : i32 to vector<16xi32>
      %add3A_326 = arith.addi %add3A_325, %add3A_154 : vector<16xi32>
      %broadcast_in_dim3A_327 = arith.constant 0 : i32
      %broadcast_in_dim3A_328 = vector.broadcast %broadcast_in_dim3A_327 : i32 to vector<16xi32>
      tpu.vector_store_idx %arg14[%add3A_326, %broadcast_in_dim3A_328], %add3A_315 : memref<3200x2xf32, #tpu.memory_space<vmem>>[vector<16xi32>, vector<16xi32>], vector<16xf32>,
      %broadcast_in_dim3A_329 = arith.constant 1 : i32
      %broadcast_in_dim3A_330 = vector.broadcast %broadcast_in_dim3A_329 : i32 to vector<16xi32>
      tpu.vector_store_idx %arg14[%add3A_326, %broadcast_in_dim3A_330], %add3A_322 : memref<3200x2xf32, #tpu.memory_space<vmem>>[vector<16xi32>, vector<16xi32>], vector<16xf32>,
    }
    %scan3A_123 = arith.constant 25 : i32
    %dma_wait3A_124 = arith.constant 7200 : i32
    %dma_wait3A_125 = tpu.memref_slice %arg7[%dma_wait3A_124] : memref<9600xi32, #tpu.memory_space<vmem>> -> memref<1200xi32, #tpu.memory_space<vmem>>
    %dma_wait3A_126 = arith.constant 0 : i32
    %dma_wait3A_127 = arith.constant 0 : i32
    %dma_wait3A_128 = tpu.memref_slice %arg2[%dma_wait3A_126, %dma_wait3A_127] : memref<150000x8xf32, #tpu.memory_space<hbm>> -> memref<150000x8xf32, #tpu.memory_space<hbm>>
    tpu.wait_indirect_dma semaphore(%arg18 : memref<!tpu.dma_semaphore, #tpu.memory_space<semaphore_mem>>) src(%dma_wait3A_128 : memref<150000x8xf32, #tpu.memory_space<hbm>>) dst(%arg11 : memref<1200x8xf32, #tpu.memory_space<vmem>>)
    %scan3A_129 = arith.constant 0 : i32
    %scan3A_130 = arith.constant 0 : i32
    %scan3A_131 = arith.constant 25 : i32
    %scan3A_132 = arith.addi %scan3A_130, %scan3A_131 : i32
    %scan3A_133 = arith.constant 1 : i32
    scf.for %scan3A_146 = %scan3A_130 to %scan3A_132 step %scan3A_133  : i32 {
      %mul3A_147 = arith.constant 16 : i32
      %mul3A_148 = arith.muli %scan3A_146, %mul3A_147 : i32
      %add3A_149 = arith.constant 2400 : i32
      %add3A_150 = arith.addi %add3A_149, %mul3A_148 : i32
      %mul3A_151 = arith.constant 16 : i32
      %mul3A_152 = arith.muli %scan3A_146, %mul3A_151 : i32
      %iota3A = tpu.iota {dimensions = array<i32: 0>} : vector<16xi32>
      %add3A_153 = vector.broadcast %mul3A_152 : i32 to vector<16xi32>
      %add3A_154 = arith.addi %add3A_153, %iota3A : vector<16xi32>
      %broadcast_in_dim3A = arith.constant 0.000000e+00 : f32
      %broadcast_in_dim3A_155 = vector.broadcast %broadcast_in_dim3A : f32 to vector<16xf32>
      %broadcast_in_dim3A_156 = arith.constant 0.000000e+00 : f32
      %broadcast_in_dim3A_157 = vector.broadcast %broadcast_in_dim3A_156 : f32 to vector<16xf32>
      %broadcast_in_dim3A_158 = arith.constant 0.000000e+00 : f32
      %broadcast_in_dim3A_159 = vector.broadcast %broadcast_in_dim3A_158 : f32 to vector<16xf32>
      %broadcast_in_dim3A_160 = arith.constant 0.000000e+00 : f32
      %broadcast_in_dim3A_161 = vector.broadcast %broadcast_in_dim3A_160 : f32 to vector<16xf32>
      %broadcast_in_dim3A_162 = arith.constant 0.000000e+00 : f32
      %broadcast_in_dim3A_163 = vector.broadcast %broadcast_in_dim3A_162 : f32 to vector<16xf32>
      %broadcast_in_dim3A_164 = arith.constant 0.000000e+00 : f32
      %broadcast_in_dim3A_165 = vector.broadcast %broadcast_in_dim3A_164 : f32 to vector<16xf32>
      %broadcast_in_dim3A_166 = arith.constant 0.000000e+00 : f32
      %broadcast_in_dim3A_167 = vector.broadcast %broadcast_in_dim3A_166 : f32 to vector<16xf32>
      %add3A_168 = arith.constant 0 : i32
      %add3A_169 = vector.broadcast %add3A_168 : i32 to vector<16xi32>
      %add3A_170 = arith.addi %add3A_169, %add3A_154 : vector<16xi32>
      %broadcast_in_dim3A_171 = arith.constant 0 : i32
      %broadcast_in_dim3A_172 = vector.broadcast %broadcast_in_dim3A_171 : i32 to vector<16xi32>
      %gather3A = tpu.vector_load_idx %arg11[%add3A_170, %broadcast_in_dim3A_172] : memref<1200x8xf32, #tpu.memory_space<vmem>>[vector<16xi32>, vector<16xi32>], vector<16xf32>,
      %broadcast_in_dim3A_173 = arith.constant 1 : i32
      %broadcast_in_dim3A_174 = vector.broadcast %broadcast_in_dim3A_173 : i32 to vector<16xi32>
      %gather3A_175 = tpu.vector_load_idx %arg11[%add3A_170, %broadcast_in_dim3A_174] : memref<1200x8xf32, #tpu.memory_space<vmem>>[vector<16xi32>, vector<16xi32>], vector<16xf32>,
      %broadcast_in_dim3A_176 = arith.constant 2 : i32
      %broadcast_in_dim3A_177 = vector.broadcast %broadcast_in_dim3A_176 : i32 to vector<16xi32>
      %gather3A_178 = tpu.vector_load_idx %arg11[%add3A_170, %broadcast_in_dim3A_177] : memref<1200x8xf32, #tpu.memory_space<vmem>>[vector<16xi32>, vector<16xi32>], vector<16xf32>,
      %broadcast_in_dim3A_179 = arith.constant 3 : i32
      %broadcast_in_dim3A_180 = vector.broadcast %broadcast_in_dim3A_179 : i32 to vector<16xi32>
      %gather3A_181 = tpu.vector_load_idx %arg11[%add3A_170, %broadcast_in_dim3A_180] : memref<1200x8xf32, #tpu.memory_space<vmem>>[vector<16xi32>, vector<16xi32>], vector<16xf32>,
      %broadcast_in_dim3A_182 = arith.constant 4 : i32
      %broadcast_in_dim3A_183 = vector.broadcast %broadcast_in_dim3A_182 : i32 to vector<16xi32>
      %gather3A_184 = tpu.vector_load_idx %arg11[%add3A_170, %broadcast_in_dim3A_183] : memref<1200x8xf32, #tpu.memory_space<vmem>>[vector<16xi32>, vector<16xi32>], vector<16xf32>,
      %broadcast_in_dim3A_185 = arith.constant 5 : i32
      %broadcast_in_dim3A_186 = vector.broadcast %broadcast_in_dim3A_185 : i32 to vector<16xi32>
      %gather3A_187 = tpu.vector_load_idx %arg11[%add3A_170, %broadcast_in_dim3A_186] : memref<1200x8xf32, #tpu.memory_space<vmem>>[vector<16xi32>, vector<16xi32>], vector<16xf32>,
      %get3A = arith.constant 0 : i32
      %get3A_188 = arith.index_cast %get3A : i32 to index
      %get3A_189 = arith.index_cast %add3A_150 : i32 to index
      %get3A_190 = tpu.vector_load %arg8[%get3A_188, %get3A_189] {strides = array<i32>} : memref<8x3200xf32, #tpu.memory_space<vmem>>, vector<16xf32>,
      %get3A_191 = arith.constant 1 : i32
      %get3A_192 = arith.index_cast %get3A_191 : i32 to index
      %get3A_193 = arith.index_cast %add3A_150 : i32 to index
      %get3A_194 = tpu.vector_load %arg8[%get3A_192, %get3A_193] {strides = array<i32>} : memref<8x3200xf32, #tpu.memory_space<vmem>>, vector<16xf32>,
      %mul3A_195 = arith.mulf %gather3A, %get3A_190 : vector<16xf32>
      %mul3A_196 = arith.mulf %gather3A_175, %get3A_194 : vector<16xf32>
      %add3A_197 = arith.addf %mul3A_195, %mul3A_196 : vector<16xf32>
      %mul3A_198 = arith.mulf %add3A_197, %gather3A_187 : vector<16xf32>
      %mul3A_199 = arith.mulf %gather3A_178, %gather3A_187 : vector<16xf32>
      %add3A_200 = arith.addf %broadcast_in_dim3A_155, %mul3A_198 : vector<16xf32>
      %mul3A_201 = arith.mulf %gather3A, %mul3A_198 : vector<16xf32>
      %add3A_202 = arith.addf %broadcast_in_dim3A_157, %mul3A_201 : vector<16xf32>
      %mul3A_203 = arith.mulf %gather3A_175, %mul3A_198 : vector<16xf32>
      %add3A_204 = arith.addf %broadcast_in_dim3A_159, %mul3A_203 : vector<16xf32>
      %mul3A_205 = arith.mulf %mul3A_199, %get3A_190 : vector<16xf32>
      %add3A_206 = arith.addf %broadcast_in_dim3A_161, %mul3A_205 : vector<16xf32>
      %mul3A_207 = arith.mulf %mul3A_199, %get3A_194 : vector<16xf32>
      %add3A_208 = arith.addf %broadcast_in_dim3A_163, %mul3A_207 : vector<16xf32>
      %add3A_209 = arith.addf %broadcast_in_dim3A_165, %gather3A_181 : vector<16xf32>
      %add3A_210 = arith.addf %broadcast_in_dim3A_167, %gather3A_184 : vector<16xf32>
      %add3A_211 = arith.constant 400 : i32
      %add3A_212 = vector.broadcast %add3A_211 : i32 to vector<16xi32>
      %add3A_213 = arith.addi %add3A_212, %add3A_154 : vector<16xi32>
      %broadcast_in_dim3A_214 = arith.constant 0 : i32
      %broadcast_in_dim3A_215 = vector.broadcast %broadcast_in_dim3A_214 : i32 to vector<16xi32>
      %gather3A_216 = tpu.vector_load_idx %arg11[%add3A_213, %broadcast_in_dim3A_215] : memref<1200x8xf32, #tpu.memory_space<vmem>>[vector<16xi32>, vector<16xi32>], vector<16xf32>,
      %broadcast_in_dim3A_217 = arith.constant 1 : i32
      %broadcast_in_dim3A_218 = vector.broadcast %broadcast_in_dim3A_217 : i32 to vector<16xi32>
      %gather3A_219 = tpu.vector_load_idx %arg11[%add3A_213, %broadcast_in_dim3A_218] : memref<1200x8xf32, #tpu.memory_space<vmem>>[vector<16xi32>, vector<16xi32>], vector<16xf32>,
      %broadcast_in_dim3A_220 = arith.constant 2 : i32
      %broadcast_in_dim3A_221 = vector.broadcast %broadcast_in_dim3A_220 : i32 to vector<16xi32>
      %gather3A_222 = tpu.vector_load_idx %arg11[%add3A_213, %broadcast_in_dim3A_221] : memref<1200x8xf32, #tpu.memory_space<vmem>>[vector<16xi32>, vector<16xi32>], vector<16xf32>,
      %broadcast_in_dim3A_223 = arith.constant 3 : i32
      %broadcast_in_dim3A_224 = vector.broadcast %broadcast_in_dim3A_223 : i32 to vector<16xi32>
      %gather3A_225 = tpu.vector_load_idx %arg11[%add3A_213, %broadcast_in_dim3A_224] : memref<1200x8xf32, #tpu.memory_space<vmem>>[vector<16xi32>, vector<16xi32>], vector<16xf32>,
      %broadcast_in_dim3A_226 = arith.constant 4 : i32
      %broadcast_in_dim3A_227 = vector.broadcast %broadcast_in_dim3A_226 : i32 to vector<16xi32>
      %gather3A_228 = tpu.vector_load_idx %arg11[%add3A_213, %broadcast_in_dim3A_227] : memref<1200x8xf32, #tpu.memory_space<vmem>>[vector<16xi32>, vector<16xi32>], vector<16xf32>,
      %broadcast_in_dim3A_229 = arith.constant 5 : i32
      %broadcast_in_dim3A_230 = vector.broadcast %broadcast_in_dim3A_229 : i32 to vector<16xi32>
      %gather3A_231 = tpu.vector_load_idx %arg11[%add3A_213, %broadcast_in_dim3A_230] : memref<1200x8xf32, #tpu.memory_space<vmem>>[vector<16xi32>, vector<16xi32>], vector<16xf32>,
      %get3A_232 = arith.constant 2 : i32
      %get3A_233 = arith.index_cast %get3A_232 : i32 to index
      %get3A_234 = arith.index_cast %add3A_150 : i32 to index
      %get3A_235 = tpu.vector_load %arg8[%get3A_233, %get3A_234] {strides = array<i32>} : memref<8x3200xf32, #tpu.memory_space<vmem>>, vector<16xf32>,
      %get3A_236 = arith.constant 3 : i32
      %get3A_237 = arith.index_cast %get3A_236 : i32 to index
      %get3A_238 = arith.index_cast %add3A_150 : i32 to index
      %get3A_239 = tpu.vector_load %arg8[%get3A_237, %get3A_238] {strides = array<i32>} : memref<8x3200xf32, #tpu.memory_space<vmem>>, vector<16xf32>,
      %mul3A_240 = arith.mulf %gather3A_216, %get3A_235 : vector<16xf32>
      %mul3A_241 = arith.mulf %gather3A_219, %get3A_239 : vector<16xf32>
      %add3A_242 = arith.addf %mul3A_240, %mul3A_241 : vector<16xf32>
      %mul3A_243 = arith.mulf %add3A_242, %gather3A_231 : vector<16xf32>
      %mul3A_244 = arith.mulf %gather3A_222, %gather3A_231 : vector<16xf32>
      %add3A_245 = arith.addf %add3A_200, %mul3A_243 : vector<16xf32>
      %mul3A_246 = arith.mulf %gather3A_216, %mul3A_243 : vector<16xf32>
      %add3A_247 = arith.addf %add3A_202, %mul3A_246 : vector<16xf32>
      %mul3A_248 = arith.mulf %gather3A_219, %mul3A_243 : vector<16xf32>
      %add3A_249 = arith.addf %add3A_204, %mul3A_248 : vector<16xf32>
      %mul3A_250 = arith.mulf %mul3A_244, %get3A_235 : vector<16xf32>
      %add3A_251 = arith.addf %add3A_206, %mul3A_250 : vector<16xf32>
      %mul3A_252 = arith.mulf %mul3A_244, %get3A_239 : vector<16xf32>
      %add3A_253 = arith.addf %add3A_208, %mul3A_252 : vector<16xf32>
      %add3A_254 = arith.addf %add3A_209, %gather3A_225 : vector<16xf32>
      %add3A_255 = arith.addf %add3A_210, %gather3A_228 : vector<16xf32>
      %add3A_256 = arith.constant 800 : i32
      %add3A_257 = vector.broadcast %add3A_256 : i32 to vector<16xi32>
      %add3A_258 = arith.addi %add3A_257, %add3A_154 : vector<16xi32>
      %broadcast_in_dim3A_259 = arith.constant 0 : i32
      %broadcast_in_dim3A_260 = vector.broadcast %broadcast_in_dim3A_259 : i32 to vector<16xi32>
      %gather3A_261 = tpu.vector_load_idx %arg11[%add3A_258, %broadcast_in_dim3A_260] : memref<1200x8xf32, #tpu.memory_space<vmem>>[vector<16xi32>, vector<16xi32>], vector<16xf32>,
      %broadcast_in_dim3A_262 = arith.constant 1 : i32
      %broadcast_in_dim3A_263 = vector.broadcast %broadcast_in_dim3A_262 : i32 to vector<16xi32>
      %gather3A_264 = tpu.vector_load_idx %arg11[%add3A_258, %broadcast_in_dim3A_263] : memref<1200x8xf32, #tpu.memory_space<vmem>>[vector<16xi32>, vector<16xi32>], vector<16xf32>,
      %broadcast_in_dim3A_265 = arith.constant 2 : i32
      %broadcast_in_dim3A_266 = vector.broadcast %broadcast_in_dim3A_265 : i32 to vector<16xi32>
      %gather3A_267 = tpu.vector_load_idx %arg11[%add3A_258, %broadcast_in_dim3A_266] : memref<1200x8xf32, #tpu.memory_space<vmem>>[vector<16xi32>, vector<16xi32>], vector<16xf32>,
      %broadcast_in_dim3A_268 = arith.constant 3 : i32
      %broadcast_in_dim3A_269 = vector.broadcast %broadcast_in_dim3A_268 : i32 to vector<16xi32>
      %gather3A_270 = tpu.vector_load_idx %arg11[%add3A_258, %broadcast_in_dim3A_269] : memref<1200x8xf32, #tpu.memory_space<vmem>>[vector<16xi32>, vector<16xi32>], vector<16xf32>,
      %broadcast_in_dim3A_271 = arith.constant 4 : i32
      %broadcast_in_dim3A_272 = vector.broadcast %broadcast_in_dim3A_271 : i32 to vector<16xi32>
      %gather3A_273 = tpu.vector_load_idx %arg11[%add3A_258, %broadcast_in_dim3A_272] : memref<1200x8xf32, #tpu.memory_space<vmem>>[vector<16xi32>, vector<16xi32>], vector<16xf32>,
      %broadcast_in_dim3A_274 = arith.constant 5 : i32
      %broadcast_in_dim3A_275 = vector.broadcast %broadcast_in_dim3A_274 : i32 to vector<16xi32>
      %gather3A_276 = tpu.vector_load_idx %arg11[%add3A_258, %broadcast_in_dim3A_275] : memref<1200x8xf32, #tpu.memory_space<vmem>>[vector<16xi32>, vector<16xi32>], vector<16xf32>,
      %get3A_277 = arith.constant 4 : i32
      %get3A_278 = arith.index_cast %get3A_277 : i32 to index
      %get3A_279 = arith.index_cast %add3A_150 : i32 to index
      %get3A_280 = tpu.vector_load %arg8[%get3A_278, %get3A_279] {strides = array<i32>} : memref<8x3200xf32, #tpu.memory_space<vmem>>, vector<16xf32>,
      %get3A_281 = arith.constant 5 : i32
      %get3A_282 = arith.index_cast %get3A_281 : i32 to index
      %get3A_283 = arith.index_cast %add3A_150 : i32 to index
      %get3A_284 = tpu.vector_load %arg8[%get3A_282, %get3A_283] {strides = array<i32>} : memref<8x3200xf32, #tpu.memory_space<vmem>>, vector<16xf32>,
      %mul3A_285 = arith.mulf %gather3A_261, %get3A_280 : vector<16xf32>
      %mul3A_286 = arith.mulf %gather3A_264, %get3A_284 : vector<16xf32>
      %add3A_287 = arith.addf %mul3A_285, %mul3A_286 : vector<16xf32>
      %mul3A_288 = arith.mulf %add3A_287, %gather3A_276 : vector<16xf32>
      %mul3A_289 = arith.mulf %gather3A_267, %gather3A_276 : vector<16xf32>
      %add3A_290 = arith.addf %add3A_245, %mul3A_288 : vector<16xf32>
      %mul3A_291 = arith.mulf %gather3A_261, %mul3A_288 : vector<16xf32>
      %add3A_292 = arith.addf %add3A_247, %mul3A_291 : vector<16xf32>
      %mul3A_293 = arith.mulf %gather3A_264, %mul3A_288 : vector<16xf32>
      %add3A_294 = arith.addf %add3A_249, %mul3A_293 : vector<16xf32>
      %mul3A_295 = arith.mulf %mul3A_289, %get3A_280 : vector<16xf32>
      %add3A_296 = arith.addf %add3A_251, %mul3A_295 : vector<16xf32>
      %mul3A_297 = arith.mulf %mul3A_289, %get3A_284 : vector<16xf32>
      %add3A_298 = arith.addf %add3A_253, %mul3A_297 : vector<16xf32>
      %add3A_299 = arith.addf %add3A_254, %gather3A_270 : vector<16xf32>
      %add3A_300 = arith.addf %add3A_255, %gather3A_273 : vector<16xf32>
      %get3A_301 = arith.constant 6 : i32
      %get3A_302 = arith.index_cast %get3A_301 : i32 to index
      %get3A_303 = arith.index_cast %add3A_150 : i32 to index
      %get3A_304 = tpu.vector_load %arg8[%get3A_302, %get3A_303] {strides = array<i32>} : memref<8x3200xf32, #tpu.memory_space<vmem>>, vector<16xf32>,
      %div3A = arith.constant 1.000000e+00 : f32
      %div3A_305 = vector.broadcast %div3A : f32 to vector<16xf32>
      %div3A_306 = arith.divf %div3A_305, %get3A_304 : vector<16xf32>
      %get3A_307 = arith.constant 7 : i32
      %get3A_308 = arith.index_cast %get3A_307 : i32 to index
      %get3A_309 = arith.index_cast %add3A_150 : i32 to index
      %get3A_310 = tpu.vector_load %arg8[%get3A_308, %get3A_309] {strides = array<i32>} : memref<8x3200xf32, #tpu.memory_space<vmem>>, vector<16xf32>,
      %neg3A = arith.constant 0.000000e+00 : f32
      %neg3A_311 = vector.broadcast %neg3A : f32 to vector<16xf32>
      %neg3A_312 = arith.subf %neg3A_311, %add3A_292 : vector<16xf32>
      %mul3A_313 = arith.mulf %add3A_296, %div3A_306 : vector<16xf32>
      %sub3A = arith.subf %neg3A_312, %mul3A_313 : vector<16xf32>
      %mul3A_314 = arith.mulf %get3A_310, %sub3A : vector<16xf32>
      %add3A_315 = arith.addf %mul3A_314, %add3A_299 : vector<16xf32>
      %neg3A_316 = arith.constant 0.000000e+00 : f32
      %neg3A_317 = vector.broadcast %neg3A_316 : f32 to vector<16xf32>
      %neg3A_318 = arith.subf %neg3A_317, %add3A_294 : vector<16xf32>
      %mul3A_319 = arith.mulf %add3A_298, %div3A_306 : vector<16xf32>
      %sub3A_320 = arith.subf %neg3A_318, %mul3A_319 : vector<16xf32>
      %mul3A_321 = arith.mulf %get3A_310, %sub3A_320 : vector<16xf32>
      %add3A_322 = arith.addf %mul3A_321, %add3A_300 : vector<16xf32>
      %swap3A = arith.index_cast %add3A_150 : i32 to index
      %swap3A_323 = tpu.vector_load %arg13[%swap3A] {strides = array<i32>} : memref<3200xf32, #tpu.memory_space<vmem>>, vector<16xf32>,
      tpu.vector_store %arg13[%swap3A], %add3A_290 {strides = array<i32>} : memref<3200xf32, #tpu.memory_space<vmem>>, vector<16xf32>,
      %add3A_324 = arith.constant 2400 : i32
      %add3A_325 = vector.broadcast %add3A_324 : i32 to vector<16xi32>
      %add3A_326 = arith.addi %add3A_325, %add3A_154 : vector<16xi32>
      %broadcast_in_dim3A_327 = arith.constant 0 : i32
      %broadcast_in_dim3A_328 = vector.broadcast %broadcast_in_dim3A_327 : i32 to vector<16xi32>
      tpu.vector_store_idx %arg14[%add3A_326, %broadcast_in_dim3A_328], %add3A_315 : memref<3200x2xf32, #tpu.memory_space<vmem>>[vector<16xi32>, vector<16xi32>], vector<16xf32>,
      %broadcast_in_dim3A_329 = arith.constant 1 : i32
      %broadcast_in_dim3A_330 = vector.broadcast %broadcast_in_dim3A_329 : i32 to vector<16xi32>
      tpu.vector_store_idx %arg14[%add3A_326, %broadcast_in_dim3A_330], %add3A_322 : memref<3200x2xf32, #tpu.memory_space<vmem>>[vector<16xi32>, vector<16xi32>], vector<16xf32>,
    }
    %scan3A_134 = arith.constant 25 : i32
    %dma_wait3A_135 = arith.constant 8400 : i32
    %dma_wait3A_136 = tpu.memref_slice %arg7[%dma_wait3A_135] : memref<9600xi32, #tpu.memory_space<vmem>> -> memref<1200xi32, #tpu.memory_space<vmem>>
    %dma_wait3A_137 = arith.constant 0 : i32
    %dma_wait3A_138 = arith.constant 0 : i32
    %dma_wait3A_139 = tpu.memref_slice %arg2[%dma_wait3A_137, %dma_wait3A_138] : memref<150000x8xf32, #tpu.memory_space<hbm>> -> memref<150000x8xf32, #tpu.memory_space<hbm>>
    tpu.wait_indirect_dma semaphore(%arg19 : memref<!tpu.dma_semaphore, #tpu.memory_space<semaphore_mem>>) src(%dma_wait3A_139 : memref<150000x8xf32, #tpu.memory_space<hbm>>) dst(%arg12 : memref<1200x8xf32, #tpu.memory_space<vmem>>)
    %scan3A_140 = arith.constant 0 : i32
    %scan3A_141 = arith.constant 0 : i32
    %scan3A_142 = arith.constant 25 : i32
    %scan3A_143 = arith.addi %scan3A_141, %scan3A_142 : i32
    %scan3A_144 = arith.constant 1 : i32
    scf.for %scan3A_146 = %scan3A_141 to %scan3A_143 step %scan3A_144  : i32 {
      %mul3A_147 = arith.constant 16 : i32
      %mul3A_148 = arith.muli %scan3A_146, %mul3A_147 : i32
      %add3A_149 = arith.constant 2800 : i32
      %add3A_150 = arith.addi %add3A_149, %mul3A_148 : i32
      %mul3A_151 = arith.constant 16 : i32
      %mul3A_152 = arith.muli %scan3A_146, %mul3A_151 : i32
      %iota3A = tpu.iota {dimensions = array<i32: 0>} : vector<16xi32>
      %add3A_153 = vector.broadcast %mul3A_152 : i32 to vector<16xi32>
      %add3A_154 = arith.addi %add3A_153, %iota3A : vector<16xi32>
      %broadcast_in_dim3A = arith.constant 0.000000e+00 : f32
      %broadcast_in_dim3A_155 = vector.broadcast %broadcast_in_dim3A : f32 to vector<16xf32>
      %broadcast_in_dim3A_156 = arith.constant 0.000000e+00 : f32
      %broadcast_in_dim3A_157 = vector.broadcast %broadcast_in_dim3A_156 : f32 to vector<16xf32>
      %broadcast_in_dim3A_158 = arith.constant 0.000000e+00 : f32
      %broadcast_in_dim3A_159 = vector.broadcast %broadcast_in_dim3A_158 : f32 to vector<16xf32>
      %broadcast_in_dim3A_160 = arith.constant 0.000000e+00 : f32
      %broadcast_in_dim3A_161 = vector.broadcast %broadcast_in_dim3A_160 : f32 to vector<16xf32>
      %broadcast_in_dim3A_162 = arith.constant 0.000000e+00 : f32
      %broadcast_in_dim3A_163 = vector.broadcast %broadcast_in_dim3A_162 : f32 to vector<16xf32>
      %broadcast_in_dim3A_164 = arith.constant 0.000000e+00 : f32
      %broadcast_in_dim3A_165 = vector.broadcast %broadcast_in_dim3A_164 : f32 to vector<16xf32>
      %broadcast_in_dim3A_166 = arith.constant 0.000000e+00 : f32
      %broadcast_in_dim3A_167 = vector.broadcast %broadcast_in_dim3A_166 : f32 to vector<16xf32>
      %add3A_168 = arith.constant 0 : i32
      %add3A_169 = vector.broadcast %add3A_168 : i32 to vector<16xi32>
      %add3A_170 = arith.addi %add3A_169, %add3A_154 : vector<16xi32>
      %broadcast_in_dim3A_171 = arith.constant 0 : i32
      %broadcast_in_dim3A_172 = vector.broadcast %broadcast_in_dim3A_171 : i32 to vector<16xi32>
      %gather3A = tpu.vector_load_idx %arg12[%add3A_170, %broadcast_in_dim3A_172] : memref<1200x8xf32, #tpu.memory_space<vmem>>[vector<16xi32>, vector<16xi32>], vector<16xf32>,
      %broadcast_in_dim3A_173 = arith.constant 1 : i32
      %broadcast_in_dim3A_174 = vector.broadcast %broadcast_in_dim3A_173 : i32 to vector<16xi32>
      %gather3A_175 = tpu.vector_load_idx %arg12[%add3A_170, %broadcast_in_dim3A_174] : memref<1200x8xf32, #tpu.memory_space<vmem>>[vector<16xi32>, vector<16xi32>], vector<16xf32>,
      %broadcast_in_dim3A_176 = arith.constant 2 : i32
      %broadcast_in_dim3A_177 = vector.broadcast %broadcast_in_dim3A_176 : i32 to vector<16xi32>
      %gather3A_178 = tpu.vector_load_idx %arg12[%add3A_170, %broadcast_in_dim3A_177] : memref<1200x8xf32, #tpu.memory_space<vmem>>[vector<16xi32>, vector<16xi32>], vector<16xf32>,
      %broadcast_in_dim3A_179 = arith.constant 3 : i32
      %broadcast_in_dim3A_180 = vector.broadcast %broadcast_in_dim3A_179 : i32 to vector<16xi32>
      %gather3A_181 = tpu.vector_load_idx %arg12[%add3A_170, %broadcast_in_dim3A_180] : memref<1200x8xf32, #tpu.memory_space<vmem>>[vector<16xi32>, vector<16xi32>], vector<16xf32>,
      %broadcast_in_dim3A_182 = arith.constant 4 : i32
      %broadcast_in_dim3A_183 = vector.broadcast %broadcast_in_dim3A_182 : i32 to vector<16xi32>
      %gather3A_184 = tpu.vector_load_idx %arg12[%add3A_170, %broadcast_in_dim3A_183] : memref<1200x8xf32, #tpu.memory_space<vmem>>[vector<16xi32>, vector<16xi32>], vector<16xf32>,
      %broadcast_in_dim3A_185 = arith.constant 5 : i32
      %broadcast_in_dim3A_186 = vector.broadcast %broadcast_in_dim3A_185 : i32 to vector<16xi32>
      %gather3A_187 = tpu.vector_load_idx %arg12[%add3A_170, %broadcast_in_dim3A_186] : memref<1200x8xf32, #tpu.memory_space<vmem>>[vector<16xi32>, vector<16xi32>], vector<16xf32>,
      %get3A = arith.constant 0 : i32
      %get3A_188 = arith.index_cast %get3A : i32 to index
      %get3A_189 = arith.index_cast %add3A_150 : i32 to index
      %get3A_190 = tpu.vector_load %arg8[%get3A_188, %get3A_189] {strides = array<i32>} : memref<8x3200xf32, #tpu.memory_space<vmem>>, vector<16xf32>,
      %get3A_191 = arith.constant 1 : i32
      %get3A_192 = arith.index_cast %get3A_191 : i32 to index
      %get3A_193 = arith.index_cast %add3A_150 : i32 to index
      %get3A_194 = tpu.vector_load %arg8[%get3A_192, %get3A_193] {strides = array<i32>} : memref<8x3200xf32, #tpu.memory_space<vmem>>, vector<16xf32>,
      %mul3A_195 = arith.mulf %gather3A, %get3A_190 : vector<16xf32>
      %mul3A_196 = arith.mulf %gather3A_175, %get3A_194 : vector<16xf32>
      %add3A_197 = arith.addf %mul3A_195, %mul3A_196 : vector<16xf32>
      %mul3A_198 = arith.mulf %add3A_197, %gather3A_187 : vector<16xf32>
      %mul3A_199 = arith.mulf %gather3A_178, %gather3A_187 : vector<16xf32>
      %add3A_200 = arith.addf %broadcast_in_dim3A_155, %mul3A_198 : vector<16xf32>
      %mul3A_201 = arith.mulf %gather3A, %mul3A_198 : vector<16xf32>
      %add3A_202 = arith.addf %broadcast_in_dim3A_157, %mul3A_201 : vector<16xf32>
      %mul3A_203 = arith.mulf %gather3A_175, %mul3A_198 : vector<16xf32>
      %add3A_204 = arith.addf %broadcast_in_dim3A_159, %mul3A_203 : vector<16xf32>
      %mul3A_205 = arith.mulf %mul3A_199, %get3A_190 : vector<16xf32>
      %add3A_206 = arith.addf %broadcast_in_dim3A_161, %mul3A_205 : vector<16xf32>
      %mul3A_207 = arith.mulf %mul3A_199, %get3A_194 : vector<16xf32>
      %add3A_208 = arith.addf %broadcast_in_dim3A_163, %mul3A_207 : vector<16xf32>
      %add3A_209 = arith.addf %broadcast_in_dim3A_165, %gather3A_181 : vector<16xf32>
      %add3A_210 = arith.addf %broadcast_in_dim3A_167, %gather3A_184 : vector<16xf32>
      %add3A_211 = arith.constant 400 : i32
      %add3A_212 = vector.broadcast %add3A_211 : i32 to vector<16xi32>
      %add3A_213 = arith.addi %add3A_212, %add3A_154 : vector<16xi32>
      %broadcast_in_dim3A_214 = arith.constant 0 : i32
      %broadcast_in_dim3A_215 = vector.broadcast %broadcast_in_dim3A_214 : i32 to vector<16xi32>
      %gather3A_216 = tpu.vector_load_idx %arg12[%add3A_213, %broadcast_in_dim3A_215] : memref<1200x8xf32, #tpu.memory_space<vmem>>[vector<16xi32>, vector<16xi32>], vector<16xf32>,
      %broadcast_in_dim3A_217 = arith.constant 1 : i32
      %broadcast_in_dim3A_218 = vector.broadcast %broadcast_in_dim3A_217 : i32 to vector<16xi32>
      %gather3A_219 = tpu.vector_load_idx %arg12[%add3A_213, %broadcast_in_dim3A_218] : memref<1200x8xf32, #tpu.memory_space<vmem>>[vector<16xi32>, vector<16xi32>], vector<16xf32>,
      %broadcast_in_dim3A_220 = arith.constant 2 : i32
      %broadcast_in_dim3A_221 = vector.broadcast %broadcast_in_dim3A_220 : i32 to vector<16xi32>
      %gather3A_222 = tpu.vector_load_idx %arg12[%add3A_213, %broadcast_in_dim3A_221] : memref<1200x8xf32, #tpu.memory_space<vmem>>[vector<16xi32>, vector<16xi32>], vector<16xf32>,
      %broadcast_in_dim3A_223 = arith.constant 3 : i32
      %broadcast_in_dim3A_224 = vector.broadcast %broadcast_in_dim3A_223 : i32 to vector<16xi32>
      %gather3A_225 = tpu.vector_load_idx %arg12[%add3A_213, %broadcast_in_dim3A_224] : memref<1200x8xf32, #tpu.memory_space<vmem>>[vector<16xi32>, vector<16xi32>], vector<16xf32>,
      %broadcast_in_dim3A_226 = arith.constant 4 : i32
      %broadcast_in_dim3A_227 = vector.broadcast %broadcast_in_dim3A_226 : i32 to vector<16xi32>
      %gather3A_228 = tpu.vector_load_idx %arg12[%add3A_213, %broadcast_in_dim3A_227] : memref<1200x8xf32, #tpu.memory_space<vmem>>[vector<16xi32>, vector<16xi32>], vector<16xf32>,
      %broadcast_in_dim3A_229 = arith.constant 5 : i32
      %broadcast_in_dim3A_230 = vector.broadcast %broadcast_in_dim3A_229 : i32 to vector<16xi32>
      %gather3A_231 = tpu.vector_load_idx %arg12[%add3A_213, %broadcast_in_dim3A_230] : memref<1200x8xf32, #tpu.memory_space<vmem>>[vector<16xi32>, vector<16xi32>], vector<16xf32>,
      %get3A_232 = arith.constant 2 : i32
      %get3A_233 = arith.index_cast %get3A_232 : i32 to index
      %get3A_234 = arith.index_cast %add3A_150 : i32 to index
      %get3A_235 = tpu.vector_load %arg8[%get3A_233, %get3A_234] {strides = array<i32>} : memref<8x3200xf32, #tpu.memory_space<vmem>>, vector<16xf32>,
      %get3A_236 = arith.constant 3 : i32
      %get3A_237 = arith.index_cast %get3A_236 : i32 to index
      %get3A_238 = arith.index_cast %add3A_150 : i32 to index
      %get3A_239 = tpu.vector_load %arg8[%get3A_237, %get3A_238] {strides = array<i32>} : memref<8x3200xf32, #tpu.memory_space<vmem>>, vector<16xf32>,
      %mul3A_240 = arith.mulf %gather3A_216, %get3A_235 : vector<16xf32>
      %mul3A_241 = arith.mulf %gather3A_219, %get3A_239 : vector<16xf32>
      %add3A_242 = arith.addf %mul3A_240, %mul3A_241 : vector<16xf32>
      %mul3A_243 = arith.mulf %add3A_242, %gather3A_231 : vector<16xf32>
      %mul3A_244 = arith.mulf %gather3A_222, %gather3A_231 : vector<16xf32>
      %add3A_245 = arith.addf %add3A_200, %mul3A_243 : vector<16xf32>
      %mul3A_246 = arith.mulf %gather3A_216, %mul3A_243 : vector<16xf32>
      %add3A_247 = arith.addf %add3A_202, %mul3A_246 : vector<16xf32>
      %mul3A_248 = arith.mulf %gather3A_219, %mul3A_243 : vector<16xf32>
      %add3A_249 = arith.addf %add3A_204, %mul3A_248 : vector<16xf32>
      %mul3A_250 = arith.mulf %mul3A_244, %get3A_235 : vector<16xf32>
      %add3A_251 = arith.addf %add3A_206, %mul3A_250 : vector<16xf32>
      %mul3A_252 = arith.mulf %mul3A_244, %get3A_239 : vector<16xf32>
      %add3A_253 = arith.addf %add3A_208, %mul3A_252 : vector<16xf32>
      %add3A_254 = arith.addf %add3A_209, %gather3A_225 : vector<16xf32>
      %add3A_255 = arith.addf %add3A_210, %gather3A_228 : vector<16xf32>
      %add3A_256 = arith.constant 800 : i32
      %add3A_257 = vector.broadcast %add3A_256 : i32 to vector<16xi32>
      %add3A_258 = arith.addi %add3A_257, %add3A_154 : vector<16xi32>
      %broadcast_in_dim3A_259 = arith.constant 0 : i32
      %broadcast_in_dim3A_260 = vector.broadcast %broadcast_in_dim3A_259 : i32 to vector<16xi32>
      %gather3A_261 = tpu.vector_load_idx %arg12[%add3A_258, %broadcast_in_dim3A_260] : memref<1200x8xf32, #tpu.memory_space<vmem>>[vector<16xi32>, vector<16xi32>], vector<16xf32>,
      %broadcast_in_dim3A_262 = arith.constant 1 : i32
      %broadcast_in_dim3A_263 = vector.broadcast %broadcast_in_dim3A_262 : i32 to vector<16xi32>
      %gather3A_264 = tpu.vector_load_idx %arg12[%add3A_258, %broadcast_in_dim3A_263] : memref<1200x8xf32, #tpu.memory_space<vmem>>[vector<16xi32>, vector<16xi32>], vector<16xf32>,
      %broadcast_in_dim3A_265 = arith.constant 2 : i32
      %broadcast_in_dim3A_266 = vector.broadcast %broadcast_in_dim3A_265 : i32 to vector<16xi32>
      %gather3A_267 = tpu.vector_load_idx %arg12[%add3A_258, %broadcast_in_dim3A_266] : memref<1200x8xf32, #tpu.memory_space<vmem>>[vector<16xi32>, vector<16xi32>], vector<16xf32>,
      %broadcast_in_dim3A_268 = arith.constant 3 : i32
      %broadcast_in_dim3A_269 = vector.broadcast %broadcast_in_dim3A_268 : i32 to vector<16xi32>
      %gather3A_270 = tpu.vector_load_idx %arg12[%add3A_258, %broadcast_in_dim3A_269] : memref<1200x8xf32, #tpu.memory_space<vmem>>[vector<16xi32>, vector<16xi32>], vector<16xf32>,
      %broadcast_in_dim3A_271 = arith.constant 4 : i32
      %broadcast_in_dim3A_272 = vector.broadcast %broadcast_in_dim3A_271 : i32 to vector<16xi32>
      %gather3A_273 = tpu.vector_load_idx %arg12[%add3A_258, %broadcast_in_dim3A_272] : memref<1200x8xf32, #tpu.memory_space<vmem>>[vector<16xi32>, vector<16xi32>], vector<16xf32>,
      %broadcast_in_dim3A_274 = arith.constant 5 : i32
      %broadcast_in_dim3A_275 = vector.broadcast %broadcast_in_dim3A_274 : i32 to vector<16xi32>
      %gather3A_276 = tpu.vector_load_idx %arg12[%add3A_258, %broadcast_in_dim3A_275] : memref<1200x8xf32, #tpu.memory_space<vmem>>[vector<16xi32>, vector<16xi32>], vector<16xf32>,
      %get3A_277 = arith.constant 4 : i32
      %get3A_278 = arith.index_cast %get3A_277 : i32 to index
      %get3A_279 = arith.index_cast %add3A_150 : i32 to index
      %get3A_280 = tpu.vector_load %arg8[%get3A_278, %get3A_279] {strides = array<i32>} : memref<8x3200xf32, #tpu.memory_space<vmem>>, vector<16xf32>,
      %get3A_281 = arith.constant 5 : i32
      %get3A_282 = arith.index_cast %get3A_281 : i32 to index
      %get3A_283 = arith.index_cast %add3A_150 : i32 to index
      %get3A_284 = tpu.vector_load %arg8[%get3A_282, %get3A_283] {strides = array<i32>} : memref<8x3200xf32, #tpu.memory_space<vmem>>, vector<16xf32>,
      %mul3A_285 = arith.mulf %gather3A_261, %get3A_280 : vector<16xf32>
      %mul3A_286 = arith.mulf %gather3A_264, %get3A_284 : vector<16xf32>
      %add3A_287 = arith.addf %mul3A_285, %mul3A_286 : vector<16xf32>
      %mul3A_288 = arith.mulf %add3A_287, %gather3A_276 : vector<16xf32>
      %mul3A_289 = arith.mulf %gather3A_267, %gather3A_276 : vector<16xf32>
      %add3A_290 = arith.addf %add3A_245, %mul3A_288 : vector<16xf32>
      %mul3A_291 = arith.mulf %gather3A_261, %mul3A_288 : vector<16xf32>
      %add3A_292 = arith.addf %add3A_247, %mul3A_291 : vector<16xf32>
      %mul3A_293 = arith.mulf %gather3A_264, %mul3A_288 : vector<16xf32>
      %add3A_294 = arith.addf %add3A_249, %mul3A_293 : vector<16xf32>
      %mul3A_295 = arith.mulf %mul3A_289, %get3A_280 : vector<16xf32>
      %add3A_296 = arith.addf %add3A_251, %mul3A_295 : vector<16xf32>
      %mul3A_297 = arith.mulf %mul3A_289, %get3A_284 : vector<16xf32>
      %add3A_298 = arith.addf %add3A_253, %mul3A_297 : vector<16xf32>
      %add3A_299 = arith.addf %add3A_254, %gather3A_270 : vector<16xf32>
      %add3A_300 = arith.addf %add3A_255, %gather3A_273 : vector<16xf32>
      %get3A_301 = arith.constant 6 : i32
      %get3A_302 = arith.index_cast %get3A_301 : i32 to index
      %get3A_303 = arith.index_cast %add3A_150 : i32 to index
      %get3A_304 = tpu.vector_load %arg8[%get3A_302, %get3A_303] {strides = array<i32>} : memref<8x3200xf32, #tpu.memory_space<vmem>>, vector<16xf32>,
      %div3A = arith.constant 1.000000e+00 : f32
      %div3A_305 = vector.broadcast %div3A : f32 to vector<16xf32>
      %div3A_306 = arith.divf %div3A_305, %get3A_304 : vector<16xf32>
      %get3A_307 = arith.constant 7 : i32
      %get3A_308 = arith.index_cast %get3A_307 : i32 to index
      %get3A_309 = arith.index_cast %add3A_150 : i32 to index
      %get3A_310 = tpu.vector_load %arg8[%get3A_308, %get3A_309] {strides = array<i32>} : memref<8x3200xf32, #tpu.memory_space<vmem>>, vector<16xf32>,
      %neg3A = arith.constant 0.000000e+00 : f32
      %neg3A_311 = vector.broadcast %neg3A : f32 to vector<16xf32>
      %neg3A_312 = arith.subf %neg3A_311, %add3A_292 : vector<16xf32>
      %mul3A_313 = arith.mulf %add3A_296, %div3A_306 : vector<16xf32>
      %sub3A = arith.subf %neg3A_312, %mul3A_313 : vector<16xf32>
      %mul3A_314 = arith.mulf %get3A_310, %sub3A : vector<16xf32>
      %add3A_315 = arith.addf %mul3A_314, %add3A_299 : vector<16xf32>
      %neg3A_316 = arith.constant 0.000000e+00 : f32
      %neg3A_317 = vector.broadcast %neg3A_316 : f32 to vector<16xf32>
      %neg3A_318 = arith.subf %neg3A_317, %add3A_294 : vector<16xf32>
      %mul3A_319 = arith.mulf %add3A_298, %div3A_306 : vector<16xf32>
      %sub3A_320 = arith.subf %neg3A_318, %mul3A_319 : vector<16xf32>
      %mul3A_321 = arith.mulf %get3A_310, %sub3A_320 : vector<16xf32>
      %add3A_322 = arith.addf %mul3A_321, %add3A_300 : vector<16xf32>
      %swap3A = arith.index_cast %add3A_150 : i32 to index
      %swap3A_323 = tpu.vector_load %arg13[%swap3A] {strides = array<i32>} : memref<3200xf32, #tpu.memory_space<vmem>>, vector<16xf32>,
      tpu.vector_store %arg13[%swap3A], %add3A_290 {strides = array<i32>} : memref<3200xf32, #tpu.memory_space<vmem>>, vector<16xf32>,
      %add3A_324 = arith.constant 2800 : i32
      %add3A_325 = vector.broadcast %add3A_324 : i32 to vector<16xi32>
      %add3A_326 = arith.addi %add3A_325, %add3A_154 : vector<16xi32>
      %broadcast_in_dim3A_327 = arith.constant 0 : i32
      %broadcast_in_dim3A_328 = vector.broadcast %broadcast_in_dim3A_327 : i32 to vector<16xi32>
      tpu.vector_store_idx %arg14[%add3A_326, %broadcast_in_dim3A_328], %add3A_315 : memref<3200x2xf32, #tpu.memory_space<vmem>>[vector<16xi32>, vector<16xi32>], vector<16xf32>,
      %broadcast_in_dim3A_329 = arith.constant 1 : i32
      %broadcast_in_dim3A_330 = vector.broadcast %broadcast_in_dim3A_329 : i32 to vector<16xi32>
      tpu.vector_store_idx %arg14[%add3A_326, %broadcast_in_dim3A_330], %add3A_322 : memref<3200x2xf32, #tpu.memory_space<vmem>>[vector<16xi32>, vector<16xi32>], vector<16xf32>,
    }
    %scan3A_145 = arith.constant 25 : i32
    "tpu.region"() ({
      %run_scoped3A = tpu.sem_alloc : memref<!tpu.dma_semaphore, #tpu.memory_space<semaphore_mem>>
      %dma_start3A_146 = tpu.memref_slice %arg5[%mul3A_2] : memref<102400xf32, #tpu.memory_space<hbm>> -> memref<3200xf32, #tpu.memory_space<hbm>>
      %dma_start3A_147 = tpu.memref_slice %arg5[%mul3A_2] : memref<102400xf32, #tpu.memory_space<hbm>> -> memref<3200xf32, #tpu.memory_space<hbm>>
      tpu.enqueue_dma source(%arg13 : memref<3200xf32, #tpu.memory_space<vmem>>) target(%dma_start3A_147 : memref<3200xf32, #tpu.memory_space<hbm>>) target_semaphore(%run_scoped3A : memref<!tpu.dma_semaphore, #tpu.memory_space<semaphore_mem>>)
      %dma_wait3A_148 = tpu.memref_slice %arg5[%mul3A_2] : memref<102400xf32, #tpu.memory_space<hbm>> -> memref<3200xf32, #tpu.memory_space<hbm>>
      %dma_wait3A_149 = tpu.memref_slice %arg5[%mul3A_2] : memref<102400xf32, #tpu.memory_space<hbm>> -> memref<3200xf32, #tpu.memory_space<hbm>>
      tpu.wait_dma2 semaphore(%run_scoped3A : memref<!tpu.dma_semaphore, #tpu.memory_space<semaphore_mem>>) src(%arg13 : memref<3200xf32, #tpu.memory_space<vmem>>) dst(%dma_wait3A_149 : memref<3200xf32, #tpu.memory_space<hbm>>)
      tpu.yield
    }) : () -> ()
    "tpu.region"() ({
      %run_scoped3A = tpu.sem_alloc : memref<!tpu.dma_semaphore, #tpu.memory_space<semaphore_mem>>
      %dma_start3A_146 = arith.constant 0 : i32
      %dma_start3A_147 = tpu.memref_slice %arg6[%mul3A_2, %dma_start3A_146] : memref<102400x2xf32, #tpu.memory_space<hbm>> -> memref<3200x2xf32, #tpu.memory_space<hbm>>
      %dma_start3A_148 = arith.constant 0 : i32
      %dma_start3A_149 = tpu.memref_slice %arg6[%mul3A_2, %dma_start3A_148] : memref<102400x2xf32, #tpu.memory_space<hbm>> -> memref<3200x2xf32, #tpu.memory_space<hbm>>
      tpu.enqueue_dma source(%arg14 : memref<3200x2xf32, #tpu.memory_space<vmem>>) target(%dma_start3A_149 : memref<3200x2xf32, #tpu.memory_space<hbm>>) target_semaphore(%run_scoped3A : memref<!tpu.dma_semaphore, #tpu.memory_space<semaphore_mem>>)
      %dma_wait3A_150 = arith.constant 0 : i32
      %dma_wait3A_151 = tpu.memref_slice %arg6[%mul3A_2, %dma_wait3A_150] : memref<102400x2xf32, #tpu.memory_space<hbm>> -> memref<3200x2xf32, #tpu.memory_space<hbm>>
      %dma_wait3A_152 = arith.constant 0 : i32
      %dma_wait3A_153 = tpu.memref_slice %arg6[%mul3A_2, %dma_wait3A_152] : memref<102400x2xf32, #tpu.memory_space<hbm>> -> memref<3200x2xf32, #tpu.memory_space<hbm>>
      tpu.wait_dma2 semaphore(%run_scoped3A : memref<!tpu.dma_semaphore, #tpu.memory_space<semaphore_mem>>) src(%arg14 : memref<3200x2xf32, #tpu.memory_space<vmem>>) dst(%dma_wait3A_153 : memref<3200x2xf32, #tpu.memory_space<hbm>>)
      tpu.yield
    }) : () -> ()
    return
  }
}

</mosaic_0001>

<sc_bundles>
// kernel: kernel.3.cloned.1.call-start
scs
__scs_entry_jumppad:
0x0: {  	(pc) =	sbr.rel $0x88, $3  }
0x1: {  	(tag) =	ssettag $0x0;
	lr =	simm.s32 $0x1  }
0x2: {  	[smem:$0x3F99] =	sst lr;
	_ =	strace $0xD0000000  }
0x3: {  	_ = 	snop  }
0x4: {  	_ = 	snop  }
0x5: {  	_ = 	snop  }
0x6: {  	_ = 	snop  }
0x7: {  	_ = 	snop  }
__scs_overlays_trampoline_lowered:
0x8: {  	[smem:$0x3FA8] =	sst s0  }
0x9: {  	[smem:$0x3FA9] =	sst s1  }
0xa: {  	[smem:$0x3FAA] =	sst s2  }
0xb: {  	[smem:$0x3FAB] =	sst s3  }
0xc: {  	[smem:$0x3FAC] =	sst s4  }
0xd: {  	[smem:$0x3FAD] =	sst s5  }
0xe: {  	[smem:$0x3FAE] =	sst s6  }
0xf: {  	[smem:$0x3FAF] =	sst s7  }
0x10: {  	[smem:$0x3FB0] =	sst s8  }
0x11: {  	[smem:$0x3FB1] =	sst s9;
	s0 =	simm.s32 @!p0 $0x0  }
0x12: {  	s1 =	sld [smem:$0x3F97];
	s0 =	simm.s32 @p0 $0x1  }
0x13: {  	[smem:$0x3FB2] =	sst s0;
	s0 =	simm.s32 @!p1 $0x0  }
0x14: {  	s2 =	sld [smem:$0x3F96];
	s0 =	simm.s32 @p1 $0x1  }
0x15: {  	[smem:$0x3FB3] =	sst s0;
	s0 =	simm.s32 @!p2 $0x0  }
0x16: {  	s3 =	sld [smem:$0x3FDB];
	s0 =	simm.s32 @p2 $0x1  }
0x17: {  	s4 =	simm.s32 $0x1BF5;
	[smem:$0x3FB5] =	sst s0  }
0x18: {  	s0 =	sld [smem:$0x3F98];
	_ =	swait.ge [sflag:s4], $0x0  }
0x19: {  	s7 =	sld [smem:$0x3F99]  }
0x1a: {  	s8 =	sadd.s32 $0xFFFFE003, lr  }
0x1b: {  	s9 =	sadd.s32 $0xFFFFFEF7, lr;
	s5 =	simm.s32 $0xFFFFFFFF;
	p2 =	slt.u32 s8, $0xFFFFF086  }
0x1c: {  	p1 =	slt.u32 s9, $0xF7A;
	s5 =	simm.s32 @!p2 $0x0  }
0x1d: {  	s5 =	simm.s32 @p1 $0x1;
	p0 =	seq.s32 s7, s2  }
0x1e: {  	s7 =	smul.u32 @!p0 $0xF7A, s2;
	p2 =	seq.s32 @!p0 s5, $0x0  }
0x1f: {  	s9 =	smul.u32 $0xF7A, s1;
	s8 =	simm.s32 @!p0 $0x1BF5;
	p2 =	por !p2, p0  }
0x20: {  	[sflag:s8] =	ssyncset.s32 @!p0 $0xFFFFF086;
	s6 =	sadd.s32 @!p0 s3, s7;
	s7 =	simm.s32 @!p0 $0x108  }
0x21: {  	s3 =	sadd.s32 s3, s9;
	s6 =	sadd.s32 @!p0 $0x88, s6;
	s7 =	simm.s32 @p2 $0x1082  }
0x22: {  	[simem:s7], [sflag:s8] =	dma.local @!p0 [hbm:s6], $0xF7A  }
0x23: {  	s9 =	sor.u32 $0xD0000000, s2;
	s6 =	simm.s32 $0x108;
	_ =	swait.ge @!p0 [sflag:s8], $0x0  }
0x24: {  	s3 =	sadd.s32 $0x88, s3;
	s6 =	simm.s32 @!p1 $0x1082;
	[sflag:s4] =	ssyncset.s32 $0xFFFFF086  }
0x25: {  	[simem:s6], [sflag:s4] =	dma.local [hbm:s3], $0xF7A  }
0x26: {  	[smem:$0x3F99] =	sst s1;
	(tag) =	ssettag s2;
	_ =	strace s9  }
0x27: {  	s1 =	sld [smem:$0x3FA9]  }
0x28: {  	s2 =	sld [smem:$0x3FAA]  }
0x29: {  	s4 =	sld [smem:$0x3FAC]  }
0x2a: {  	p0 =	seq.s32 s5, $0x0;
	s5 =	sld [smem:$0x3FAD]  }
0x2b: {  	s6 =	sld [smem:$0x3FAE]  }
0x2c: {  	s7 =	sld [smem:$0x3FAF]  }
0x2d: {  	s3 =	simm.s32 $0x108;
	s8 =	sld [smem:$0x3FB0]  }
0x2e: {  	s3 =	simm.s32 @!p0 $0x1082;
	s9 =	sld [smem:$0x3FB1]  }
0x2f: {  	lr =	sadd.s32 s0, s3;
	s0 =	sld [smem:$0x3FA8]  }
0x30: {  	s3 =	sld [smem:$0x3FAB]  }
0x31: {  	[smem:$0x3FB4] =	sst s10  }
0x32: {  	s10 =	sld [smem:$0x3FB2];
	_ =	sdelay $0x3  }
0x33: {  	p0 =	seq.s32 s10, $0x1;
	s10 =	sld [smem:$0x3FB4];
	_ =	sdelay $0x3  }
0x34: {  	[smem:$0x3FB4] =	sst s10  }
0x35: {  	s10 =	sld [smem:$0x3FB3];
	_ =	sdelay $0x3  }
0x36: {  	p1 =	seq.s32 s10, $0x1;
	s10 =	sld [smem:$0x3FB4];
	_ =	sdelay $0x3  }
0x37: {  	[smem:$0x3FB4] =	sst s10  }
0x38: {  	s10 =	sld [smem:$0x3FB5]  }
0x39: {  	_ = 	snop;
	(pc) =	sbr.ind lr, $3  }
0x3a: {  	_ = 	snop  }
0x3b: {  	_ = 	snop  }
0x3c: {  	p2 =	seq.s32 s10, $0x1;
	s10 =	sld [smem:$0x3FB4]  }
0x3d: {  	_ =	shalt  }
0x3e: {  	_ =	shalt  }
0x3f: {  	_ =	shalt  }
0x40: {  	_ =	shalt  }
0x41: {  	_ =	shalt  }
0x42: {  	_ =	shalt  }
0x43: {  	_ =	shalt  }
0x44: {  	_ =	shalt  }
0x45: {  	_ =	shalt  }
0x46: {  	_ =	shalt  }
0x47: {  	_ =	shalt  }
0x48: {  	_ =	shalt  }
0x49: {  	_ =	shalt  }
0x4a: {  	_ =	shalt  }
0x4b: {  	_ =	shalt  }
0x4c: {  	_ =	shalt  }
0x4d: {  	_ =	shalt  }
0x4e: {  	_ =	shalt  }
0x4f: {  	_ =	shalt  }
0x50: {  	_ =	shalt  }
0x51: {  	_ =	shalt  }
0x52: {  	_ =	shalt  }
0x53: {  	_ =	shalt  }
0x54: {  	_ =	shalt  }
0x55: {  	_ =	shalt  }
0x56: {  	_ =	shalt  }
0x57: {  	_ =	shalt  }
0x58: {  	_ =	shalt  }
0x59: {  	_ =	shalt  }
0x5a: {  	_ =	shalt  }
0x5b: {  	_ =	shalt  }
0x5c: {  	_ =	shalt  }
0x5d: {  	_ =	shalt  }
0x5e: {  	_ =	shalt  }
0x5f: {  	_ =	shalt  }
0x60: {  	_ =	shalt  }
0x61: {  	_ =	shalt  }
0x62: {  	_ =	shalt  }
0x63: {  	_ =	shalt  }
0x64: {  	_ =	shalt  }
0x65: {  	_ =	shalt  }
0x66: {  	_ =	shalt  }
0x67: {  	_ =	shalt  }
0x68: {  	_ =	shalt  }
0x69: {  	_ =	shalt  }
0x6a: {  	_ =	shalt  }
0x6b: {  	_ =	shalt  }
0x6c: {  	_ =	shalt  }
0x6d: {  	_ =	shalt  }
0x6e: {  	_ =	shalt  }
0x6f: {  	_ =	shalt  }
0x70: {  	_ =	shalt  }
0x71: {  	_ =	shalt  }
0x72: {  	_ =	shalt  }
0x73: {  	_ =	shalt  }
0x74: {  	_ =	shalt  }
0x75: {  	_ =	shalt  }
0x76: {  	_ =	shalt  }
0x77: {  	_ =	shalt  }
0x78: {  	_ =	shalt  }
0x79: {  	_ =	shalt  }
0x7a: {  	_ =	shalt  }
0x7b: {  	_ =	shalt  }
0x7c: {  	_ =	shalt  }
0x7d: {  	_ =	shalt  }
0x7e: {  	_ =	shalt  }
0x7f: {  	_ =	shalt  }
0x80: {  	_ =	shalt  }
0x81: {  	_ =	shalt  }
0x82: {  	_ =	shalt  }
0x83: {  	_ =	shalt  }
0x84: {  	_ =	shalt  }
0x85: {  	_ =	shalt  }
0x86: {  	_ =	shalt  }
0x87: {  	_ =	shalt  }
.Lfunc_end0:
.L_simem_size_0:
called_computation_lowered:
.L_overlay_start_0:
0x88: {  	s2 =	sld [smem:$0x3FD9]  }
0x89: {  	s3 =	sld [smem:$0x3FFE];
	_ =	sdelay $0x1  }
0x8a: {  	s1 =	srdreg.scid  }
0x8b: {  	s0 =	sand.u32 $0x1, s1  }
0x8c: {  	s14 =	sshll.u32 s0, $0xA;
	s2 =	sadd.s32 s3, s2  }
0x8d: {  	s2 =	sadd.s32 s2, s14  }
0x8e: {  	[smem:$0x3FC0] =	sst s2  }
0x8f: {  	_ = 	snop  }
0x90: {  	s2 =	sld [smem:$0x3FD0];
	_ =	sdelay $0x2  }
0x91: {  	s15 =	simm.s32 $0xA;
	s4 =	simm.s32 $0x10  }
0x92: {  	[smem:s4], [sflag:s15] =	dma.local [hbm:s2], $0x1  }
0x93: {  	_ =	swait.eq [sflag:s15], $0x1  }
0x94: {  	[sflag:s15] =	ssyncset.done $0x0  }
0x95: {  	[sflag:s15] =	ssyncadd.s32 $0xFFFFFFFF  }
0x96: {  	s16 =	sld [smem:$0x11];
	(tm) =	ssettm $0x1  }
0x97: {  	s17 =	sld [smem:$0x3FFB];
	_ =	sdelay $0x3  }
0x98: {  	_ =	strace s17  }
0x99: {  	s3 =	sld [smem:$0x3FFC];
	_ =	sdelay $0x3  }
0x9a: {  	_ =	strace s3  }
0x9b: {  	s3 =	sld [smem:$0x3FFD];
	_ =	sdelay $0x3  }
0x9c: {  	_ =	strace s3  }
0x9d: {  	_ =	strace $0x8FFFFFFF  }
0x9e: {  	s18 =	sld [smem:$0x3FDB];
	_ =	sdelay $0x1  }
0x9f: {  	s19 =	simm.s32 $_scs_section_size  }
0xa0: {  	s5 =	simm.s32 $_size__tile_overlayer_lowered;
	s6 =	simm.s32 $_tile_overlayer_lowered  }
0xa1: {  	s22 =	simm.s32 $0x1BFF;
	s21 =	sshll.u32 s6, $0x1;
	s3 =	sadd.s32 s19, s18  }
0xa2: {  	s7 =	simm.s32 $0x0;
	s20 =	sshll.u32 s5, $0x1;
	s5 =	sadd.s32 s21, s3  }
0xa3: {  	[timem:s7], [sflag:s22] =	dma.local [hbm:s5], s20  }
0xa4: {  	_ =	swait.ge [sflag:s22], s20  }
0xa5: {  	s4 =	ssub.s32 $0x0, s20;
	[sflag:s22] =	ssyncset.done $0x0  }
0xa6: {  	[sflag:s22] =	ssyncadd.s32 s4;
	_ =	sdelay $0x1  }
0xa7: {  	s23 =	simm.s32 $0x1B8B  }
0xa8: {  	_ =	swait.ge [sflag:s23], $0x1  }
0xa9: {  	[sflag:s23] =	ssyncset.done $0x0  }
0xaa: {  	s25 =	simm.s32 $0x1B8E;
	s24 =	sld [smem:$0x3FFE];
	[sflag:s23] =	ssyncadd.s32 $0xFFFFFFFF  }
0xab: {  	s26 =	simm.s32 $execute0_lowered;
	[smem:$0x3FD2] =	sst s25  }
0xac: {  	s5 =	sshll.u32 s26, $0x1;
	_ =	strace $0x80000046;
	[dreg:$0x1] =	wrdreg $0xFFFFFFFF  }
0xad: {  	s28 =	simm.s32 $_size_execute0_lowered;
	s3 =	sadd.s32 s3, s5;
	[dreg:$0x0] =	wrdreg $0x0  }
0xae: {  	s5 =	sshll.u32 s28, $0x1;
	[dreg:$0x2] =	wrdreg s3  }
0xaf: {  	[dreg:$0x3] =	wrdreg s5  }
0xb0: {  	[dreg:$0x4] =	wrdreg $0xC0  }
0xb1: {  	_ =	task [dreg:s7], $0x5FFFF  }
0xb2: {  	[dreg:$0x1] =	wrdreg $0xFFFFFFFF  }
0xb3: {  	[dreg:$0x0] =	wrdreg $0x60  }
0xb4: {  	[dreg:$0x2] =	wrdreg s24  }
0xb5: {  	[dreg:$0x3] =	wrdreg s16  }
0xb6: {  	[dreg:$0x4] =	wrdreg $0x9  }
0xb7: {  	_ =	task.clear_ibuf [dreg:s7], $0x5FFFF;
	_ =	strace $0x90000046  }
0xb8: {  	s29 =	simm.s32 $0x9;
	_ =	strace $0x80000048  }
0xb9: {  	_ =	swait.ge [sflag:s29], $0x1  }
0xba: {  	[sflag:s29] =	ssyncadd.s32 $0xFFFFFFFF  }
0xbb: {  	_ =	strace $0x90000048  }
0xbc: {  	_ =	sfence  }
0xbd: {  	s30 =	sld [smem:$0x0];
	_ =	sdelay $0x2  }
0xbe: {  	s31 =	sshll.u32 s1, $0xD;
	s1 =	sshrl.u32 s1, $0x2  }
0xbf: {  	s3 =	sand.u32 $0x4000, s31;
	s1 =	sadd.s32 s1, s30  }
0xc0: {  	s0 =	sor.u32 s3, s0;
	s1 =	sshll.u32 s1, $0x11  }
0xc1: {  	s0 =	sor.u32 s1, s0  }
0xc2: {  	s0 =	sadd.s32 $0x8F2B, s0  }
0xc3: {  	[sflag:s0] =	ssyncadd.remote.s32 $0x1  }
0xc4: {  	_ =	sfence.sel $0xFFFF  }
0xc5: {  	[dreg:$0x0] =	wrdreg $0xFFFFFFFF;
	(pc) =	sbr.abs _section_cstart, $3  }
0xc6: {  	[dreg:$0x1] =	wrdreg $0xFFFFFFFF  }
0xc7: {  	_ =	task.clear_ibuf [dreg:s7], $0x2FFFF;
	_ =	strace $0x9FFFFFFF  }
0xc8: {  	(tm) =	ssettm $0x7FFFFFFF  }
0xc9: {  	_ =	shalt  }
tec
execute0_lowered:
.L_overlay_start_1:
0x0: {  	(tag) =	ssettag $0x1  }
0x1: {  	s0 =	rddreg [dreg:$0x0];
	s1 =	srdreg.scid  }
0x2: {  	s2 =	stileid.u32;
	s6 =	rddreg [dreg:$0x1];
	s12 =	simm.s32 $0x1  }
0x3: {  	s13 =	simm.s32 $0x4B0;
	s14 =	simm.s32 $0x8980;
	s15 =	simm.s32 $0xAF00  }
0x4: {  	s17 =	simm.s32 $0xD480;
	s18 =	simm.s32 $0xE10;
	s19 =	simm.s32 $0xFA00  }
0x5: {  	s20 =	simm.s32 $0x2;
	s21 =	simm.s32 $0x12C00;
	s22 =	simm.s32 $0x12C0  }
0x6: {  	s23 =	simm.s32 $0x3;
	s24 =	simm.s32 $0x1770;
	s25 =	simm.s32 $0x4  }
0x7: {  	s26 =	simm.s32 $0x1C20;
	s1 =	sand.u32 $0x1, s1;
	s3 =	sshll.u32 s2, $0x1  }
0x8: {  	s28 =	simm.s32 $0x5;
	s29 =	simm.s32 $0x20D0;
	s4 =	sor.u32 s1, s3  }
0x9: {  	s30 =	simm.s32 $0x11F80;
	s31 =	simm.s32 $0x6;
	s5 =	smul.u32 $0x4B0, s4  }
0xa: {  	s2 =	simm.s32 $0x0;
	s1 =	ssub.s32 $0x2, s1;
	s7 =	smul.u32 $0x190, s4  }
0xb: {  	[smem:$0x7FF] =	sst s2;
	s4 =	smul.u32 $0xC80, s4;
	s9 =	sshrl.u32 s1, $0x1  }
0xc: {  	v0 =	vlaneseq.u32;
	s3 =	sadd.s32 $0x26DC00, s0;
	_ =	strace $0x80000047;
	s1 =	ssub.s32 s1, s9  }
0xd: {  	v0 =	vmul.u32 $0x8, v0;
	s5 =	sadd.s32 s5, s0;
	s8 =	sadd.s32 s7, s0;
	s0 =	sadd.s32 s4, s0  }
0xe: {  	s6 =	sadd.s32 s6, s7;
	s4 =	sadd.s32 $0x1600, s5;
	s5 =	sadd.s32 $0xAC00, s8  }
0xf: {  	v1 =	vor.u32 $0x1900, v0;
	v2 =	vor.u32 $0xC80, v0;
	s7 =	sadd.s32 $0x23C00, s0;
	s8 =	smax.u32 s1, $0x1;
	s1 =	simm.s32 $0x0  }
.LBB2_1:
0x10: {  	[tilespmem:s2], [sflag:$0x1] =	stream.linear.gather [hbm4b:s4+s2], $0x2580, $0x38;
	[tilespmem:$0x19000] =	vst v63  }
0x11: {  	s0 =	simm.s32 $0xC80;
	s9 =	simm.s32 $0x19000;
	s10 =	simm.s32 $0x2580  }
0x12: {  	[tilespmem:s10], [sflag:$0x1] =	stream.strided.gather [hbm4b:s5+s0], $0x6400, s9, s0, $0x38;
	[tilespmem:$0x19000] =	vst v63  }
0x13: {  	_ =	swait.ge [sflag:s12], $0x2580  }
0x14: {  	[sflag:s12] =	ssyncset.done $0x0  }
0x15: {  	[sflag:s12] =	ssyncadd.s32 $0xFFFFDA80  }
0x16: {  	_ =	swait.ge [sflag:s12], $0x6400  }
0x17: {  	[sflag:s12] =	ssyncset.done $0x0  }
0x18: {  	[sflag:s12] =	ssyncadd.s32 $0xFFFF9C00  }
0x19: {  	[tilespmem:s14], [sflag:$0x2] =	stream.indirect.gather [hbm4b:s3+s13], $0x8, s2, s13, $0xb8;
	[tilespmem:$0x19000] =	vst v63  }
0x1a: {  	_ = 	snop  }
0x1b: {  	[tilespmem:s15], [sflag:$0x3] =	stream.indirect.gather [hbm4b:s3+s13], $0x8, s13, s13, $0xb8;
	[tilespmem:$0x19000] =	vst v63  }
0x1c: {  	s16 =	simm.s32 $0x960  }
0x1d: {  	[tilespmem:s17], [sflag:$0x4] =	stream.indirect.gather [hbm4b:s3+s13], $0x8, s16, s13, $0xb8;
	[tilespmem:$0x19000] =	vst v63  }
0x1e: {  	_ = 	snop  }
0x1f: {  	[tilespmem:s19], [sflag:$0x5] =	stream.indirect.gather [hbm4b:s3+s13], $0x8, s18, s13, $0xb8;
	[tilespmem:$0x19000] =	vst v63  }
0x20: {  	v3 =	vmov s2;
	_ =	swait.ge [sflag:s20], $0x2580  }
0x21: {  	v5 =	vshll.u32 v3, $0x3;
	[sflag:s20] =	ssyncset.done $0x0  }
0x22: {  	s0 =	simm.s32 $0x7D00;
	v3 =	vor.u32 v0, v5;
	[sflag:s20] =	ssyncadd.s32 $0xFFFFDA80  }
0x23: {  	v6 =	vadd.s32 v2, v5;
	v7 =	vld [tilespmem:s0+$0xFFFFDA80]  }
0x24: {  	v8 =	vld [tilespmem:s0+$0xFFFFC180]  }
0x25: {  	v9 =	vor.u32 $0x2, v3;
	v10 =	vld [tilespmem:s0+$0xFFFFA880]  }
0x26: {  	v11 =	vor.u32 $0x5, v3;
	v12 =	vld [tilespmem:s0+$0xFFFFB500]  }
0x27: {  	v13 =	vor.u32 $0x5, v6;
	v14 =	vld.idx.msk [tilespmem:v3+s14+$0x0], $0xffff  }
0x28: {  	v15 =	vor.u32 $0x1, v6;
	v16 =	vld.idx.msk [tilespmem:v6+s14+$0x0], $0xffff  }
0x29: {  	v4 =	vor.u32 $0x1, v3;
	v17 =	vld [tilespmem:s0+$0xFFFFCE00]  }
0x2a: {  	v18 =	vor.u32 $0x2, v6;
	v9 =	vld.idx.msk [tilespmem:v9+s14+$0x0], $0xffff  }
0x2b: {  	v11 =	vld.idx.msk [tilespmem:v11+s14+$0x0], $0xffff  }
0x2c: {  	v5 =	vadd.s32 v1, v5;
	v13 =	vld.idx.msk [tilespmem:v13+s14+$0x0], $0xffff  }
0x2d: {  	v19 =	vor.u32 $0x1, v5;
	v15 =	vld.idx.msk [tilespmem:v15+s14+$0x0], $0xffff  }
0x2e: {  	v20 =	vld.idx.msk [tilespmem:v4+s14+$0x0], $0xffff  }
0x2f: {  	v23 =	vor.u32 $0x5, v5;
	v18 =	vld.idx.msk [tilespmem:v18+s14+$0x0], $0xffff  }
0x30: {  	v22 =	vor.u32 $0x2, v5;
	v21 =	vld [tilespmem:s0+$0xFFFFF380]  }
0x31: {  	v24 =	vld.idx.msk [tilespmem:v5+s14+$0x0], $0xffff  }
0x32: {  	v19 =	vld.idx.msk [tilespmem:v19+s14+$0x0], $0xffff;
	v27 =	vmul.f32 v10, v14  }
0x33: {  	v28 =	vor.u32 $0x3, v6;
	v29 =	vld [tilespmem:s0+$0xFFFFE700];
	v9 =	vmul.f32 v11, v9;
	v30 =	vmul.f32 v12, v20  }
0x34: {  	v31 =	vor.u32 $0x4, v6;
	v23 =	vld.idx.msk [tilespmem:v23+s14+$0x0], $0xffff;
	v6 =	vmul.f32 v8, v16;
	v32 =	vmul.f32 v17, v15  }
0x35: {  	v25 =	vor.u32 $0x3, v3;
	v59 =	vld.idx.msk [tilespmem:v22+s14+$0x0], $0xffff;
	v18 =	vmul.f32 v13, v18;
	(erf) = vrcp.f32 v21  }
0x36: {  	v61 =	vor.u32 $0x3, v5;
	v60 =	vmul.f32 v7, v24;
	v10 =	vmul.f32 v10, v9  }
0x37: {  	v27 =	vadd.f32 v30, v27;
	v6 =	vadd.f32 v32, v6;
	v9 =	vmul.f32 v12, v9  }
0x38: {  	v12 =	vor.u32 $0x4, v5;
	v5 =	vmul.f32 v29, v19;
	v17 =	vmul.f32 v17, v18  }
0x39: {  	v8 =	vmul.f32 v8, v18;
	v11 =	vmul.f32 v27, v11  }
0x3a: {  	v26 =	vor.u32 $0x4, v3;
	v18 =	vmul.f32 v23, v59;
	v13 =	vmul.f32 v6, v13  }
0x3b: {  	v10 =	vadd.f32 $0.0e+00, v10;
	v9 =	vadd.f32 $0.0e+00, v9;
	v6 =	vmul.f32 v11, v14  }
0x3c: {  	v14 =	vadd.f32 v5, v60;
	v20 =	vmul.f32 v11, v20;
	v11 =	vadd.f32 $0.0e+00, v11  }
0x3d: {  	v17 =	vadd.f32 v17, v9;
	v9 =	vadd.f32 v8, v10;
	v10 =	vmul.f32 v7, v18;
	v7 =	vld.idx.msk [tilespmem:v25+s14+$0x0], $0xffff  }
0x3e: {  	v15 =	vmul.f32 v13, v15;
	v16 =	vmul.f32 v13, v16;
	v5 =	vld.idx.msk [tilespmem:v12+s14+$0x0], $0xffff;
	v12 =	vadd.f32 $0.0e+00, v6  }
0x3f: {  	v8 =	vld.idx.msk [tilespmem:v26+s14+$0x0], $0xffff;
	v20 =	vadd.f32 $0.0e+00, v20;
	v14 =	vmul.f32 v14, v23;
	v62 =	vadd.f32 v10, v9  }
0x40: {  	v6 =	vld [tilespmem:s0+$0x0];
	v63 =	vadd.f32 v13, v11;
	v12 =	vadd.f32 v16, v12;
	v16 =	vmul.f32 v29, v18  }
0x41: {  	v10 =	vld.idx.msk [tilespmem:v28+s14+$0x0], $0xffff;
	v15 =	vadd.f32 v15, v20;
	v18 =	vmul.f32 v14, v24;
	v19 =	vmul.f32 v14, v19  }
0x42: {  	v11 =	vld.idx.msk [tilespmem:v31+s14+$0x0], $0xffff;
	v9 =	vpop (erf);
	v14 =	vadd.f32 v14, v63;
	v13 =	vadd.f32 v16, v17  }
0x43: {  	s11 =	simm.s32 $0x11F80;
	s10 =	simm.s32 $0x10;
	s9 =	simm.s32 $0x11F80;
	v17 =	vadd.f32 v18, v12;
	v15 =	vadd.f32 v19, v15;
	v12 =	vld.idx.msk [tilespmem:v61+s14+$0x0], $0xffff;
	v16 =	vmul.f32 v9, v62  }
.LBB2_2:
0x44: {  	p0 =	sne.s32 s10, $0x180;
	s0 =	sadd.s32 $0x10, s0;
	s11 =	sadd.s32 $0x10, s11  }
0x45: {  	v7 =	vadd.f32 $0.0e+00, v7;
	v17 =	vsub.f32 $0.0e+00, v17;
	s16 =	smov.u32 s10;
	s10 =	sadd.s32 $0x10, s10;
	[tilespmem:s9+$0x0] =	vst v14;
	s9 =	smov.u32 s11  }
0x46: {  	v9 =	vmul.f32 v9, v13;
	v8 =	vadd.f32 $0.0e+00, v8;
	v14 =	vsub.f32 $0.0e+00, v15  }
0x47: {  	v7 =	vadd.f32 v10, v7;
	v10 =	vsub.f32 v17, v16  }
0x48: {  	v8 =	vadd.f32 v11, v8;
	v9 =	vsub.f32 v14, v9  }
0x49: {  	v7 =	vadd.f32 v12, v7;
	v10 =	vmul.f32 v10, v6  }
0x4a: {  	v5 =	vadd.f32 v5, v8;
	v6 =	vmul.f32 v9, v6  }
0x4b: {  	v8 =	vmov s16;
	v7 =	vadd.f32 v10, v7  }
0x4c: {  	v8 =	vshll.u32 v8, $0x3;
	v5 =	vadd.f32 v6, v5  }
0x4d: {  	v6 =	vadd.s32 v2, v8;
	[tilespmem:v3+s21+$0x0] =	vst.idx.msk $0xffff, v7;
	v3 =	vor.u32 v0, v8  }
0x4e: {  	v7 =	vor.u32 $0x1, v6;
	v8 =	vadd.s32 v1, v8;
	[tilespmem:v4+s21+$0x0] =	vst.idx.msk $0xffff, v5;
	v4 =	vor.u32 $0x1, v3  }
0x4f: {  	v9 =	vor.u32 $0x2, v6;
	v5 =	vor.u32 $0x5, v3;
	v10 =	vor.u32 $0x1, v8;
	v11 =	vld [tilespmem:s0+$0xFFFFDA80]  }
0x50: {  	v12 =	vor.u32 $0x5, v6;
	v14 =	vor.u32 $0x2, v8;
	v15 =	vor.u32 $0x5, v8;
	v13 =	vld [tilespmem:s0+$0xFFFFC180]  }
0x51: {  	v16 =	vor.u32 $0x2, v3;
	v17 =	vor.u32 $0x3, v3;
	v18 =	vor.u32 $0x4, v3;
	v19 =	vld [tilespmem:s0+$0xFFFFA880]  }
0x52: {  	v21 =	vor.u32 $0x3, v6;
	v22 =	vor.u32 $0x4, v6;
	v23 =	vor.u32 $0x3, v8;
	v20 =	vld [tilespmem:s0+$0xFFFFB500]  }
0x53: {  	v25 =	vor.u32 $0x4, v8;
	v24 =	vld.idx.msk [tilespmem:v3+s14+$0x0], $0xffff  }
0x54: {  	v26 =	vld.idx.msk [tilespmem:v6+s14+$0x0], $0xffff  }
0x55: {  	v27 =	vld [tilespmem:s0+$0xFFFFCE00]  }
0x56: {  	v6 =	vld.idx.msk [tilespmem:v16+s14+$0x0], $0xffff  }
0x57: {  	v16 =	vld.idx.msk [tilespmem:v5+s14+$0x0], $0xffff  }
0x58: {  	v12 =	vld.idx.msk [tilespmem:v12+s14+$0x0], $0xffff  }
0x59: {  	v5 =	vmul.f32 v19, v24;
	v7 =	vld.idx.msk [tilespmem:v7+s14+$0x0], $0xffff  }
0x5a: {  	v29 =	vmul.f32 v13, v26;
	v28 =	vld.idx.msk [tilespmem:v4+s14+$0x0], $0xffff  }
0x5b: {  	v9 =	vld.idx.msk [tilespmem:v9+s14+$0x0], $0xffff  }
0x5c: {  	v30 =	vld [tilespmem:s0+$0xFFFFF380]  }
0x5d: {  	v31 =	vld.idx.msk [tilespmem:v8+s14+$0x0], $0xffff  }
0x5e: {  	v6 =	vmul.f32 v16, v6;
	v10 =	vld.idx.msk [tilespmem:v10+s14+$0x0], $0xffff  }
0x5f: {  	v8 =	vmul.f32 v27, v7;
	v32 =	vld [tilespmem:s0+$0xFFFFE700]  }
0x60: {  	v19 =	vmul.f32 v19, v6;
	v33 =	vmul.f32 v20, v28;
	v15 =	vld.idx.msk [tilespmem:v15+s14+$0x0], $0xffff  }
0x61: {  	v8 =	vadd.f32 v8, v29;
	v9 =	vmul.f32 v12, v9;
	v14 =	vld.idx.msk [tilespmem:v14+s14+$0x0], $0xffff  }
0x62: {  	v29 =	vadd.f32 v33, v5;
	v5 =	vld.idx.msk [tilespmem:v25+s14+$0x0], $0xffff;
	(erf) = vrcp.f32 v30  }
0x63: {  	v20 =	vmul.f32 v20, v6;
	v19 =	vadd.f32 $0.0e+00, v19;
	v25 =	vmul.f32 v11, v31;
	v6 =	vld [tilespmem:s0+$0x0]  }
0x64: {  	v16 =	vmul.f32 v29, v16;
	v29 =	vmul.f32 v32, v10  }
0x65: {  	v12 =	vmul.f32 v8, v12;
	v8 =	vmul.f32 v27, v9  }
0x66: {  	v20 =	vadd.f32 $0.0e+00, v20;
	v24 =	vmul.f32 v16, v24;
	v25 =	vadd.f32 v29, v25  }
0x67: {  	v27 =	vadd.f32 $0.0e+00, v16;
	v16 =	vmul.f32 v16, v28;
	v28 =	vmul.f32 v12, v7  }
0x68: {  	v7 =	vmul.f32 v13, v9;
	v29 =	vmul.f32 v15, v14;
	v24 =	vadd.f32 $0.0e+00, v24  }
0x69: {  	v14 =	vmul.f32 v12, v26;
	v13 =	vadd.f32 $0.0e+00, v16;
	v16 =	vadd.f32 v8, v20  }
0x6a: {  	v19 =	vadd.f32 v7, v19;
	v20 =	vmul.f32 v25, v15;
	v11 =	vmul.f32 v11, v29  }
.Ltmp0:
0x6b: {  	v14 =	vadd.f32 v14, v24;
	v15 =	vadd.f32 v28, v13;
	v13 =	vmul.f32 v32, v29;
	v7 =	vld.idx.msk [tilespmem:v17+s14+$0x0], $0xffff;
	v9 =	vpop (erf);
	(pc) =	sbr.rel @p0 .LBB2_2-.Ltmp0, $4  }
0x6c: {  	v19 =	vadd.f32 v11, v19;
	v17 =	vmul.f32 v20, v31;
	v8 =	vld.idx.msk [tilespmem:v18+s14+$0x0], $0xffff;
	v18 =	vmul.f32 v20, v10  }
0x6d: {  	v13 =	vadd.f32 v13, v16;
	v10 =	vld.idx.msk [tilespmem:v21+s14+$0x0], $0xffff;
	v21 =	vadd.f32 v12, v27  }
0x6e: {  	v17 =	vadd.f32 v17, v14;
	v11 =	vld.idx.msk [tilespmem:v22+s14+$0x0], $0xffff;
	v15 =	vadd.f32 v18, v15  }
0x6f: {  	v16 =	vmul.f32 v9, v19;
	v12 =	vld.idx.msk [tilespmem:v23+s14+$0x0], $0xffff;
	v14 =	vadd.f32 v20, v21  }
0x70: {  	v7 =	vadd.f32 $0.0e+00, v7;
	v17 =	vsub.f32 $0.0e+00, v17  }
0x71: {  	v15 =	vsub.f32 $0.0e+00, v15;
	v9 =	vmul.f32 v9, v13;
	v8 =	vadd.f32 $0.0e+00, v8  }
0x72: {  	v7 =	vadd.f32 v10, v7;
	v10 =	vsub.f32 v17, v16  }
0x73: {  	v9 =	vsub.f32 v15, v9;
	v8 =	vadd.f32 v11, v8  }
0x74: {  	v7 =	vadd.f32 v12, v7;
	v10 =	vmul.f32 v10, v6  }
0x75: {  	v6 =	vmul.f32 v9, v6;
	v5 =	vadd.f32 v5, v8  }
0x76: {  	v7 =	vadd.f32 v10, v7  }
0x77: {  	[tilespmem:s9+$0x0] =	vst v14;
	v5 =	vadd.f32 v6, v5  }
0x78: {  	[tilespmem:v3+s21+$0x0] =	vst.idx.msk $0xffff, v7  }
0x79: {  	s9 =	simm.s32 $0x0;
	[tilespmem:v4+s21+$0x0] =	vst.idx.msk $0xffff, v5  }
0x7a: {  	[tilespmem:s14], [sflag:$0x2] =	stream.indirect.gather [hbm4b:s3+s13], $0x8, s22, s13, $0xb8;
	[tilespmem:$0x19000] =	vst v63  }
0x7b: {  	v3 =	vmov s9;
	_ =	swait.ge [sflag:s23], $0x2580  }
0x7c: {  	v3 =	vshll.u32 v3, $0x3;
	[sflag:s23] =	ssyncset.done $0x0  }
0x7d: {  	s0 =	simm.s32 $0x0;
	v5 =	vor.u32 v0, v3;
	[sflag:s23] =	ssyncadd.s32 $0xFFFFDA80  }
0x7e: {  	v13 =	vadd.s32 v1, v3;
	v3 =	vadd.s32 v2, v3;
	v8 =	vld [tilespmem:s0+$0x3390]  }
0x7f: {  	v4 =	vor.u32 $0x5, v13;
	v14 =	vld [tilespmem:s0+$0x4010]  }
0x80: {  	v6 =	vor.u32 $0x2, v5;
	v15 =	vld [tilespmem:s0+$0x2710]  }
0x81: {  	v7 =	vor.u32 $0x2, v13;
	v16 =	vld [tilespmem:s0+$0x5910]  }
0x82: {  	v9 =	vor.u32 $0x2, v3;
	v19 =	vld.idx.msk [tilespmem:v5+s15+$0x0], $0xffff  }
0x83: {  	v10 =	vor.u32 $0x5, v5;
	v29 =	vld.idx.msk [tilespmem:v3+s15+$0x0], $0xffff  }
0x84: {  	v11 =	vor.u32 $0x5, v3;
	v21 =	vld.idx.msk [tilespmem:v4+s15+$0x0], $0xffff  }
0x85: {  	v6 =	vld.idx.msk [tilespmem:v6+s15+$0x0], $0xffff  }
0x86: {  	v12 =	vor.u32 $0x1, v5;
	v7 =	vld.idx.msk [tilespmem:v7+s15+$0x0], $0xffff  }
0x87: {  	v20 =	vld.idx.msk [tilespmem:v9+s15+$0x0], $0xffff  }
0x88: {  	v22 =	vld.idx.msk [tilespmem:v10+s15+$0x0], $0xffff  }
0x89: {  	v4 =	vor.u32 $0x1, v3;
	v23 =	vld.idx.msk [tilespmem:v11+s15+$0x0], $0xffff  }
0x8a: {  	v17 =	vld [tilespmem:s0+$0x4C90];
	v9 =	vor.u32 $0x1, v13  }
0x8b: {  	v25 =	vld.idx.msk [tilespmem:v12+s15+$0x0], $0xffff  }
0x8c: {  	v26 =	vor.u32 $0x3, v5;
	v18 =	vld [tilespmem:s0+$0x6590];
	v28 =	vmul.f32 v15, v19  }
0x8d: {  	v27 =	vor.u32 $0x4, v5;
	v12 =	vld.idx.msk [tilespmem:v13+s15+$0x0], $0xffff;
	v11 =	vmul.f32 v21, v7;
	v5 =	vmul.f32 v22, v6  }
0x8e: {  	v33 =	vmul.f32 v14, v29;
	v24 =	vld.idx.msk [tilespmem:v4+s15+$0x0], $0xffff;
	v20 =	vmul.f32 v23, v20  }
0x8f: {  	v30 =	vor.u32 $0x3, v3;
	v10 =	vld.idx.msk [tilespmem:v9+s15+$0x0], $0xffff;
	v9 =	vmul.f32 v16, v11;
	v32 =	vmul.f32 v8, v5  }
0x90: {  	v31 =	vld [tilespmem:s0+$0x7210];
	v6 =	vor.u32 $0x3, v13;
	v15 =	vmul.f32 v15, v5;
	v8 =	vmul.f32 v8, v25  }
0x91: {  	v11 =	vmul.f32 v18, v11;
	v5 =	vor.u32 $0x4, v13;
	v13 =	vmul.f32 v17, v20  }
0x92: {  	v27 =	vld.idx.msk [tilespmem:v27+s15+$0x0], $0xffff;
	v14 =	vmul.f32 v14, v20;
	v15 =	vadd.f32 $0.0e+00, v15;
	v8 =	vadd.f32 v8, v28  }
0x93: {  	v20 =	vmul.f32 v16, v12;
	v32 =	vadd.f32 $0.0e+00, v32;
	v17 =	vmul.f32 v17, v24  }
0x94: {  	v18 =	vmul.f32 v18, v10;
	v15 =	vadd.f32 v14, v15;
	v14 =	vmul.f32 v8, v22  }
0x95: {  	(erf) = vrcp.f32 v31;
	v7 =	vor.u32 $0x4, v3;
	v17 =	vadd.f32 v17, v33  }
0x96: {  	v16 =	vadd.f32 v13, v32;
	v22 =	vadd.f32 v18, v20;
	v25 =	vmul.f32 v14, v25  }
0x97: {  	v13 =	vadd.f32 $0.0e+00, v27;
	v18 =	vmul.f32 v17, v23;
	v23 =	vmul.f32 v14, v19  }
0x98: {  	v8 =	vld.idx.msk [tilespmem:v30+s15+$0x0], $0xffff;
	v19 =	vadd.f32 $0.0e+00, v14;
	v14 =	vmul.f32 v22, v21;
	v21 =	vadd.f32 $0.0e+00, v25  }
0x99: {  	s10 =	simm.s32 $0x40;
	v17 =	vld.idx.msk [tilespmem:v26+s15+$0x0], $0xffff;
	v20 =	vmul.f32 v18, v29;
	v22 =	vadd.f32 $0.0e+00, v23;
	v23 =	vmul.f32 v18, v24  }
.LBB2_4:
0x9a: {  	p0 =	sne.s32 s10, $0x600  }
0x9b: {  	v18 =	vadd.f32 v18, v19;
	v10 =	vmul.f32 v14, v10;
	s9 =	sadd.s32 $0x10, s9;
	s11 =	smov.u32 s10;
	s10 =	sadd.s32 $0x40, s10  }
0x9c: {  	v12 =	vmul.f32 v14, v12;
	v19 =	vadd.f32 v20, v22;
	v20 =	vadd.f32 v23, v21;
	v21 =	vld [tilespmem:s0+$0x7E90]  }
0x9d: {  	v9 =	vadd.f32 v9, v15;
	v11 =	vadd.f32 v11, v16;
	v7 =	vld.idx.msk [tilespmem:v7+s15+$0x0], $0xffff  }
0x9e: {  	v6 =	vld.idx.msk [tilespmem:v6+s15+$0x0], $0xffff;
	v12 =	vadd.f32 v12, v19;
	v10 =	vadd.f32 v10, v20;
	v15 =	vpop (erf)  }
0x9f: {  	v14 =	vadd.f32 v14, v18;
	v5 =	vld.idx.msk [tilespmem:v5+s15+$0x0], $0xffff;
	v11 =	vmul.f32 v15, v11  }
0xa0: {  	v16 =	vadd.f32 $0.0e+00, v17;
	v9 =	vmul.f32 v15, v9;
	v12 =	vsub.f32 $0.0e+00, v12  }
0xa1: {  	v10 =	vsub.f32 $0.0e+00, v10;
	[tilespmem:s0+$0x12110] =	vst v14  }
0xa2: {  	v8 =	vadd.f32 v8, v16;
	v9 =	vsub.f32 v12, v9  }
0xa3: {  	v7 =	vadd.f32 v7, v13;
	v10 =	vsub.f32 v10, v11  }
0xa4: {  	v11 =	vmov s9;
	v6 =	vadd.f32 v6, v8;
	v8 =	vmul.f32 v9, v21  }
0xa5: {  	v9 =	vshll.u32 v11, $0x3;
	v5 =	vadd.f32 v5, v7;
	v7 =	vmul.f32 v10, v21  }
0xa6: {  	v10 =	vor.u32 v0, v9;
	v11 =	vadd.s32 v1, v9;
	v6 =	vadd.f32 v8, v6  }
0xa7: {  	s0 =	sshra.s32 s11, $0x2;
	v12 =	vor.u32 $0x1, v10;
	v13 =	vor.u32 $0x2, v10;
	v5 =	vadd.f32 v7, v5  }
0xa8: {  	v14 =	vor.u32 $0x1, v11;
	v15 =	vor.u32 $0x5, v11;
	[tilespmem:v3+s21+$0x0] =	vst.idx.msk $0xffff, v6;
	v3 =	vadd.s32 v2, v9  }
0xa9: {  	v9 =	vor.u32 $0x2, v3;
	v16 =	vor.u32 $0x5, v3;
	[tilespmem:v4+s21+$0x0] =	vst.idx.msk $0xffff, v5;
	v4 =	vor.u32 $0x1, v3  }
0xaa: {  	v17 =	vor.u32 $0x3, v10;
	v19 =	vor.u32 $0x2, v11;
	v8 =	vor.u32 $0x3, v3;
	v18 =	vld [tilespmem:s0+$0x3390]  }
0xab: {  	v20 =	vor.u32 $0x4, v10;
	v6 =	vor.u32 $0x3, v11;
	v7 =	vor.u32 $0x4, v3;
	v21 =	vld [tilespmem:s0+$0x4010]  }
0xac: {  	v5 =	vor.u32 $0x4, v11;
	v22 =	vld [tilespmem:s0+$0x2710]  }
0xad: {  	v23 =	vld [tilespmem:s0+$0x5910]  }
0xae: {  	v24 =	vor.u32 $0x5, v10;
	v25 =	vld [tilespmem:s0+$0x4C90]  }
0xaf: {  	v8 =	vld.idx.msk [tilespmem:v8+s15+$0x0], $0xffff  }
0xb0: {  	v26 =	vld [tilespmem:s0+$0x6590]  }
0xb1: {  	v27 =	vld.idx.msk [tilespmem:v10+s15+$0x0], $0xffff  }
0xb2: {  	v28 =	vld.idx.msk [tilespmem:v15+s15+$0x0], $0xffff  }
0xb3: {  	v13 =	vld.idx.msk [tilespmem:v13+s15+$0x0], $0xffff  }
0xb4: {  	v15 =	vld.idx.msk [tilespmem:v19+s15+$0x0], $0xffff  }
0xb5: {  	v19 =	vld.idx.msk [tilespmem:v9+s15+$0x0], $0xffff  }
0xb6: {  	v24 =	vld.idx.msk [tilespmem:v24+s15+$0x0], $0xffff  }
0xb7: {  	v29 =	vmul.f32 v22, v27;
	v30 =	vld.idx.msk [tilespmem:v16+s15+$0x0], $0xffff  }
0xb8: {  	v31 =	vld.idx.msk [tilespmem:v4+s15+$0x0], $0xffff  }
0xb9: {  	v10 =	vld.idx.msk [tilespmem:v14+s15+$0x0], $0xffff  }
0xba: {  	v15 =	vmul.f32 v28, v15;
	v14 =	vld.idx.msk [tilespmem:v12+s15+$0x0], $0xffff  }
0xbb: {  	v32 =	vld.idx.msk [tilespmem:v3+s15+$0x0], $0xffff  }
0xbc: {  	v13 =	vmul.f32 v24, v13;
	v9 =	vmul.f32 v23, v15;
	v12 =	vld.idx.msk [tilespmem:v11+s15+$0x0], $0xffff  }
0xbd: {  	v16 =	vmul.f32 v30, v19;
	v11 =	vmul.f32 v26, v15;
	v19 =	vld [tilespmem:s0+$0x7210]  }
0xbe: {  	v15 =	vmul.f32 v18, v13;
	v20 =	vld.idx.msk [tilespmem:v20+s15+$0x0], $0xffff  }
0xbf: {  	v13 =	vmul.f32 v22, v13;
	v22 =	vmul.f32 v25, v16  }
0xc0: {  	v18 =	vmul.f32 v18, v14;
	v33 =	vadd.f32 $0.0e+00, v15;
	v15 =	vmul.f32 v25, v31  }
0xc1: {  	v16 =	vmul.f32 v21, v16;
	v13 =	vadd.f32 $0.0e+00, v13;
	v25 =	vmul.f32 v21, v32  }
0xc2: {  	v18 =	vadd.f32 v18, v29;
	v21 =	vmul.f32 v23, v12;
	v23 =	vmul.f32 v26, v10  }
0xc3: {  	v25 =	vadd.f32 v15, v25;
	v15 =	vadd.f32 v16, v13;
	(erf) = vrcp.f32 v19  }
.Ltmp1:
0xc4: {  	v16 =	vadd.f32 v22, v33;
	v24 =	vmul.f32 v18, v24;
	v21 =	vadd.f32 v23, v21;
	(pc) =	sbr.rel @p0 .LBB2_4-.Ltmp1, $4  }
0xc5: {  	v13 =	vadd.f32 $0.0e+00, v20;
	v18 =	vmul.f32 v25, v30  }
0xc6: {  	v19 =	vadd.f32 $0.0e+00, v24;
	v22 =	vmul.f32 v24, v27;
	v23 =	vmul.f32 v24, v14  }
0xc7: {  	v14 =	vmul.f32 v21, v28;
	v20 =	vmul.f32 v18, v32  }
0xc8: {  	v22 =	vadd.f32 $0.0e+00, v22;
	v21 =	vadd.f32 $0.0e+00, v23;
	v23 =	vmul.f32 v18, v31;
	v17 =	vld.idx.msk [tilespmem:v17+s15+$0x0], $0xffff  }
0xc9: {  	_ =	sdelay $0x1  }
0xca: {  	v12 =	vmul.f32 v14, v12;
	v20 =	vadd.f32 v20, v22  }
0xcb: {  	v10 =	vmul.f32 v14, v10;
	v56 =	vld [tilespmem:s0+$0x7E90];
	v21 =	vadd.f32 v23, v21  }
0xcc: {  	v7 =	vld.idx.msk [tilespmem:v7+s15+$0x0], $0xffff;
	v9 =	vadd.f32 v9, v15;
	v12 =	vadd.f32 v12, v20  }
0xcd: {  	v11 =	vadd.f32 v11, v16;
	v6 =	vld.idx.msk [tilespmem:v6+s15+$0x0], $0xffff;
	v10 =	vadd.f32 v10, v21;
	v15 =	vpop (erf)  }
0xce: {  	v5 =	vld.idx.msk [tilespmem:v5+s15+$0x0], $0xffff;
	v16 =	vadd.f32 $0.0e+00, v17;
	v9 =	vmul.f32 v15, v9;
	v12 =	vsub.f32 $0.0e+00, v12  }
0xcf: {  	v17 =	vadd.f32 v18, v19;
	v11 =	vmul.f32 v15, v11;
	v10 =	vsub.f32 $0.0e+00, v10  }
0xd0: {  	v8 =	vadd.f32 v8, v16;
	v9 =	vsub.f32 v12, v9  }
0xd1: {  	v7 =	vadd.f32 v7, v13;
	v10 =	vsub.f32 v10, v11  }
0xd2: {  	v6 =	vadd.f32 v6, v8;
	v8 =	vmul.f32 v9, v56  }
0xd3: {  	v5 =	vadd.f32 v5, v7;
	v9 =	vadd.f32 v14, v17;
	v7 =	vmul.f32 v10, v56  }
0xd4: {  	v6 =	vadd.f32 v8, v6  }
0xd5: {  	[tilespmem:s0+$0x12110] =	vst v9;
	v5 =	vadd.f32 v7, v5  }
0xd6: {  	[tilespmem:v3+s21+$0x0] =	vst.idx.msk $0xffff, v6  }
0xd7: {  	[tilespmem:v4+s21+$0x0] =	vst.idx.msk $0xffff, v5  }
0xd8: {  	[tilespmem:s15], [sflag:$0x3] =	stream.indirect.gather [hbm4b:s3+s13], $0x8, s24, s13, $0xb8;
	[tilespmem:$0x19000] =	vst v63  }
0xd9: {  	_ =	swait.ge [sflag:s25], $0x2580  }
0xda: {  	[sflag:s25] =	ssyncset.done $0x0  }
0xdb: {  	s9 =	simm.s32 $0x0;
	s0 =	simm.s32 $0x0;
	[sflag:s25] =	ssyncadd.s32 $0xFFFFDA80  }
0xdc: {  	v3 =	vmov s9;
	v6 =	vld [tilespmem:s0+$0x3520]  }
0xdd: {  	v3 =	vshll.u32 v3, $0x3;
	v10 =	vld [tilespmem:s0+$0x6720]  }
0xde: {  	v8 =	vadd.s32 v2, v3;
	v9 =	vld [tilespmem:s0+$0x28A0]  }
0xdf: {  	v4 =	vor.u32 $0x5, v8;
	v11 =	vld [tilespmem:s0+$0x41A0]  }
0xe0: {  	v5 =	vor.u32 v0, v3;
	v7 =	vor.u32 $0x1, v8;
	v13 =	vld [tilespmem:s0+$0x4E20]  }
0xe1: {  	v12 =	vor.u32 $0x2, v5;
	v27 =	vld [tilespmem:s0+$0x5AA0]  }
0xe2: {  	v18 =	vor.u32 $0x5, v5;
	v63 =	vld [tilespmem:s0+$0x73A0]  }
0xe3: {  	v17 =	vld.idx.msk [tilespmem:v8+s17+$0x0], $0xffff  }
0xe4: {  	v3 =	vadd.s32 v1, v3;
	v57 =	vor.u32 $0x2, v8;
	v19 =	vld.idx.msk [tilespmem:v4+s17+$0x0], $0xffff  }
0xe5: {  	v4 =	vor.u32 $0x1, v3;
	v20 =	vld.idx.msk [tilespmem:v7+s17+$0x0], $0xffff  }
0xe6: {  	v7 =	vor.u32 $0x1, v5;
	v12 =	vld.idx.msk [tilespmem:v12+s17+$0x0], $0xffff  }
0xe7: {  	v18 =	vld.idx.msk [tilespmem:v18+s17+$0x0], $0xffff  }
0xe8: {  	v14 =	vor.u32 $0x5, v3;
	v15 =	vld.idx.msk [tilespmem:v5+s17+$0x0], $0xffff  }
0xe9: {  	v16 =	vor.u32 $0x2, v3;
	v21 =	vld.idx.msk [tilespmem:v57+s17+$0x0], $0xffff  }
0xea: {  	v58 =	vld.idx.msk [tilespmem:v4+s17+$0x0], $0xffff  }
0xeb: {  	v59 =	vmul.f32 v11, v17;
	v24 =	vld.idx.msk [tilespmem:v7+s17+$0x0], $0xffff;
	v7 =	vmul.f32 v13, v20  }
0xec: {  	v25 =	vor.u32 $0x3, v5;
	v60 =	vld.idx.msk [tilespmem:v3+s17+$0x0], $0xffff;
	v12 =	vmul.f32 v18, v12  }
0xed: {  	v28 =	vor.u32 $0x4, v5;
	v14 =	vld.idx.msk [tilespmem:v14+s17+$0x0], $0xffff;
	(erf) = vrcp.f32 v63;
	v7 =	vadd.f32 v7, v59  }
0xee: {  	v29 =	vor.u32 $0x3, v8;
	v16 =	vld.idx.msk [tilespmem:v16+s17+$0x0], $0xffff;
	v26 =	vmul.f32 v9, v15;
	v9 =	vmul.f32 v9, v12  }
0xef: {  	v31 =	vor.u32 $0x3, v3;
	v7 =	vmul.f32 v7, v19;
	v19 =	vmul.f32 v19, v21  }
0xf0: {  	v62 =	vor.u32 $0x4, v8;
	v5 =	vmul.f32 v10, v58;
	v30 =	vmul.f32 v6, v24  }
0xf1: {  	v9 =	vadd.f32 $0.0e+00, v9;
	v61 =	vmul.f32 v7, v17;
	v17 =	vmul.f32 v27, v60  }
0xf2: {  	v6 =	vmul.f32 v6, v12;
	v11 =	vmul.f32 v11, v19;
	v12 =	vadd.f32 v30, v26  }
0xf3: {  	v16 =	vmul.f32 v14, v16;
	v20 =	vmul.f32 v7, v20;
	v8 =	vadd.f32 v5, v17  }
0xf4: {  	v13 =	vmul.f32 v13, v19;
	v9 =	vadd.f32 v11, v9;
	v12 =	vmul.f32 v12, v18  }
0xf5: {  	v11 =	vadd.f32 $0.0e+00, v6;
	v18 =	vmul.f32 v27, v16;
	v8 =	vmul.f32 v8, v14  }
0xf6: {  	v6 =	vld.idx.msk [tilespmem:v31+s17+$0x0], $0xffff;
	v15 =	vmul.f32 v12, v15;
	v14 =	vmul.f32 v12, v24  }
0xf7: {  	v16 =	vmul.f32 v10, v16;
	v10 =	vld.idx.msk [tilespmem:v25+s17+$0x0], $0xffff;
	v13 =	vadd.f32 v13, v11;
	v9 =	vadd.f32 v18, v9  }
0xf8: {  	v5 =	vor.u32 $0x4, v3;
	v11 =	vld.idx.msk [tilespmem:v28+s17+$0x0], $0xffff;
	v18 =	vadd.f32 $0.0e+00, v15;
	v24 =	vadd.f32 $0.0e+00, v14  }
0xf9: {  	v17 =	vmul.f32 v8, v60;
	v14 =	vadd.f32 v16, v13;
	v16 =	vadd.f32 $0.0e+00, v12;
	v12 =	vld.idx.msk [tilespmem:v29+s17+$0x0], $0xffff  }
0xfa: {  	s10 =	simm.s32 $0x40;
	v15 =	vmul.f32 v8, v58;
	v13 =	vld.idx.msk [tilespmem:v62+s17+$0x0], $0xffff;
	v19 =	vadd.f32 v61, v18;
	v18 =	vadd.f32 v20, v24  }
.LBB2_6:
0xfb: {  	p0 =	sne.s32 s10, $0x600  }
0xfc: {  	v17 =	vadd.f32 v17, v19;
	v19 =	vld [tilespmem:s0+$0x8020];
	s9 =	sadd.s32 $0x10, s9;
	v20 =	vpop (erf);
	s11 =	smov.u32 s10;
	s10 =	sadd.s32 $0x40, s10  }
0xfd: {  	v7 =	vadd.f32 v7, v16;
	v5 =	vld.idx.msk [tilespmem:v5+s17+$0x0], $0xffff;
	v15 =	vadd.f32 v15, v18;
	v9 =	vmul.f32 v20, v9  }
0xfe: {  	v10 =	vadd.f32 $0.0e+00, v10;
	v14 =	vmul.f32 v20, v14;
	v16 =	vsub.f32 $0.0e+00, v17  }
0xff: {  	v11 =	vadd.f32 $0.0e+00, v11;
	v15 =	vsub.f32 $0.0e+00, v15  }
0x100: {  	v10 =	vadd.f32 v12, v10;
	v9 =	vsub.f32 v16, v9  }
0x101: {  	v11 =	vadd.f32 v13, v11;
	v12 =	vsub.f32 v15, v14  }
0x102: {  	v6 =	vadd.f32 v6, v10;
	v9 =	vmul.f32 v9, v19  }
0x103: {  	v7 =	vadd.f32 v8, v7;
	v5 =	vadd.f32 v5, v11;
	v8 =	vmul.f32 v12, v19  }
0x104: {  	v10 =	vmov s9;
	v6 =	vadd.f32 v9, v6  }
0x105: {  	v9 =	vshll.u32 v10, $0x3;
	v5 =	vadd.f32 v8, v5;
	[tilespmem:s0+$0x122A0] =	vst v7  }
0x106: {  	v7 =	vor.u32 v0, v9;
	v8 =	vadd.s32 v2, v9;
	[tilespmem:v3+s21+$0x0] =	vst.idx.msk $0xffff, v6  }
0x107: {  	s0 =	sshra.s32 s11, $0x2;
	v6 =	vor.u32 $0x1, v7;
	v10 =	vor.u32 $0x2, v7;
	v11 =	vor.u32 $0x1, v8;
	[tilespmem:v4+s21+$0x0] =	vst.idx.msk $0xffff, v5  }
0x108: {  	v12 =	vor.u32 $0x5, v7;
	v14 =	vor.u32 $0x2, v8;
	v15 =	vor.u32 $0x5, v8;
	v13 =	vld [tilespmem:s0+$0x3520]  }
0x109: {  	v16 =	vor.u32 $0x3, v7;
	v18 =	vor.u32 $0x4, v7;
	v19 =	vor.u32 $0x3, v8;
	v17 =	vld [tilespmem:s0+$0x6720]  }
0x10a: {  	v21 =	vor.u32 $0x4, v8;
	v3 =	vadd.s32 v1, v9;
	v20 =	vld [tilespmem:s0+$0x28A0]  }
0x10b: {  	v4 =	vor.u32 $0x1, v3;
	v22 =	vor.u32 $0x2, v3;
	v23 =	vor.u32 $0x5, v3;
	v9 =	vld [tilespmem:s0+$0x41A0]  }
0x10c: {  	v25 =	vor.u32 $0x3, v3;
	v5 =	vor.u32 $0x4, v3;
	v24 =	vld [tilespmem:s0+$0x4E20]  }
0x10d: {  	v26 =	vld.idx.msk [tilespmem:v7+s17+$0x0], $0xffff  }
0x10e: {  	v8 =	vld.idx.msk [tilespmem:v8+s17+$0x0], $0xffff  }
0x10f: {  	v15 =	vld.idx.msk [tilespmem:v15+s17+$0x0], $0xffff  }
0x110: {  	v11 =	vld.idx.msk [tilespmem:v11+s17+$0x0], $0xffff  }
0x111: {  	v7 =	vld.idx.msk [tilespmem:v10+s17+$0x0], $0xffff  }
0x112: {  	v10 =	vld.idx.msk [tilespmem:v23+s17+$0x0], $0xffff  }
0x113: {  	v23 =	vmul.f32 v20, v26;
	v22 =	vld.idx.msk [tilespmem:v22+s17+$0x0], $0xffff  }
0x114: {  	v27 =	vmul.f32 v9, v8;
	v12 =	vld.idx.msk [tilespmem:v12+s17+$0x0], $0xffff  }
0x115: {  	v28 =	vld.idx.msk [tilespmem:v4+s17+$0x0], $0xffff  }
0x116: {  	v29 =	vld.idx.msk [tilespmem:v6+s17+$0x0], $0xffff;
	v6 =	vmul.f32 v24, v11  }
0x117: {  	v14 =	vld.idx.msk [tilespmem:v14+s17+$0x0], $0xffff  }
0x118: {  	v27 =	vadd.f32 v6, v27;
	v30 =	vld.idx.msk [tilespmem:v3+s17+$0x0], $0xffff  }
0x119: {  	v31 =	vld [tilespmem:s0+$0x5AA0]  }
0x11a: {  	v22 =	vmul.f32 v10, v22;
	v32 =	vmul.f32 v12, v7;
	v6 =	vld.idx.msk [tilespmem:v25+s17+$0x0], $0xffff  }
0x11b: {  	v7 =	vmul.f32 v27, v15;
	v25 =	vmul.f32 v17, v28;
	v27 =	vld [tilespmem:s0+$0x73A0]  }
0x11c: {  	v33 =	vmul.f32 v13, v29;
	v13 =	vmul.f32 v13, v32  }
0x11d: {  	v20 =	vmul.f32 v20, v32;
	v14 =	vmul.f32 v15, v14  }
0x11e: {  	v15 =	vadd.f32 v33, v23;
	v23 =	vmul.f32 v7, v8;
	v8 =	vmul.f32 v31, v30  }
0x11f: {  	v32 =	vmul.f32 v7, v11;
	v20 =	vadd.f32 $0.0e+00, v20;
	v9 =	vmul.f32 v9, v14  }
0x120: {  	v11 =	vmul.f32 v31, v22;
	(erf) = vrcp.f32 v27  }
0x121: {  	v12 =	vmul.f32 v15, v12;
	v9 =	vadd.f32 v9, v20;
	v8 =	vadd.f32 v25, v8  }
0x122: {  	v13 =	vadd.f32 $0.0e+00, v13;
	v14 =	vmul.f32 v24, v14  }
0x123: {  	v15 =	vmul.f32 v12, v26;
	v8 =	vmul.f32 v8, v10;
	v9 =	vadd.f32 v11, v9  }
.Ltmp2:
0x124: {  	v13 =	vadd.f32 v14, v13;
	v14 =	vmul.f32 v17, v22;
	v20 =	vmul.f32 v12, v29;
	(pc) =	sbr.rel @p0 .LBB2_6-.Ltmp2, $4  }
0x125: {  	v22 =	vadd.f32 $0.0e+00, v15;
	v17 =	vmul.f32 v8, v30;
	v15 =	vmul.f32 v8, v28;
	v10 =	vld.idx.msk [tilespmem:v16+s17+$0x0], $0xffff  }
0x126: {  	v14 =	vadd.f32 v14, v13;
	v11 =	vld.idx.msk [tilespmem:v18+s17+$0x0], $0xffff;
	v18 =	vadd.f32 $0.0e+00, v20  }
0x127: {  	v16 =	vadd.f32 $0.0e+00, v12;
	v12 =	vld.idx.msk [tilespmem:v19+s17+$0x0], $0xffff;
	v19 =	vadd.f32 v23, v22  }
0x128: {  	v13 =	vld.idx.msk [tilespmem:v21+s17+$0x0], $0xffff;
	v18 =	vadd.f32 v32, v18  }
0x129: {  	_ =	sdelay $0x1  }
0x12a: {  	v17 =	vadd.f32 v17, v19  }
0x12b: {  	v19 =	vld [tilespmem:s0+$0x8020];
	v20 =	vpop (erf);
	v7 =	vadd.f32 v7, v16;
	v15 =	vadd.f32 v15, v18  }
0x12c: {  	v5 =	vld.idx.msk [tilespmem:v5+s17+$0x0], $0xffff;
	v9 =	vmul.f32 v20, v9;
	v10 =	vadd.f32 $0.0e+00, v10;
	v16 =	vsub.f32 $0.0e+00, v17  }
0x12d: {  	v14 =	vmul.f32 v20, v14;
	v11 =	vadd.f32 $0.0e+00, v11;
	v15 =	vsub.f32 $0.0e+00, v15  }
0x12e: {  	v10 =	vadd.f32 v12, v10;
	v9 =	vsub.f32 v16, v9  }
0x12f: {  	v11 =	vadd.f32 v13, v11;
	v12 =	vsub.f32 v15, v14  }
0x130: {  	v6 =	vadd.f32 v6, v10;
	v9 =	vmul.f32 v9, v19  }
0x131: {  	v7 =	vadd.f32 v8, v7;
	v5 =	vadd.f32 v5, v11;
	v8 =	vmul.f32 v12, v19  }
0x132: {  	v6 =	vadd.f32 v9, v6  }
0x133: {  	[tilespmem:s0+$0x122A0] =	vst v7;
	v5 =	vadd.f32 v8, v5  }
0x134: {  	[tilespmem:v3+s21+$0x0] =	vst.idx.msk $0xffff, v6  }
0x135: {  	[tilespmem:v4+s21+$0x0] =	vst.idx.msk $0xffff, v5  }
0x136: {  	[tilespmem:s17], [sflag:$0x4] =	stream.indirect.gather [hbm4b:s3+s13], $0x8, s26, s13, $0xb8;
	[tilespmem:$0x19000] =	vst v63  }
0x137: {  	_ =	swait.ge [sflag:s28], $0x2580  }
0x138: {  	s0 =	simm.s32 $0x0;
	[sflag:s28] =	ssyncset.done $0x0  }
0x139: {  	s9 =	simm.s32 $0x0;
	v3 =	vmov s0;
	[sflag:s28] =	ssyncadd.s32 $0xFFFFDA80  }
0x13a: {  	v3 =	vshll.u32 v3, $0x3;
	v9 =	vld [tilespmem:s9+$0x2A30]  }
0x13b: {  	v5 =	vadd.s32 v2, v3;
	v10 =	vld [tilespmem:s9+$0x4330]  }
0x13c: {  	v4 =	vor.u32 v0, v3;
	v12 =	vld [tilespmem:s9+$0x5C30]  }
0x13d: {  	v7 =	vadd.s32 v1, v3;
	v16 =	vld [tilespmem:s9+$0x4FB0]  }
0x13e: {  	v6 =	vor.u32 $0x2, v4;
	v22 =	vld [tilespmem:s9+$0x36B0]  }
0x13f: {  	v8 =	vor.u32 $0x5, v7;
	v24 =	vld [tilespmem:s9+$0x7530]  }
0x140: {  	v11 =	vor.u32 $0x2, v5;
	v14 =	vld.idx.msk [tilespmem:v5+s19+$0x0], $0xffff  }
0x141: {  	v13 =	vor.u32 $0x5, v4;
	v19 =	vld.idx.msk [tilespmem:v4+s19+$0x0], $0xffff  }
0x142: {  	v15 =	vor.u32 $0x1, v5;
	v27 =	vld.idx.msk [tilespmem:v7+s19+$0x0], $0xffff  }
0x143: {  	v18 =	vor.u32 $0x1, v4;
	v6 =	vld.idx.msk [tilespmem:v6+s19+$0x0], $0xffff  }
0x144: {  	v17 =	vld.idx.msk [tilespmem:v8+s19+$0x0], $0xffff;
	v8 =	vor.u32 $0x5, v5  }
0x145: {  	v20 =	vor.u32 $0x2, v7;
	v11 =	vld.idx.msk [tilespmem:v11+s19+$0x0], $0xffff  }
0x146: {  	v13 =	vld.idx.msk [tilespmem:v13+s19+$0x0], $0xffff  }
0x147: {  	v21 =	vld.idx.msk [tilespmem:v15+s19+$0x0], $0xffff  }
0x148: {  	v15 =	vor.u32 $0x1, v7;
	v18 =	vld.idx.msk [tilespmem:v18+s19+$0x0], $0xffff  }
0x149: {  	v8 =	vld.idx.msk [tilespmem:v8+s19+$0x0], $0xffff  }
0x14a: {  	v23 =	vor.u32 $0x3, v4;
	v25 =	vor.u32 $0x3, v5;
	v20 =	vld.idx.msk [tilespmem:v20+s19+$0x0], $0xffff  }
0x14b: {  	v28 =	vor.u32 $0x4, v5;
	(erf) = vrcp.f32 v24;
	v29 =	vmul.f32 v10, v14  }
0x14c: {  	v32 =	vld [tilespmem:s9+$0x68B0];
	v5 =	vor.u32 $0x3, v7;
	v30 =	vmul.f32 v9, v19;
	v26 =	vmul.f32 v13, v6  }
0x14d: {  	v61 =	vmul.f32 v12, v27;
	v31 =	vld.idx.msk [tilespmem:v15+s19+$0x0], $0xffff;
	v6 =	vor.u32 $0x4, v7;
	v7 =	vmul.f32 v22, v18  }
0x14e: {  	v4 =	vor.u32 $0x4, v4;
	v9 =	vmul.f32 v9, v26;
	v11 =	vmul.f32 v8, v11  }
0x14f: {  	v15 =	vmul.f32 v16, v21;
	v20 =	vmul.f32 v17, v20;
	v7 =	vadd.f32 v7, v30  }
0x150: {  	v22 =	vmul.f32 v22, v26;
	v9 =	vadd.f32 $0.0e+00, v9;
	v10 =	vmul.f32 v10, v11  }
0x151: {  	v15 =	vadd.f32 v15, v29;
	v62 =	vmul.f32 v12, v20;
	v13 =	vmul.f32 v7, v13  }
0x152: {  	v9 =	vadd.f32 v10, v9;
	v10 =	vmul.f32 v16, v11;
	v11 =	vmul.f32 v32, v31  }
0x153: {  	v12 =	vmul.f32 v15, v8;
	v16 =	vadd.f32 $0.0e+00, v22  }
0x154: {  	v18 =	vmul.f32 v13, v18;
	v8 =	vadd.f32 v62, v9;
	v9 =	vadd.f32 v11, v61  }
0x155: {  	v7 =	vld.idx.msk [tilespmem:v28+s19+$0x0], $0xffff;
	v15 =	vmul.f32 v12, v14;
	v22 =	vmul.f32 v32, v20;
	v63 =	vadd.f32 v10, v16  }
0x156: {  	v16 =	vadd.f32 $0.0e+00, v13;
	v10 =	vld.idx.msk [tilespmem:v23+s19+$0x0], $0xffff;
	v13 =	vmul.f32 v13, v19;
	v9 =	vmul.f32 v9, v17  }
0x157: {  	v20 =	vmul.f32 v12, v21;
	v11 =	vld.idx.msk [tilespmem:v4+s19+$0x0], $0xffff;
	v19 =	vadd.f32 $0.0e+00, v18;
	v14 =	vadd.f32 v22, v63  }
0x158: {  	s10 =	simm.s32 $0x40;
	v21 =	vadd.f32 $0.0e+00, v13;
	v13 =	vld.idx.msk [tilespmem:v25+s19+$0x0], $0xffff;
	v17 =	vmul.f32 v9, v27;
	v18 =	vmul.f32 v9, v31  }
.LBB2_8:
0x159: {  	p0 =	sne.s32 s10, $0x600  }
0x15a: {  	v4 =	vadd.f32 v12, v16;
	v12 =	vadd.f32 v20, v19;
	v16 =	vld [tilespmem:s9+$0x81B0];
	s0 =	sadd.s32 $0x10, s0;
	v19 =	vpop (erf);
	s11 =	smov.u32 s10;
	s10 =	sadd.s32 $0x40, s10  }
0x15b: {  	v15 =	vadd.f32 v15, v21;
	v5 =	vld.idx.msk [tilespmem:v5+s19+$0x0], $0xffff  }
0x15c: {  	v8 =	vmul.f32 v19, v8;
	v6 =	vld.idx.msk [tilespmem:v6+s19+$0x0], $0xffff;
	v4 =	vadd.f32 v9, v4;
	v9 =	vadd.f32 v18, v12  }
0x15d: {  	v14 =	vmul.f32 v19, v14;
	v10 =	vadd.f32 $0.0e+00, v10;
	v12 =	vadd.f32 v17, v15  }
0x15e: {  	v11 =	vadd.f32 $0.0e+00, v11;
	v9 =	vsub.f32 $0.0e+00, v9;
	[tilespmem:s9+$0x12430] =	vst v4  }
0x15f: {  	v4 =	vor.u32 $0x2580, v0;
	v10 =	vadd.f32 v13, v10;
	v12 =	vsub.f32 $0.0e+00, v12  }
0x160: {  	v7 =	vadd.f32 v7, v11;
	v11 =	vadd.s32 v4, v3;
	v9 =	vsub.f32 v9, v14  }
0x161: {  	v5 =	vadd.f32 v5, v10;
	v3 =	vsub.f32 v12, v8;
	v8 =	vor.u32 $0x1, v11  }
0x162: {  	v6 =	vadd.f32 v6, v7;
	v7 =	vmul.f32 v9, v16  }
0x163: {  	v9 =	vmov s0;
	v10 =	vmul.f32 v3, v16  }
0x164: {  	v3 =	vshll.u32 v9, $0x3;
	v6 =	vadd.f32 v7, v6  }
0x165: {  	v7 =	vor.u32 v0, v3;
	v9 =	vadd.s32 v2, v3;
	v5 =	vadd.f32 v10, v5  }
0x166: {  	v10 =	vor.u32 $0x1, v7;
	v12 =	vor.u32 $0x2, v7;
	v13 =	vor.u32 $0x1, v9  }
0x167: {  	v16 =	vadd.s32 v1, v3;
	v14 =	vor.u32 $0x5, v7;
	v15 =	vor.u32 $0x2, v9;
	[tilespmem:v11+s21+$0x0] =	vst.idx.msk $0xffff, v5  }
0x168: {  	s9 =	sshra.s32 s11, $0x2;
	v17 =	vor.u32 $0x1, v16;
	v18 =	vor.u32 $0x5, v16;
	v11 =	vor.u32 $0x5, v9;
	[tilespmem:v8+s21+$0x0] =	vst.idx.msk $0xffff, v6  }
0x169: {  	v19 =	vor.u32 $0x3, v7;
	v20 =	vor.u32 $0x4, v7;
	v22 =	vor.u32 $0x3, v9;
	v8 =	vld [tilespmem:s9+$0x2A30]  }
0x16a: {  	v21 =	vor.u32 $0x4, v9;
	v5 =	vor.u32 $0x3, v16;
	v6 =	vor.u32 $0x4, v16;
	v23 =	vld [tilespmem:s9+$0x4330]  }
0x16b: {  	v24 =	vld [tilespmem:s9+$0x5C30]  }
0x16c: {  	v9 =	vld.idx.msk [tilespmem:v9+s19+$0x0], $0xffff  }
0x16d: {  	v12 =	vld.idx.msk [tilespmem:v12+s19+$0x0], $0xffff;
	_ =	sdelay $0x1  }
0x16e: {  	v18 =	vld.idx.msk [tilespmem:v18+s19+$0x0], $0xffff  }
0x16f: {  	v25 =	vld [tilespmem:s9+$0x4FB0]  }
0x170: {  	v15 =	vld.idx.msk [tilespmem:v15+s19+$0x0], $0xffff  }
0x171: {  	v26 =	vmul.f32 v23, v9;
	v14 =	vld.idx.msk [tilespmem:v14+s19+$0x0], $0xffff  }
0x172: {  	v27 =	vld.idx.msk [tilespmem:v7+s19+$0x0], $0xffff;
	v7 =	vor.u32 $0x2, v16  }
0x173: {  	v13 =	vld.idx.msk [tilespmem:v13+s19+$0x0], $0xffff  }
0x174: {  	v11 =	vld.idx.msk [tilespmem:v11+s19+$0x0], $0xffff  }
0x175: {  	v10 =	vld.idx.msk [tilespmem:v10+s19+$0x0], $0xffff  }
0x176: {  	v28 =	vld [tilespmem:s9+$0x36B0]  }
0x177: {  	v12 =	vmul.f32 v14, v12;
	v29 =	vld.idx.msk [tilespmem:v7+s19+$0x0], $0xffff  }
0x178: {  	v30 =	vmul.f32 v8, v27;
	v31 =	vld [tilespmem:s9+$0x7530]  }
0x179: {  	v8 =	vmul.f32 v8, v12;
	v32 =	vmul.f32 v25, v13;
	v33 =	vld.idx.msk [tilespmem:v16+s19+$0x0], $0xffff  }
0x17a: {  	v34 =	vld.idx.msk [tilespmem:v17+s19+$0x0], $0xffff  }
0x17b: {  	v15 =	vmul.f32 v11, v15;
	v16 =	vmul.f32 v28, v10;
	v17 =	vld [tilespmem:s9+$0x68B0]  }
0x17c: {  	v12 =	vmul.f32 v28, v12;
	v7 =	vld.idx.msk [tilespmem:v21+s19+$0x0], $0xffff  }
0x17d: {  	v8 =	vadd.f32 $0.0e+00, v8;
	v21 =	vmul.f32 v23, v15;
	v23 =	vmul.f32 v18, v29  }
0x17e: {  	v26 =	vadd.f32 v32, v26;
	v16 =	vadd.f32 v16, v30;
	(erf) = vrcp.f32 v31  }
0x17f: {  	v8 =	vadd.f32 v21, v8;
	v21 =	vmul.f32 v24, v33;
	v24 =	vmul.f32 v24, v23  }
0x180: {  	v15 =	vmul.f32 v25, v15;
	v28 =	vadd.f32 $0.0e+00, v12;
	v25 =	vmul.f32 v17, v34  }
0x181: {  	v12 =	vmul.f32 v26, v11;
	v14 =	vmul.f32 v16, v14;
	v8 =	vadd.f32 v24, v8  }
.Ltmp3:
0x182: {  	v24 =	vadd.f32 v15, v28;
	v17 =	vmul.f32 v17, v23;
	v11 =	vadd.f32 v25, v21;
	(pc) =	sbr.rel @p0 .LBB2_8-.Ltmp3, $4  }
0x183: {  	v15 =	vmul.f32 v12, v9;
	v16 =	vadd.f32 $0.0e+00, v14;
	v21 =	vmul.f32 v14, v10  }
0x184: {  	v23 =	vmul.f32 v14, v27;
	v10 =	vld.idx.msk [tilespmem:v19+s19+$0x0], $0xffff;
	v9 =	vmul.f32 v11, v18  }
0x185: {  	v14 =	vadd.f32 v17, v24;
	v19 =	vadd.f32 $0.0e+00, v21;
	v11 =	vld.idx.msk [tilespmem:v20+s19+$0x0], $0xffff;
	v20 =	vmul.f32 v12, v13  }
0x186: {  	v21 =	vadd.f32 $0.0e+00, v23;
	v13 =	vld.idx.msk [tilespmem:v22+s19+$0x0], $0xffff;
	v17 =	vmul.f32 v9, v33;
	v18 =	vmul.f32 v9, v34  }
0x187: {  	_ = 	snop  }
0x188: {  	v15 =	vadd.f32 v15, v21  }
0x189: {  	v19 =	vadd.f32 v20, v19  }
0x18a: {  	v20 =	vld [tilespmem:s9+$0x81B0];
	v15 =	vadd.f32 v17, v15  }
0x18b: {  	v12 =	vadd.f32 v12, v16;
	v16 =	vpop (erf);
	v5 =	vld.idx.msk [tilespmem:v5+s19+$0x0], $0xffff;
	v17 =	vadd.f32 v18, v19  }
0x18c: {  	v6 =	vld.idx.msk [tilespmem:v6+s19+$0x0], $0xffff;
	v8 =	vmul.f32 v16, v8;
	v10 =	vadd.f32 $0.0e+00, v10;
	v15 =	vsub.f32 $0.0e+00, v15  }
0x18d: {  	v14 =	vmul.f32 v16, v14;
	v11 =	vadd.f32 $0.0e+00, v11;
	v16 =	vsub.f32 $0.0e+00, v17  }
0x18e: {  	v10 =	vadd.f32 v13, v10;
	v8 =	vsub.f32 v15, v8  }
0x18f: {  	v3 =	vadd.s32 v4, v3;
	v7 =	vadd.f32 v7, v11;
	v11 =	vsub.f32 v16, v14  }
0x190: {  	v4 =	vadd.f32 v5, v10;
	v5 =	vor.u32 $0x1, v3;
	v8 =	vmul.f32 v8, v20  }
0x191: {  	v9 =	vadd.f32 v9, v12;
	v6 =	vadd.f32 v6, v7;
	v7 =	vmul.f32 v11, v20  }
0x192: {  	v4 =	vadd.f32 v8, v4  }
0x193: {  	[tilespmem:s9+$0x12430] =	vst v9;
	v6 =	vadd.f32 v7, v6  }
0x194: {  	[tilespmem:v3+s21+$0x0] =	vst.idx.msk $0xffff, v4  }
0x195: {  	[tilespmem:v5+s21+$0x0] =	vst.idx.msk $0xffff, v6  }
0x196: {  	[tilespmem:s19], [sflag:$0x5] =	stream.indirect.gather [hbm4b:s3+s13], $0x8, s29, s13, $0xb8;
	[tilespmem:$0x19000] =	vst v63  }
0x197: {  	_ =	swait.ge [sflag:s20], $0x2580  }
0x198: {  	s0 =	simm.s32 $0x0;
	[sflag:s20] =	ssyncset.done $0x0  }
0x199: {  	s9 =	simm.s32 $0x0;
	v3 =	vmov s0;
	[sflag:s20] =	ssyncadd.s32 $0xFFFFDA80  }
0x19a: {  	v3 =	vshll.u32 v3, $0x3;
	v9 =	vld [tilespmem:s9+$0x2BC0]  }
0x19b: {  	v5 =	vadd.s32 v2, v3;
	v10 =	vld [tilespmem:s9+$0x44C0]  }
0x19c: {  	v4 =	vor.u32 v0, v3;
	v12 =	vld [tilespmem:s9+$0x5DC0]  }
0x19d: {  	v7 =	vadd.s32 v1, v3;
	v16 =	vld [tilespmem:s9+$0x5140]  }
0x19e: {  	v6 =	vor.u32 $0x2, v4;
	v22 =	vld [tilespmem:s9+$0x3840]  }
0x19f: {  	v8 =	vor.u32 $0x5, v7;
	v24 =	vld [tilespmem:s9+$0x76C0]  }
0x1a0: {  	v11 =	vor.u32 $0x2, v5;
	v14 =	vld.idx.msk [tilespmem:v5+s14+$0x0], $0xffff  }
0x1a1: {  	v13 =	vor.u32 $0x5, v4;
	v19 =	vld.idx.msk [tilespmem:v4+s14+$0x0], $0xffff  }
0x1a2: {  	v15 =	vor.u32 $0x1, v5;
	v27 =	vld.idx.msk [tilespmem:v7+s14+$0x0], $0xffff  }
0x1a3: {  	v18 =	vor.u32 $0x1, v4;
	v6 =	vld.idx.msk [tilespmem:v6+s14+$0x0], $0xffff  }
0x1a4: {  	v17 =	vld.idx.msk [tilespmem:v8+s14+$0x0], $0xffff;
	v8 =	vor.u32 $0x5, v5  }
0x1a5: {  	v20 =	vor.u32 $0x2, v7;
	v11 =	vld.idx.msk [tilespmem:v11+s14+$0x0], $0xffff  }
0x1a6: {  	v13 =	vld.idx.msk [tilespmem:v13+s14+$0x0], $0xffff  }
0x1a7: {  	v21 =	vld.idx.msk [tilespmem:v15+s14+$0x0], $0xffff  }
0x1a8: {  	v15 =	vor.u32 $0x1, v7;
	v18 =	vld.idx.msk [tilespmem:v18+s14+$0x0], $0xffff  }
0x1a9: {  	v8 =	vld.idx.msk [tilespmem:v8+s14+$0x0], $0xffff  }
0x1aa: {  	v23 =	vor.u32 $0x3, v4;
	v25 =	vor.u32 $0x3, v5;
	v20 =	vld.idx.msk [tilespmem:v20+s14+$0x0], $0xffff  }
0x1ab: {  	v28 =	vor.u32 $0x4, v5;
	(erf) = vrcp.f32 v24;
	v29 =	vmul.f32 v10, v14  }
0x1ac: {  	v32 =	vld [tilespmem:s9+$0x6A40];
	v5 =	vor.u32 $0x3, v7;
	v30 =	vmul.f32 v9, v19;
	v26 =	vmul.f32 v13, v6  }
0x1ad: {  	v61 =	vmul.f32 v12, v27;
	v31 =	vld.idx.msk [tilespmem:v15+s14+$0x0], $0xffff;
	v6 =	vor.u32 $0x4, v7;
	v7 =	vmul.f32 v22, v18  }
0x1ae: {  	v4 =	vor.u32 $0x4, v4;
	v9 =	vmul.f32 v9, v26;
	v11 =	vmul.f32 v8, v11  }
0x1af: {  	v15 =	vmul.f32 v16, v21;
	v20 =	vmul.f32 v17, v20;
	v7 =	vadd.f32 v7, v30  }
0x1b0: {  	v22 =	vmul.f32 v22, v26;
	v9 =	vadd.f32 $0.0e+00, v9;
	v10 =	vmul.f32 v10, v11  }
0x1b1: {  	v15 =	vadd.f32 v15, v29;
	v62 =	vmul.f32 v12, v20;
	v13 =	vmul.f32 v7, v13  }
0x1b2: {  	v9 =	vadd.f32 v10, v9;
	v10 =	vmul.f32 v16, v11;
	v11 =	vmul.f32 v32, v31  }
0x1b3: {  	v12 =	vmul.f32 v15, v8;
	v16 =	vadd.f32 $0.0e+00, v22  }
0x1b4: {  	v18 =	vmul.f32 v13, v18;
	v8 =	vadd.f32 v62, v9;
	v9 =	vadd.f32 v11, v61  }
0x1b5: {  	v7 =	vld.idx.msk [tilespmem:v28+s14+$0x0], $0xffff;
	v15 =	vmul.f32 v12, v14;
	v22 =	vmul.f32 v32, v20;
	v63 =	vadd.f32 v10, v16  }
0x1b6: {  	v16 =	vadd.f32 $0.0e+00, v13;
	v10 =	vld.idx.msk [tilespmem:v23+s14+$0x0], $0xffff;
	v13 =	vmul.f32 v13, v19;
	v9 =	vmul.f32 v9, v17  }
0x1b7: {  	v20 =	vmul.f32 v12, v21;
	v11 =	vld.idx.msk [tilespmem:v4+s14+$0x0], $0xffff;
	v19 =	vadd.f32 $0.0e+00, v18;
	v14 =	vadd.f32 v22, v63  }
0x1b8: {  	s10 =	simm.s32 $0x40;
	v21 =	vadd.f32 $0.0e+00, v13;
	v13 =	vld.idx.msk [tilespmem:v25+s14+$0x0], $0xffff;
	v17 =	vmul.f32 v9, v27;
	v18 =	vmul.f32 v9, v31  }
.LBB2_10:
0x1b9: {  	p0 =	sne.s32 s10, $0x600  }
0x1ba: {  	v4 =	vadd.f32 v12, v16;
	v12 =	vadd.f32 v20, v19;
	v16 =	vld [tilespmem:s9+$0x8340];
	s0 =	sadd.s32 $0x10, s0;
	v19 =	vpop (erf);
	s11 =	smov.u32 s10;
	s10 =	sadd.s32 $0x40, s10  }
0x1bb: {  	v15 =	vadd.f32 v15, v21;
	v5 =	vld.idx.msk [tilespmem:v5+s14+$0x0], $0xffff  }
0x1bc: {  	v8 =	vmul.f32 v19, v8;
	v6 =	vld.idx.msk [tilespmem:v6+s14+$0x0], $0xffff;
	v4 =	vadd.f32 v9, v4;
	v9 =	vadd.f32 v18, v12  }
0x1bd: {  	v14 =	vmul.f32 v19, v14;
	v10 =	vadd.f32 $0.0e+00, v10;
	v12 =	vadd.f32 v17, v15  }
0x1be: {  	v11 =	vadd.f32 $0.0e+00, v11;
	v9 =	vsub.f32 $0.0e+00, v9;
	[tilespmem:s9+$0x125C0] =	vst v4  }
0x1bf: {  	v4 =	vor.u32 $0x3200, v0;
	v10 =	vadd.f32 v13, v10;
	v12 =	vsub.f32 $0.0e+00, v12  }
0x1c0: {  	v7 =	vadd.f32 v7, v11;
	v11 =	vadd.s32 v4, v3;
	v9 =	vsub.f32 v9, v14  }
0x1c1: {  	v5 =	vadd.f32 v5, v10;
	v3 =	vsub.f32 v12, v8;
	v8 =	vor.u32 $0x1, v11  }
0x1c2: {  	v6 =	vadd.f32 v6, v7;
	v7 =	vmul.f32 v9, v16  }
0x1c3: {  	v9 =	vmov s0;
	v10 =	vmul.f32 v3, v16  }
0x1c4: {  	v3 =	vshll.u32 v9, $0x3;
	v6 =	vadd.f32 v7, v6  }
0x1c5: {  	v7 =	vor.u32 v0, v3;
	v9 =	vadd.s32 v2, v3;
	v5 =	vadd.f32 v10, v5  }
0x1c6: {  	v10 =	vor.u32 $0x1, v7;
	v12 =	vor.u32 $0x2, v7;
	v13 =	vor.u32 $0x1, v9  }
0x1c7: {  	v16 =	vadd.s32 v1, v3;
	v14 =	vor.u32 $0x5, v7;
	v15 =	vor.u32 $0x2, v9;
	[tilespmem:v11+s21+$0x0] =	vst.idx.msk $0xffff, v5  }
0x1c8: {  	s9 =	sshra.s32 s11, $0x2;
	v17 =	vor.u32 $0x1, v16;
	v18 =	vor.u32 $0x5, v16;
	v11 =	vor.u32 $0x5, v9;
	[tilespmem:v8+s21+$0x0] =	vst.idx.msk $0xffff, v6  }
0x1c9: {  	v19 =	vor.u32 $0x3, v7;
	v20 =	vor.u32 $0x4, v7;
	v22 =	vor.u32 $0x3, v9;
	v8 =	vld [tilespmem:s9+$0x2BC0]  }
0x1ca: {  	v21 =	vor.u32 $0x4, v9;
	v5 =	vor.u32 $0x3, v16;
	v6 =	vor.u32 $0x4, v16;
	v23 =	vld [tilespmem:s9+$0x44C0]  }
0x1cb: {  	v24 =	vld [tilespmem:s9+$0x5DC0]  }
0x1cc: {  	v9 =	vld.idx.msk [tilespmem:v9+s14+$0x0], $0xffff  }
0x1cd: {  	v12 =	vld.idx.msk [tilespmem:v12+s14+$0x0], $0xffff;
	_ =	sdelay $0x1  }
0x1ce: {  	v18 =	vld.idx.msk [tilespmem:v18+s14+$0x0], $0xffff  }
0x1cf: {  	v25 =	vld [tilespmem:s9+$0x5140]  }
0x1d0: {  	v15 =	vld.idx.msk [tilespmem:v15+s14+$0x0], $0xffff  }
0x1d1: {  	v26 =	vmul.f32 v23, v9;
	v14 =	vld.idx.msk [tilespmem:v14+s14+$0x0], $0xffff  }
0x1d2: {  	v27 =	vld.idx.msk [tilespmem:v7+s14+$0x0], $0xffff;
	v7 =	vor.u32 $0x2, v16  }
0x1d3: {  	v13 =	vld.idx.msk [tilespmem:v13+s14+$0x0], $0xffff  }
0x1d4: {  	v11 =	vld.idx.msk [tilespmem:v11+s14+$0x0], $0xffff  }
0x1d5: {  	v10 =	vld.idx.msk [tilespmem:v10+s14+$0x0], $0xffff  }
0x1d6: {  	v28 =	vld [tilespmem:s9+$0x3840]  }
0x1d7: {  	v12 =	vmul.f32 v14, v12;
	v29 =	vld.idx.msk [tilespmem:v7+s14+$0x0], $0xffff  }
0x1d8: {  	v30 =	vmul.f32 v8, v27;
	v31 =	vld [tilespmem:s9+$0x76C0]  }
0x1d9: {  	v8 =	vmul.f32 v8, v12;
	v32 =	vmul.f32 v25, v13;
	v33 =	vld.idx.msk [tilespmem:v16+s14+$0x0], $0xffff  }
0x1da: {  	v34 =	vld.idx.msk [tilespmem:v17+s14+$0x0], $0xffff  }
0x1db: {  	v15 =	vmul.f32 v11, v15;
	v16 =	vmul.f32 v28, v10;
	v17 =	vld [tilespmem:s9+$0x6A40]  }
0x1dc: {  	v12 =	vmul.f32 v28, v12;
	v7 =	vld.idx.msk [tilespmem:v21+s14+$0x0], $0xffff  }
0x1dd: {  	v8 =	vadd.f32 $0.0e+00, v8;
	v21 =	vmul.f32 v23, v15;
	v23 =	vmul.f32 v18, v29  }
0x1de: {  	v26 =	vadd.f32 v32, v26;
	v16 =	vadd.f32 v16, v30;
	(erf) = vrcp.f32 v31  }
0x1df: {  	v8 =	vadd.f32 v21, v8;
	v21 =	vmul.f32 v24, v33;
	v24 =	vmul.f32 v24, v23  }
0x1e0: {  	v15 =	vmul.f32 v25, v15;
	v28 =	vadd.f32 $0.0e+00, v12;
	v25 =	vmul.f32 v17, v34  }
0x1e1: {  	v12 =	vmul.f32 v26, v11;
	v14 =	vmul.f32 v16, v14;
	v8 =	vadd.f32 v24, v8  }
.Ltmp4:
0x1e2: {  	v24 =	vadd.f32 v15, v28;
	v17 =	vmul.f32 v17, v23;
	v11 =	vadd.f32 v25, v21;
	(pc) =	sbr.rel @p0 .LBB2_10-.Ltmp4, $4  }
0x1e3: {  	v15 =	vmul.f32 v12, v9;
	v16 =	vadd.f32 $0.0e+00, v14;
	v21 =	vmul.f32 v14, v10  }
0x1e4: {  	v23 =	vmul.f32 v14, v27;
	v10 =	vld.idx.msk [tilespmem:v19+s14+$0x0], $0xffff;
	v9 =	vmul.f32 v11, v18  }
0x1e5: {  	v14 =	vadd.f32 v17, v24;
	v19 =	vadd.f32 $0.0e+00, v21;
	v11 =	vld.idx.msk [tilespmem:v20+s14+$0x0], $0xffff;
	v20 =	vmul.f32 v12, v13  }
0x1e6: {  	v21 =	vadd.f32 $0.0e+00, v23;
	v13 =	vld.idx.msk [tilespmem:v22+s14+$0x0], $0xffff;
	v17 =	vmul.f32 v9, v33;
	v18 =	vmul.f32 v9, v34  }
0x1e7: {  	_ = 	snop  }
0x1e8: {  	v15 =	vadd.f32 v15, v21  }
0x1e9: {  	v19 =	vadd.f32 v20, v19  }
0x1ea: {  	v20 =	vld [tilespmem:s9+$0x8340];
	v15 =	vadd.f32 v17, v15  }
0x1eb: {  	v12 =	vadd.f32 v12, v16;
	v16 =	vpop (erf);
	v5 =	vld.idx.msk [tilespmem:v5+s14+$0x0], $0xffff;
	v17 =	vadd.f32 v18, v19  }
0x1ec: {  	v6 =	vld.idx.msk [tilespmem:v6+s14+$0x0], $0xffff;
	v8 =	vmul.f32 v16, v8;
	v10 =	vadd.f32 $0.0e+00, v10;
	v15 =	vsub.f32 $0.0e+00, v15  }
0x1ed: {  	v14 =	vmul.f32 v16, v14;
	v11 =	vadd.f32 $0.0e+00, v11;
	v16 =	vsub.f32 $0.0e+00, v17  }
0x1ee: {  	v10 =	vadd.f32 v13, v10;
	v8 =	vsub.f32 v15, v8  }
0x1ef: {  	v3 =	vadd.s32 v4, v3;
	v7 =	vadd.f32 v7, v11;
	v11 =	vsub.f32 v16, v14  }
0x1f0: {  	v4 =	vadd.f32 v5, v10;
	v5 =	vor.u32 $0x1, v3;
	v8 =	vmul.f32 v8, v20  }
0x1f1: {  	v9 =	vadd.f32 v9, v12;
	v6 =	vadd.f32 v6, v7;
	v7 =	vmul.f32 v11, v20  }
0x1f2: {  	v4 =	vadd.f32 v8, v4  }
0x1f3: {  	[tilespmem:s9+$0x125C0] =	vst v9;
	v6 =	vadd.f32 v7, v6  }
0x1f4: {  	[tilespmem:v3+s21+$0x0] =	vst.idx.msk $0xffff, v4  }
0x1f5: {  	[tilespmem:v5+s21+$0x0] =	vst.idx.msk $0xffff, v6  }
0x1f6: {  	_ =	swait.ge [sflag:s23], $0x2580  }
0x1f7: {  	s0 =	simm.s32 $0x0;
	[sflag:s23] =	ssyncset.done $0x0  }
0x1f8: {  	s9 =	simm.s32 $0x0;
	v3 =	vmov s0;
	[sflag:s23] =	ssyncadd.s32 $0xFFFFDA80  }
0x1f9: {  	v3 =	vshll.u32 v3, $0x3;
	v9 =	vld [tilespmem:s9+$0x2D50]  }
0x1fa: {  	v5 =	vadd.s32 v2, v3;
	v10 =	vld [tilespmem:s9+$0x4650]  }
0x1fb: {  	v4 =	vor.u32 v0, v3;
	v12 =	vld [tilespmem:s9+$0x5F50]  }
0x1fc: {  	v7 =	vadd.s32 v1, v3;
	v16 =	vld [tilespmem:s9+$0x52D0]  }
0x1fd: {  	v6 =	vor.u32 $0x2, v4;
	v22 =	vld [tilespmem:s9+$0x39D0]  }
0x1fe: {  	v8 =	vor.u32 $0x5, v7;
	v24 =	vld [tilespmem:s9+$0x7850]  }
0x1ff: {  	v11 =	vor.u32 $0x2, v5;
	v14 =	vld.idx.msk [tilespmem:v5+s15+$0x0], $0xffff  }
0x200: {  	v13 =	vor.u32 $0x5, v4;
	v19 =	vld.idx.msk [tilespmem:v4+s15+$0x0], $0xffff  }
0x201: {  	v15 =	vor.u32 $0x1, v5;
	v27 =	vld.idx.msk [tilespmem:v7+s15+$0x0], $0xffff  }
0x202: {  	v18 =	vor.u32 $0x1, v4;
	v6 =	vld.idx.msk [tilespmem:v6+s15+$0x0], $0xffff  }
0x203: {  	v17 =	vld.idx.msk [tilespmem:v8+s15+$0x0], $0xffff;
	v8 =	vor.u32 $0x5, v5  }
0x204: {  	v20 =	vor.u32 $0x2, v7;
	v11 =	vld.idx.msk [tilespmem:v11+s15+$0x0], $0xffff  }
0x205: {  	v13 =	vld.idx.msk [tilespmem:v13+s15+$0x0], $0xffff  }
0x206: {  	v21 =	vld.idx.msk [tilespmem:v15+s15+$0x0], $0xffff  }
0x207: {  	v15 =	vor.u32 $0x1, v7;
	v18 =	vld.idx.msk [tilespmem:v18+s15+$0x0], $0xffff  }
0x208: {  	v8 =	vld.idx.msk [tilespmem:v8+s15+$0x0], $0xffff  }
0x209: {  	v23 =	vor.u32 $0x3, v4;
	v25 =	vor.u32 $0x3, v5;
	v20 =	vld.idx.msk [tilespmem:v20+s15+$0x0], $0xffff  }
0x20a: {  	v28 =	vor.u32 $0x4, v5;
	(erf) = vrcp.f32 v24;
	v29 =	vmul.f32 v10, v14  }
0x20b: {  	v32 =	vld [tilespmem:s9+$0x6BD0];
	v5 =	vor.u32 $0x3, v7;
	v30 =	vmul.f32 v9, v19;
	v26 =	vmul.f32 v13, v6  }
0x20c: {  	v61 =	vmul.f32 v12, v27;
	v31 =	vld.idx.msk [tilespmem:v15+s15+$0x0], $0xffff;
	v6 =	vor.u32 $0x4, v7;
	v7 =	vmul.f32 v22, v18  }
0x20d: {  	v4 =	vor.u32 $0x4, v4;
	v9 =	vmul.f32 v9, v26;
	v11 =	vmul.f32 v8, v11  }
0x20e: {  	v15 =	vmul.f32 v16, v21;
	v20 =	vmul.f32 v17, v20;
	v7 =	vadd.f32 v7, v30  }
0x20f: {  	v22 =	vmul.f32 v22, v26;
	v9 =	vadd.f32 $0.0e+00, v9;
	v10 =	vmul.f32 v10, v11  }
0x210: {  	v15 =	vadd.f32 v15, v29;
	v62 =	vmul.f32 v12, v20;
	v13 =	vmul.f32 v7, v13  }
0x211: {  	v9 =	vadd.f32 v10, v9;
	v10 =	vmul.f32 v16, v11;
	v11 =	vmul.f32 v32, v31  }
0x212: {  	v12 =	vmul.f32 v15, v8;
	v16 =	vadd.f32 $0.0e+00, v22  }
0x213: {  	v18 =	vmul.f32 v13, v18;
	v8 =	vadd.f32 v62, v9;
	v9 =	vadd.f32 v11, v61  }
0x214: {  	v7 =	vld.idx.msk [tilespmem:v28+s15+$0x0], $0xffff;
	v15 =	vmul.f32 v12, v14;
	v22 =	vmul.f32 v32, v20;
	v63 =	vadd.f32 v10, v16  }
0x215: {  	v16 =	vadd.f32 $0.0e+00, v13;
	v10 =	vld.idx.msk [tilespmem:v23+s15+$0x0], $0xffff;
	v13 =	vmul.f32 v13, v19;
	v9 =	vmul.f32 v9, v17  }
0x216: {  	v20 =	vmul.f32 v12, v21;
	v11 =	vld.idx.msk [tilespmem:v4+s15+$0x0], $0xffff;
	v19 =	vadd.f32 $0.0e+00, v18;
	v14 =	vadd.f32 v22, v63  }
0x217: {  	s10 =	simm.s32 $0x40;
	v21 =	vadd.f32 $0.0e+00, v13;
	v13 =	vld.idx.msk [tilespmem:v25+s15+$0x0], $0xffff;
	v17 =	vmul.f32 v9, v27;
	v18 =	vmul.f32 v9, v31  }
.LBB2_12:
0x218: {  	p0 =	sne.s32 s10, $0x600  }
0x219: {  	v4 =	vadd.f32 v12, v16;
	v12 =	vadd.f32 v20, v19;
	v16 =	vld [tilespmem:s9+$0x84D0];
	s0 =	sadd.s32 $0x10, s0;
	v19 =	vpop (erf);
	s11 =	smov.u32 s10;
	s10 =	sadd.s32 $0x40, s10  }
0x21a: {  	v15 =	vadd.f32 v15, v21;
	v5 =	vld.idx.msk [tilespmem:v5+s15+$0x0], $0xffff  }
0x21b: {  	v8 =	vmul.f32 v19, v8;
	v6 =	vld.idx.msk [tilespmem:v6+s15+$0x0], $0xffff;
	v4 =	vadd.f32 v9, v4;
	v9 =	vadd.f32 v18, v12  }
0x21c: {  	v14 =	vmul.f32 v19, v14;
	v10 =	vadd.f32 $0.0e+00, v10;
	v12 =	vadd.f32 v17, v15  }
0x21d: {  	v11 =	vadd.f32 $0.0e+00, v11;
	v9 =	vsub.f32 $0.0e+00, v9;
	[tilespmem:s9+$0x12750] =	vst v4  }
0x21e: {  	v4 =	vor.u32 $0x3E80, v0;
	v10 =	vadd.f32 v13, v10;
	v12 =	vsub.f32 $0.0e+00, v12  }
0x21f: {  	v7 =	vadd.f32 v7, v11;
	v11 =	vadd.s32 v4, v3;
	v9 =	vsub.f32 v9, v14  }
0x220: {  	v5 =	vadd.f32 v5, v10;
	v3 =	vsub.f32 v12, v8;
	v8 =	vor.u32 $0x1, v11  }
0x221: {  	v6 =	vadd.f32 v6, v7;
	v7 =	vmul.f32 v9, v16  }
0x222: {  	v9 =	vmov s0;
	v10 =	vmul.f32 v3, v16  }
0x223: {  	v3 =	vshll.u32 v9, $0x3;
	v6 =	vadd.f32 v7, v6  }
0x224: {  	v7 =	vor.u32 v0, v3;
	v9 =	vadd.s32 v2, v3;
	v5 =	vadd.f32 v10, v5  }
0x225: {  	v10 =	vor.u32 $0x1, v7;
	v12 =	vor.u32 $0x2, v7;
	v13 =	vor.u32 $0x1, v9  }
0x226: {  	v16 =	vadd.s32 v1, v3;
	v14 =	vor.u32 $0x5, v7;
	v15 =	vor.u32 $0x2, v9;
	[tilespmem:v11+s21+$0x0] =	vst.idx.msk $0xffff, v5  }
0x227: {  	s9 =	sshra.s32 s11, $0x2;
	v17 =	vor.u32 $0x1, v16;
	v18 =	vor.u32 $0x5, v16;
	v11 =	vor.u32 $0x5, v9;
	[tilespmem:v8+s21+$0x0] =	vst.idx.msk $0xffff, v6  }
0x228: {  	v19 =	vor.u32 $0x3, v7;
	v20 =	vor.u32 $0x4, v7;
	v22 =	vor.u32 $0x3, v9;
	v8 =	vld [tilespmem:s9+$0x2D50]  }
0x229: {  	v21 =	vor.u32 $0x4, v9;
	v5 =	vor.u32 $0x3, v16;
	v6 =	vor.u32 $0x4, v16;
	v23 =	vld [tilespmem:s9+$0x4650]  }
0x22a: {  	v24 =	vld [tilespmem:s9+$0x5F50]  }
0x22b: {  	v9 =	vld.idx.msk [tilespmem:v9+s15+$0x0], $0xffff  }
0x22c: {  	v12 =	vld.idx.msk [tilespmem:v12+s15+$0x0], $0xffff;
	_ =	sdelay $0x1  }
0x22d: {  	v18 =	vld.idx.msk [tilespmem:v18+s15+$0x0], $0xffff  }
0x22e: {  	v25 =	vld [tilespmem:s9+$0x52D0]  }
0x22f: {  	v15 =	vld.idx.msk [tilespmem:v15+s15+$0x0], $0xffff  }
0x230: {  	v26 =	vmul.f32 v23, v9;
	v14 =	vld.idx.msk [tilespmem:v14+s15+$0x0], $0xffff  }
0x231: {  	v27 =	vld.idx.msk [tilespmem:v7+s15+$0x0], $0xffff;
	v7 =	vor.u32 $0x2, v16  }
0x232: {  	v13 =	vld.idx.msk [tilespmem:v13+s15+$0x0], $0xffff  }
0x233: {  	v11 =	vld.idx.msk [tilespmem:v11+s15+$0x0], $0xffff  }
0x234: {  	v10 =	vld.idx.msk [tilespmem:v10+s15+$0x0], $0xffff  }
0x235: {  	v28 =	vld [tilespmem:s9+$0x39D0]  }
0x236: {  	v12 =	vmul.f32 v14, v12;
	v29 =	vld.idx.msk [tilespmem:v7+s15+$0x0], $0xffff  }
0x237: {  	v30 =	vmul.f32 v8, v27;
	v31 =	vld [tilespmem:s9+$0x7850]  }
0x238: {  	v8 =	vmul.f32 v8, v12;
	v32 =	vmul.f32 v25, v13;
	v33 =	vld.idx.msk [tilespmem:v16+s15+$0x0], $0xffff  }
0x239: {  	v34 =	vld.idx.msk [tilespmem:v17+s15+$0x0], $0xffff  }
0x23a: {  	v15 =	vmul.f32 v11, v15;
	v16 =	vmul.f32 v28, v10;
	v17 =	vld [tilespmem:s9+$0x6BD0]  }
0x23b: {  	v12 =	vmul.f32 v28, v12;
	v7 =	vld.idx.msk [tilespmem:v21+s15+$0x0], $0xffff  }
0x23c: {  	v8 =	vadd.f32 $0.0e+00, v8;
	v21 =	vmul.f32 v23, v15;
	v23 =	vmul.f32 v18, v29  }
0x23d: {  	v26 =	vadd.f32 v32, v26;
	v16 =	vadd.f32 v16, v30;
	(erf) = vrcp.f32 v31  }
0x23e: {  	v8 =	vadd.f32 v21, v8;
	v21 =	vmul.f32 v24, v33;
	v24 =	vmul.f32 v24, v23  }
0x23f: {  	v15 =	vmul.f32 v25, v15;
	v28 =	vadd.f32 $0.0e+00, v12;
	v25 =	vmul.f32 v17, v34  }
0x240: {  	v12 =	vmul.f32 v26, v11;
	v14 =	vmul.f32 v16, v14;
	v8 =	vadd.f32 v24, v8  }
.Ltmp5:
0x241: {  	v24 =	vadd.f32 v15, v28;
	v17 =	vmul.f32 v17, v23;
	v11 =	vadd.f32 v25, v21;
	(pc) =	sbr.rel @p0 .LBB2_12-.Ltmp5, $4  }
0x242: {  	v15 =	vmul.f32 v12, v9;
	v16 =	vadd.f32 $0.0e+00, v14;
	v21 =	vmul.f32 v14, v10  }
0x243: {  	v23 =	vmul.f32 v14, v27;
	v10 =	vld.idx.msk [tilespmem:v19+s15+$0x0], $0xffff;
	v9 =	vmul.f32 v11, v18  }
0x244: {  	v14 =	vadd.f32 v17, v24;
	v19 =	vadd.f32 $0.0e+00, v21;
	v11 =	vld.idx.msk [tilespmem:v20+s15+$0x0], $0xffff;
	v20 =	vmul.f32 v12, v13  }
0x245: {  	v21 =	vadd.f32 $0.0e+00, v23;
	v13 =	vld.idx.msk [tilespmem:v22+s15+$0x0], $0xffff;
	v17 =	vmul.f32 v9, v33;
	v18 =	vmul.f32 v9, v34  }
0x246: {  	_ = 	snop  }
0x247: {  	v15 =	vadd.f32 v15, v21  }
0x248: {  	v19 =	vadd.f32 v20, v19  }
0x249: {  	v20 =	vld [tilespmem:s9+$0x84D0];
	v15 =	vadd.f32 v17, v15  }
0x24a: {  	v12 =	vadd.f32 v12, v16;
	v16 =	vpop (erf);
	v5 =	vld.idx.msk [tilespmem:v5+s15+$0x0], $0xffff;
	v17 =	vadd.f32 v18, v19  }
0x24b: {  	v6 =	vld.idx.msk [tilespmem:v6+s15+$0x0], $0xffff;
	v8 =	vmul.f32 v16, v8;
	v10 =	vadd.f32 $0.0e+00, v10;
	v15 =	vsub.f32 $0.0e+00, v15  }
0x24c: {  	v14 =	vmul.f32 v16, v14;
	v11 =	vadd.f32 $0.0e+00, v11;
	v16 =	vsub.f32 $0.0e+00, v17  }
0x24d: {  	v10 =	vadd.f32 v13, v10;
	v8 =	vsub.f32 v15, v8  }
0x24e: {  	v3 =	vadd.s32 v4, v3;
	v7 =	vadd.f32 v7, v11;
	v11 =	vsub.f32 v16, v14  }
0x24f: {  	v4 =	vadd.f32 v5, v10;
	v5 =	vor.u32 $0x1, v3;
	v8 =	vmul.f32 v8, v20  }
0x250: {  	v9 =	vadd.f32 v9, v12;
	v6 =	vadd.f32 v6, v7;
	v7 =	vmul.f32 v11, v20  }
0x251: {  	v4 =	vadd.f32 v8, v4  }
0x252: {  	[tilespmem:s9+$0x12750] =	vst v9;
	v6 =	vadd.f32 v7, v6  }
0x253: {  	[tilespmem:v3+s21+$0x0] =	vst.idx.msk $0xffff, v4  }
0x254: {  	[tilespmem:v5+s21+$0x0] =	vst.idx.msk $0xffff, v6  }
0x255: {  	_ =	swait.ge [sflag:s25], $0x2580  }
0x256: {  	s0 =	simm.s32 $0x0;
	[sflag:s25] =	ssyncset.done $0x0  }
0x257: {  	s9 =	simm.s32 $0x0;
	v3 =	vmov s0;
	[sflag:s25] =	ssyncadd.s32 $0xFFFFDA80  }
0x258: {  	v3 =	vshll.u32 v3, $0x3;
	v9 =	vld [tilespmem:s9+$0x2EE0]  }
0x259: {  	v5 =	vadd.s32 v2, v3;
	v10 =	vld [tilespmem:s9+$0x47E0]  }
0x25a: {  	v4 =	vor.u32 v0, v3;
	v12 =	vld [tilespmem:s9+$0x60E0]  }
0x25b: {  	v7 =	vadd.s32 v1, v3;
	v16 =	vld [tilespmem:s9+$0x5460]  }
0x25c: {  	v6 =	vor.u32 $0x2, v4;
	v22 =	vld [tilespmem:s9+$0x3B60]  }
0x25d: {  	v8 =	vor.u32 $0x5, v7;
	v24 =	vld [tilespmem:s9+$0x79E0]  }
0x25e: {  	v11 =	vor.u32 $0x2, v5;
	v14 =	vld.idx.msk [tilespmem:v5+s17+$0x0], $0xffff  }
0x25f: {  	v13 =	vor.u32 $0x5, v4;
	v19 =	vld.idx.msk [tilespmem:v4+s17+$0x0], $0xffff  }
0x260: {  	v15 =	vor.u32 $0x1, v5;
	v27 =	vld.idx.msk [tilespmem:v7+s17+$0x0], $0xffff  }
0x261: {  	v18 =	vor.u32 $0x1, v4;
	v6 =	vld.idx.msk [tilespmem:v6+s17+$0x0], $0xffff  }
0x262: {  	v17 =	vld.idx.msk [tilespmem:v8+s17+$0x0], $0xffff;
	v8 =	vor.u32 $0x5, v5  }
0x263: {  	v20 =	vor.u32 $0x2, v7;
	v11 =	vld.idx.msk [tilespmem:v11+s17+$0x0], $0xffff  }
0x264: {  	v13 =	vld.idx.msk [tilespmem:v13+s17+$0x0], $0xffff  }
0x265: {  	v21 =	vld.idx.msk [tilespmem:v15+s17+$0x0], $0xffff  }
0x266: {  	v15 =	vor.u32 $0x1, v7;
	v18 =	vld.idx.msk [tilespmem:v18+s17+$0x0], $0xffff  }
0x267: {  	v8 =	vld.idx.msk [tilespmem:v8+s17+$0x0], $0xffff  }
0x268: {  	v23 =	vor.u32 $0x3, v4;
	v25 =	vor.u32 $0x3, v5;
	v20 =	vld.idx.msk [tilespmem:v20+s17+$0x0], $0xffff  }
0x269: {  	v28 =	vor.u32 $0x4, v5;
	(erf) = vrcp.f32 v24;
	v29 =	vmul.f32 v10, v14  }
0x26a: {  	v32 =	vld [tilespmem:s9+$0x6D60];
	v5 =	vor.u32 $0x3, v7;
	v30 =	vmul.f32 v9, v19;
	v26 =	vmul.f32 v13, v6  }
0x26b: {  	v61 =	vmul.f32 v12, v27;
	v31 =	vld.idx.msk [tilespmem:v15+s17+$0x0], $0xffff;
	v6 =	vor.u32 $0x4, v7;
	v7 =	vmul.f32 v22, v18  }
0x26c: {  	v4 =	vor.u32 $0x4, v4;
	v9 =	vmul.f32 v9, v26;
	v11 =	vmul.f32 v8, v11  }
0x26d: {  	v15 =	vmul.f32 v16, v21;
	v20 =	vmul.f32 v17, v20;
	v7 =	vadd.f32 v7, v30  }
0x26e: {  	v22 =	vmul.f32 v22, v26;
	v9 =	vadd.f32 $0.0e+00, v9;
	v10 =	vmul.f32 v10, v11  }
0x26f: {  	v15 =	vadd.f32 v15, v29;
	v62 =	vmul.f32 v12, v20;
	v13 =	vmul.f32 v7, v13  }
0x270: {  	v9 =	vadd.f32 v10, v9;
	v10 =	vmul.f32 v16, v11;
	v11 =	vmul.f32 v32, v31  }
0x271: {  	v12 =	vmul.f32 v15, v8;
	v16 =	vadd.f32 $0.0e+00, v22  }
0x272: {  	v18 =	vmul.f32 v13, v18;
	v8 =	vadd.f32 v62, v9;
	v9 =	vadd.f32 v11, v61  }
0x273: {  	v7 =	vld.idx.msk [tilespmem:v28+s17+$0x0], $0xffff;
	v15 =	vmul.f32 v12, v14;
	v22 =	vmul.f32 v32, v20;
	v63 =	vadd.f32 v10, v16  }
0x274: {  	v16 =	vadd.f32 $0.0e+00, v13;
	v10 =	vld.idx.msk [tilespmem:v23+s17+$0x0], $0xffff;
	v13 =	vmul.f32 v13, v19;
	v9 =	vmul.f32 v9, v17  }
0x275: {  	v20 =	vmul.f32 v12, v21;
	v11 =	vld.idx.msk [tilespmem:v4+s17+$0x0], $0xffff;
	v19 =	vadd.f32 $0.0e+00, v18;
	v14 =	vadd.f32 v22, v63  }
0x276: {  	s10 =	simm.s32 $0x40;
	v21 =	vadd.f32 $0.0e+00, v13;
	v13 =	vld.idx.msk [tilespmem:v25+s17+$0x0], $0xffff;
	v17 =	vmul.f32 v9, v27;
	v18 =	vmul.f32 v9, v31  }
.LBB2_14:
0x277: {  	p0 =	sne.s32 s10, $0x600  }
0x278: {  	v4 =	vadd.f32 v12, v16;
	v12 =	vadd.f32 v20, v19;
	v16 =	vld [tilespmem:s9+$0x8660];
	s0 =	sadd.s32 $0x10, s0;
	v19 =	vpop (erf);
	s11 =	smov.u32 s10;
	s10 =	sadd.s32 $0x40, s10  }
0x279: {  	v15 =	vadd.f32 v15, v21;
	v5 =	vld.idx.msk [tilespmem:v5+s17+$0x0], $0xffff  }
0x27a: {  	v8 =	vmul.f32 v19, v8;
	v6 =	vld.idx.msk [tilespmem:v6+s17+$0x0], $0xffff;
	v4 =	vadd.f32 v9, v4;
	v9 =	vadd.f32 v18, v12  }
0x27b: {  	v14 =	vmul.f32 v19, v14;
	v10 =	vadd.f32 $0.0e+00, v10;
	v12 =	vadd.f32 v17, v15  }
0x27c: {  	v11 =	vadd.f32 $0.0e+00, v11;
	v9 =	vsub.f32 $0.0e+00, v9;
	[tilespmem:s9+$0x128E0] =	vst v4  }
0x27d: {  	v4 =	vor.u32 $0x4B00, v0;
	v10 =	vadd.f32 v13, v10;
	v12 =	vsub.f32 $0.0e+00, v12  }
0x27e: {  	v7 =	vadd.f32 v7, v11;
	v11 =	vadd.s32 v4, v3;
	v9 =	vsub.f32 v9, v14  }
0x27f: {  	v5 =	vadd.f32 v5, v10;
	v3 =	vsub.f32 v12, v8;
	v8 =	vor.u32 $0x1, v11  }
0x280: {  	v6 =	vadd.f32 v6, v7;
	v7 =	vmul.f32 v9, v16  }
0x281: {  	v9 =	vmov s0;
	v10 =	vmul.f32 v3, v16  }
0x282: {  	v3 =	vshll.u32 v9, $0x3;
	v6 =	vadd.f32 v7, v6  }
0x283: {  	v7 =	vor.u32 v0, v3;
	v9 =	vadd.s32 v2, v3;
	v5 =	vadd.f32 v10, v5  }
0x284: {  	v10 =	vor.u32 $0x1, v7;
	v12 =	vor.u32 $0x2, v7;
	v13 =	vor.u32 $0x1, v9  }
0x285: {  	v16 =	vadd.s32 v1, v3;
	v14 =	vor.u32 $0x5, v7;
	v15 =	vor.u32 $0x2, v9;
	[tilespmem:v11+s21+$0x0] =	vst.idx.msk $0xffff, v5  }
0x286: {  	s9 =	sshra.s32 s11, $0x2;
	v17 =	vor.u32 $0x1, v16;
	v18 =	vor.u32 $0x5, v16;
	v11 =	vor.u32 $0x5, v9;
	[tilespmem:v8+s21+$0x0] =	vst.idx.msk $0xffff, v6  }
0x287: {  	v19 =	vor.u32 $0x3, v7;
	v20 =	vor.u32 $0x4, v7;
	v22 =	vor.u32 $0x3, v9;
	v8 =	vld [tilespmem:s9+$0x2EE0]  }
0x288: {  	v21 =	vor.u32 $0x4, v9;
	v5 =	vor.u32 $0x3, v16;
	v6 =	vor.u32 $0x4, v16;
	v23 =	vld [tilespmem:s9+$0x47E0]  }
0x289: {  	v24 =	vld [tilespmem:s9+$0x60E0]  }
0x28a: {  	v9 =	vld.idx.msk [tilespmem:v9+s17+$0x0], $0xffff  }
0x28b: {  	v12 =	vld.idx.msk [tilespmem:v12+s17+$0x0], $0xffff;
	_ =	sdelay $0x1  }
0x28c: {  	v18 =	vld.idx.msk [tilespmem:v18+s17+$0x0], $0xffff  }
0x28d: {  	v25 =	vld [tilespmem:s9+$0x5460]  }
0x28e: {  	v15 =	vld.idx.msk [tilespmem:v15+s17+$0x0], $0xffff  }
0x28f: {  	v26 =	vmul.f32 v23, v9;
	v14 =	vld.idx.msk [tilespmem:v14+s17+$0x0], $0xffff  }
0x290: {  	v27 =	vld.idx.msk [tilespmem:v7+s17+$0x0], $0xffff;
	v7 =	vor.u32 $0x2, v16  }
0x291: {  	v13 =	vld.idx.msk [tilespmem:v13+s17+$0x0], $0xffff  }
0x292: {  	v11 =	vld.idx.msk [tilespmem:v11+s17+$0x0], $0xffff  }
0x293: {  	v10 =	vld.idx.msk [tilespmem:v10+s17+$0x0], $0xffff  }
0x294: {  	v28 =	vld [tilespmem:s9+$0x3B60]  }
0x295: {  	v12 =	vmul.f32 v14, v12;
	v29 =	vld.idx.msk [tilespmem:v7+s17+$0x0], $0xffff  }
0x296: {  	v30 =	vmul.f32 v8, v27;
	v31 =	vld [tilespmem:s9+$0x79E0]  }
0x297: {  	v8 =	vmul.f32 v8, v12;
	v32 =	vmul.f32 v25, v13;
	v33 =	vld.idx.msk [tilespmem:v16+s17+$0x0], $0xffff  }
0x298: {  	v34 =	vld.idx.msk [tilespmem:v17+s17+$0x0], $0xffff  }
0x299: {  	v15 =	vmul.f32 v11, v15;
	v16 =	vmul.f32 v28, v10;
	v17 =	vld [tilespmem:s9+$0x6D60]  }
0x29a: {  	v12 =	vmul.f32 v28, v12;
	v7 =	vld.idx.msk [tilespmem:v21+s17+$0x0], $0xffff  }
0x29b: {  	v8 =	vadd.f32 $0.0e+00, v8;
	v21 =	vmul.f32 v23, v15;
	v23 =	vmul.f32 v18, v29  }
0x29c: {  	v26 =	vadd.f32 v32, v26;
	v16 =	vadd.f32 v16, v30;
	(erf) = vrcp.f32 v31  }
0x29d: {  	v8 =	vadd.f32 v21, v8;
	v21 =	vmul.f32 v24, v33;
	v24 =	vmul.f32 v24, v23  }
0x29e: {  	v15 =	vmul.f32 v25, v15;
	v28 =	vadd.f32 $0.0e+00, v12;
	v25 =	vmul.f32 v17, v34  }
0x29f: {  	v12 =	vmul.f32 v26, v11;
	v14 =	vmul.f32 v16, v14;
	v8 =	vadd.f32 v24, v8  }
.Ltmp6:
0x2a0: {  	v24 =	vadd.f32 v15, v28;
	v17 =	vmul.f32 v17, v23;
	v11 =	vadd.f32 v25, v21;
	(pc) =	sbr.rel @p0 .LBB2_14-.Ltmp6, $4  }
0x2a1: {  	v15 =	vmul.f32 v12, v9;
	v16 =	vadd.f32 $0.0e+00, v14;
	v21 =	vmul.f32 v14, v10  }
0x2a2: {  	v23 =	vmul.f32 v14, v27;
	v10 =	vld.idx.msk [tilespmem:v19+s17+$0x0], $0xffff;
	v9 =	vmul.f32 v11, v18  }
0x2a3: {  	v14 =	vadd.f32 v17, v24;
	v19 =	vadd.f32 $0.0e+00, v21;
	v11 =	vld.idx.msk [tilespmem:v20+s17+$0x0], $0xffff;
	v20 =	vmul.f32 v12, v13  }
0x2a4: {  	v21 =	vadd.f32 $0.0e+00, v23;
	v13 =	vld.idx.msk [tilespmem:v22+s17+$0x0], $0xffff;
	v17 =	vmul.f32 v9, v33;
	v18 =	vmul.f32 v9, v34  }
0x2a5: {  	_ = 	snop  }
0x2a6: {  	v15 =	vadd.f32 v15, v21  }
0x2a7: {  	v19 =	vadd.f32 v20, v19  }
0x2a8: {  	v20 =	vld [tilespmem:s9+$0x8660];
	v15 =	vadd.f32 v17, v15  }
0x2a9: {  	v12 =	vadd.f32 v12, v16;
	v16 =	vpop (erf);
	v5 =	vld.idx.msk [tilespmem:v5+s17+$0x0], $0xffff;
	v17 =	vadd.f32 v18, v19  }
0x2aa: {  	v6 =	vld.idx.msk [tilespmem:v6+s17+$0x0], $0xffff;
	v8 =	vmul.f32 v16, v8;
	v10 =	vadd.f32 $0.0e+00, v10;
	v15 =	vsub.f32 $0.0e+00, v15  }
0x2ab: {  	v14 =	vmul.f32 v16, v14;
	v11 =	vadd.f32 $0.0e+00, v11;
	v16 =	vsub.f32 $0.0e+00, v17  }
0x2ac: {  	v10 =	vadd.f32 v13, v10;
	v8 =	vsub.f32 v15, v8  }
0x2ad: {  	v3 =	vadd.s32 v4, v3;
	v7 =	vadd.f32 v7, v11;
	v11 =	vsub.f32 v16, v14  }
0x2ae: {  	v4 =	vadd.f32 v5, v10;
	v5 =	vor.u32 $0x1, v3;
	v8 =	vmul.f32 v8, v20  }
0x2af: {  	v9 =	vadd.f32 v9, v12;
	v6 =	vadd.f32 v6, v7;
	v7 =	vmul.f32 v11, v20  }
0x2b0: {  	v4 =	vadd.f32 v8, v4  }
0x2b1: {  	[tilespmem:s9+$0x128E0] =	vst v9;
	v6 =	vadd.f32 v7, v6  }
0x2b2: {  	[tilespmem:v3+s21+$0x0] =	vst.idx.msk $0xffff, v4  }
0x2b3: {  	[tilespmem:v5+s21+$0x0] =	vst.idx.msk $0xffff, v6  }
0x2b4: {  	_ =	swait.ge [sflag:s28], $0x2580  }
0x2b5: {  	s0 =	simm.s32 $0x0;
	[sflag:s28] =	ssyncset.done $0x0  }
0x2b6: {  	s9 =	simm.s32 $0x0;
	v3 =	vmov s0;
	[sflag:s28] =	ssyncadd.s32 $0xFFFFDA80  }
0x2b7: {  	v3 =	vshll.u32 v3, $0x3;
	v9 =	vld [tilespmem:s9+$0x3070]  }
0x2b8: {  	v5 =	vadd.s32 v2, v3;
	v10 =	vld [tilespmem:s9+$0x4970]  }
0x2b9: {  	v4 =	vor.u32 v0, v3;
	v12 =	vld [tilespmem:s9+$0x6270]  }
0x2ba: {  	v7 =	vadd.s32 v1, v3;
	v16 =	vld [tilespmem:s9+$0x55F0]  }
0x2bb: {  	v6 =	vor.u32 $0x2, v4;
	v22 =	vld [tilespmem:s9+$0x3CF0]  }
0x2bc: {  	v8 =	vor.u32 $0x5, v7;
	v24 =	vld [tilespmem:s9+$0x7B70]  }
0x2bd: {  	v11 =	vor.u32 $0x2, v5;
	v14 =	vld.idx.msk [tilespmem:v5+s19+$0x0], $0xffff  }
0x2be: {  	v13 =	vor.u32 $0x5, v4;
	v19 =	vld.idx.msk [tilespmem:v4+s19+$0x0], $0xffff  }
0x2bf: {  	v15 =	vor.u32 $0x1, v5;
	v27 =	vld.idx.msk [tilespmem:v7+s19+$0x0], $0xffff  }
0x2c0: {  	v18 =	vor.u32 $0x1, v4;
	v6 =	vld.idx.msk [tilespmem:v6+s19+$0x0], $0xffff  }
0x2c1: {  	v17 =	vld.idx.msk [tilespmem:v8+s19+$0x0], $0xffff;
	v8 =	vor.u32 $0x5, v5  }
0x2c2: {  	v20 =	vor.u32 $0x2, v7;
	v11 =	vld.idx.msk [tilespmem:v11+s19+$0x0], $0xffff  }
0x2c3: {  	v13 =	vld.idx.msk [tilespmem:v13+s19+$0x0], $0xffff  }
0x2c4: {  	v21 =	vld.idx.msk [tilespmem:v15+s19+$0x0], $0xffff  }
0x2c5: {  	v15 =	vor.u32 $0x1, v7;
	v18 =	vld.idx.msk [tilespmem:v18+s19+$0x0], $0xffff  }
0x2c6: {  	v8 =	vld.idx.msk [tilespmem:v8+s19+$0x0], $0xffff  }
0x2c7: {  	v23 =	vor.u32 $0x3, v4;
	v25 =	vor.u32 $0x3, v5;
	v20 =	vld.idx.msk [tilespmem:v20+s19+$0x0], $0xffff  }
0x2c8: {  	v28 =	vor.u32 $0x4, v5;
	(erf) = vrcp.f32 v24;
	v29 =	vmul.f32 v10, v14  }
0x2c9: {  	v32 =	vld [tilespmem:s9+$0x6EF0];
	v5 =	vor.u32 $0x3, v7;
	v30 =	vmul.f32 v9, v19;
	v26 =	vmul.f32 v13, v6  }
0x2ca: {  	v61 =	vmul.f32 v12, v27;
	v31 =	vld.idx.msk [tilespmem:v15+s19+$0x0], $0xffff;
	v6 =	vor.u32 $0x4, v7;
	v7 =	vmul.f32 v22, v18  }
0x2cb: {  	v4 =	vor.u32 $0x4, v4;
	v9 =	vmul.f32 v9, v26;
	v11 =	vmul.f32 v8, v11  }
0x2cc: {  	v15 =	vmul.f32 v16, v21;
	v20 =	vmul.f32 v17, v20;
	v7 =	vadd.f32 v7, v30  }
0x2cd: {  	v22 =	vmul.f32 v22, v26;
	v9 =	vadd.f32 $0.0e+00, v9;
	v10 =	vmul.f32 v10, v11  }
0x2ce: {  	v15 =	vadd.f32 v15, v29;
	v62 =	vmul.f32 v12, v20;
	v13 =	vmul.f32 v7, v13  }
0x2cf: {  	v9 =	vadd.f32 v10, v9;
	v10 =	vmul.f32 v16, v11;
	v11 =	vmul.f32 v32, v31  }
0x2d0: {  	v12 =	vmul.f32 v15, v8;
	v16 =	vadd.f32 $0.0e+00, v22  }
0x2d1: {  	v18 =	vmul.f32 v13, v18;
	v8 =	vadd.f32 v62, v9;
	v9 =	vadd.f32 v11, v61  }
0x2d2: {  	v7 =	vld.idx.msk [tilespmem:v28+s19+$0x0], $0xffff;
	v15 =	vmul.f32 v12, v14;
	v22 =	vmul.f32 v32, v20;
	v63 =	vadd.f32 v10, v16  }
0x2d3: {  	v16 =	vadd.f32 $0.0e+00, v13;
	v10 =	vld.idx.msk [tilespmem:v23+s19+$0x0], $0xffff;
	v13 =	vmul.f32 v13, v19;
	v9 =	vmul.f32 v9, v17  }
0x2d4: {  	v20 =	vmul.f32 v12, v21;
	v11 =	vld.idx.msk [tilespmem:v4+s19+$0x0], $0xffff;
	v19 =	vadd.f32 $0.0e+00, v18;
	v14 =	vadd.f32 v22, v63  }
0x2d5: {  	s10 =	simm.s32 $0x40;
	v21 =	vadd.f32 $0.0e+00, v13;
	v13 =	vld.idx.msk [tilespmem:v25+s19+$0x0], $0xffff;
	v17 =	vmul.f32 v9, v27;
	v18 =	vmul.f32 v9, v31  }
.LBB2_16:
0x2d6: {  	p0 =	sne.s32 s10, $0x600  }
0x2d7: {  	v4 =	vadd.f32 v12, v16;
	v12 =	vadd.f32 v20, v19;
	v16 =	vld [tilespmem:s9+$0x87F0];
	s0 =	sadd.s32 $0x10, s0;
	v19 =	vpop (erf);
	s11 =	smov.u32 s10;
	s10 =	sadd.s32 $0x40, s10  }
0x2d8: {  	v15 =	vadd.f32 v15, v21;
	v5 =	vld.idx.msk [tilespmem:v5+s19+$0x0], $0xffff  }
0x2d9: {  	v8 =	vmul.f32 v19, v8;
	v6 =	vld.idx.msk [tilespmem:v6+s19+$0x0], $0xffff;
	v4 =	vadd.f32 v9, v4;
	v9 =	vadd.f32 v18, v12  }
0x2da: {  	v14 =	vmul.f32 v19, v14;
	v10 =	vadd.f32 $0.0e+00, v10;
	v12 =	vadd.f32 v17, v15  }
0x2db: {  	v11 =	vadd.f32 $0.0e+00, v11;
	v9 =	vsub.f32 $0.0e+00, v9;
	[tilespmem:s9+$0x12A70] =	vst v4  }
0x2dc: {  	v4 =	vor.u32 $0x5780, v0;
	v10 =	vadd.f32 v13, v10;
	v12 =	vsub.f32 $0.0e+00, v12  }
0x2dd: {  	v7 =	vadd.f32 v7, v11;
	v11 =	vadd.s32 v4, v3;
	v9 =	vsub.f32 v9, v14  }
0x2de: {  	v5 =	vadd.f32 v5, v10;
	v3 =	vsub.f32 v12, v8;
	v8 =	vor.u32 $0x1, v11  }
0x2df: {  	v6 =	vadd.f32 v6, v7;
	v7 =	vmul.f32 v9, v16  }
0x2e0: {  	v9 =	vmov s0;
	v10 =	vmul.f32 v3, v16  }
0x2e1: {  	v3 =	vshll.u32 v9, $0x3;
	v6 =	vadd.f32 v7, v6  }
0x2e2: {  	v7 =	vor.u32 v0, v3;
	v9 =	vadd.s32 v2, v3;
	v5 =	vadd.f32 v10, v5  }
0x2e3: {  	v10 =	vor.u32 $0x1, v7;
	v12 =	vor.u32 $0x2, v7;
	v13 =	vor.u32 $0x1, v9  }
0x2e4: {  	v16 =	vadd.s32 v1, v3;
	v14 =	vor.u32 $0x5, v7;
	v15 =	vor.u32 $0x2, v9;
	[tilespmem:v11+s21+$0x0] =	vst.idx.msk $0xffff, v5  }
0x2e5: {  	s9 =	sshra.s32 s11, $0x2;
	v17 =	vor.u32 $0x1, v16;
	v18 =	vor.u32 $0x5, v16;
	v11 =	vor.u32 $0x5, v9;
	[tilespmem:v8+s21+$0x0] =	vst.idx.msk $0xffff, v6  }
0x2e6: {  	v19 =	vor.u32 $0x3, v7;
	v20 =	vor.u32 $0x4, v7;
	v22 =	vor.u32 $0x3, v9;
	v8 =	vld [tilespmem:s9+$0x3070]  }
0x2e7: {  	v21 =	vor.u32 $0x4, v9;
	v5 =	vor.u32 $0x3, v16;
	v6 =	vor.u32 $0x4, v16;
	v23 =	vld [tilespmem:s9+$0x4970]  }
0x2e8: {  	v24 =	vld [tilespmem:s9+$0x6270]  }
0x2e9: {  	v9 =	vld.idx.msk [tilespmem:v9+s19+$0x0], $0xffff  }
0x2ea: {  	v12 =	vld.idx.msk [tilespmem:v12+s19+$0x0], $0xffff;
	_ =	sdelay $0x1  }
0x2eb: {  	v18 =	vld.idx.msk [tilespmem:v18+s19+$0x0], $0xffff  }
0x2ec: {  	v25 =	vld [tilespmem:s9+$0x55F0]  }
0x2ed: {  	v15 =	vld.idx.msk [tilespmem:v15+s19+$0x0], $0xffff  }
0x2ee: {  	v26 =	vmul.f32 v23, v9;
	v14 =	vld.idx.msk [tilespmem:v14+s19+$0x0], $0xffff  }
0x2ef: {  	v27 =	vld.idx.msk [tilespmem:v7+s19+$0x0], $0xffff;
	v7 =	vor.u32 $0x2, v16  }
0x2f0: {  	v13 =	vld.idx.msk [tilespmem:v13+s19+$0x0], $0xffff  }
0x2f1: {  	v11 =	vld.idx.msk [tilespmem:v11+s19+$0x0], $0xffff  }
0x2f2: {  	v10 =	vld.idx.msk [tilespmem:v10+s19+$0x0], $0xffff  }
0x2f3: {  	v28 =	vld [tilespmem:s9+$0x3CF0]  }
0x2f4: {  	v12 =	vmul.f32 v14, v12;
	v29 =	vld.idx.msk [tilespmem:v7+s19+$0x0], $0xffff  }
0x2f5: {  	v30 =	vmul.f32 v8, v27;
	v31 =	vld [tilespmem:s9+$0x7B70]  }
0x2f6: {  	v8 =	vmul.f32 v8, v12;
	v32 =	vmul.f32 v25, v13;
	v33 =	vld.idx.msk [tilespmem:v16+s19+$0x0], $0xffff  }
0x2f7: {  	v34 =	vld.idx.msk [tilespmem:v17+s19+$0x0], $0xffff  }
0x2f8: {  	v15 =	vmul.f32 v11, v15;
	v16 =	vmul.f32 v28, v10;
	v17 =	vld [tilespmem:s9+$0x6EF0]  }
0x2f9: {  	v12 =	vmul.f32 v28, v12;
	v7 =	vld.idx.msk [tilespmem:v21+s19+$0x0], $0xffff  }
0x2fa: {  	v8 =	vadd.f32 $0.0e+00, v8;
	v21 =	vmul.f32 v23, v15;
	v23 =	vmul.f32 v18, v29  }
0x2fb: {  	v26 =	vadd.f32 v32, v26;
	v16 =	vadd.f32 v16, v30;
	(erf) = vrcp.f32 v31  }
0x2fc: {  	v8 =	vadd.f32 v21, v8;
	v21 =	vmul.f32 v24, v33;
	v24 =	vmul.f32 v24, v23  }
0x2fd: {  	v15 =	vmul.f32 v25, v15;
	v28 =	vadd.f32 $0.0e+00, v12;
	v25 =	vmul.f32 v17, v34  }
0x2fe: {  	v12 =	vmul.f32 v26, v11;
	v14 =	vmul.f32 v16, v14;
	v8 =	vadd.f32 v24, v8  }
.Ltmp7:
0x2ff: {  	v24 =	vadd.f32 v15, v28;
	v17 =	vmul.f32 v17, v23;
	v11 =	vadd.f32 v25, v21;
	(pc) =	sbr.rel @p0 .LBB2_16-.Ltmp7, $4  }
0x300: {  	v15 =	vmul.f32 v12, v9;
	v16 =	vadd.f32 $0.0e+00, v14;
	v21 =	vmul.f32 v14, v10  }
0x301: {  	v23 =	vmul.f32 v14, v27;
	v10 =	vld.idx.msk [tilespmem:v19+s19+$0x0], $0xffff;
	v9 =	vmul.f32 v11, v18  }
0x302: {  	v14 =	vadd.f32 v17, v24;
	v19 =	vadd.f32 $0.0e+00, v21;
	v11 =	vld.idx.msk [tilespmem:v20+s19+$0x0], $0xffff;
	v20 =	vmul.f32 v12, v13  }
0x303: {  	v21 =	vadd.f32 $0.0e+00, v23;
	v13 =	vld.idx.msk [tilespmem:v22+s19+$0x0], $0xffff;
	v17 =	vmul.f32 v9, v33;
	v18 =	vmul.f32 v9, v34  }
0x304: {  	_ = 	snop  }
0x305: {  	v15 =	vadd.f32 v15, v21  }
0x306: {  	v19 =	vadd.f32 v20, v19  }
0x307: {  	v56 =	vld [tilespmem:s9+$0x87F0];
	v15 =	vadd.f32 v17, v15  }
0x308: {  	v12 =	vadd.f32 v12, v16;
	v57 =	vpop (erf);
	v5 =	vld.idx.msk [tilespmem:v5+s19+$0x0], $0xffff;
	v58 =	vadd.f32 v18, v19  }
0x309: {  	v6 =	vld.idx.msk [tilespmem:v6+s19+$0x0], $0xffff;
	v8 =	vmul.f32 v57, v8;
	v10 =	vadd.f32 $0.0e+00, v10;
	v15 =	vsub.f32 $0.0e+00, v15  }
0x30a: {  	v14 =	vmul.f32 v57, v14;
	v11 =	vadd.f32 $0.0e+00, v11;
	v59 =	vsub.f32 $0.0e+00, v58  }
0x30b: {  	v10 =	vadd.f32 v13, v10;
	v8 =	vsub.f32 v15, v8  }
0x30c: {  	v3 =	vadd.s32 v4, v3;
	v7 =	vadd.f32 v7, v11;
	v60 =	vsub.f32 v59, v14  }
0x30d: {  	v62 =	vor.u32 $0x1, v3;
	v61 =	vadd.f32 v5, v10;
	v8 =	vmul.f32 v8, v56  }
0x30e: {  	v9 =	vadd.f32 v9, v12;
	v6 =	vadd.f32 v6, v7;
	v63 =	vmul.f32 v60, v56  }
0x30f: {  	v4 =	vadd.f32 v8, v61  }
0x310: {  	[tilespmem:s9+$0x12A70] =	vst v9;
	v6 =	vadd.f32 v63, v6  }
0x311: {  	[tilespmem:v3+s21+$0x0] =	vst.idx.msk $0xffff, v4  }
0x312: {  	[tilespmem:v62+s21+$0x0] =	vst.idx.msk $0xffff, v6  }
0x313: {  	[hbm4b:s6+s2] =	stream.linear.scatter [tilespmem:s30], [sflag:$0x6], $0xC80, $0x38;
	[tilespmem:$0x19000] =	vst v63  }
0x314: {  	s1 =	sadd.s32 $0x1, s1;
	_ =	swait.ge [sflag:s31], $0xC80  }
0x315: {  	p0 =	sne.s32 s1, s8;
	[sflag:s31] =	ssyncset.done $0x0  }
.Ltmp8:
0x316: {  	[sflag:s31] =	ssyncadd.s32 $0xFFFFF380;
	(pc) =	sbr.rel @p0 .LBB2_1-.Ltmp8, $4  }
0x317: {  	[hbm4b:s7+s2] =	stream.linear.scatter [tilespmem:s21], [sflag:$0x6], $0x6400, $0x38;
	[tilespmem:$0x19000] =	vst v63  }
0x318: {  	_ =	swait.ge [sflag:s31], $0x6400  }
0x319: {  	[sflag:s31] =	ssyncset.done $0x0  }
0x31a: {  	[sflag:s31] =	ssyncadd.s32 $0xFFFF9C00  }
0x31b: {  	_ =	sfence.sel $0x180000  }
0x31c: {  	[bflag:$0x0] =	sbarrier.arrive $0xFFFF  }
0x31d: {  	_ =	strace $0x90000047  }
0x31e: {  	s0 =	stileid.u32;
	[bflag:$0x2] =	sbarrier.arrive $0xFFFF  }
0x31f: {  	p0 =	sne.s32 s0, $0x0;
	s0 =	rddreg [dreg:$0x2]  }
0x320: {  	s0 =	sadd.s32 @!p0 $0x100000, s0  }
0x321: {  	[sflag:s0] =	ssyncadd.tile.s32 @!p0 $0x1;
	_ =	shalt  }
.Lfunc_end2:
_tile_overlayer_lowered:
.L_overlay_start_2:
0x322: {  	(tag) =	ssettag $0x2  }
0x323: {  	s0 =	rddreg [dreg:$0x0];
	s2 =	stileid.u32  }
0x324: {  	s1 =	rddreg [dreg:$0x1];
	p0 =	sne.s32 s2, $0x0  }
0x325: {  	s3 =	rddreg [dreg:$0x2];
	[bflag:$0x3] =	sbarrier.arrive $0xFFFF;
	s2 =	simm.s32 @!p0 $0x1C06  }
0x326: {  	[timem:s3], [sflag:s2] =	dma.local @!p0 [hbm:s0], s1  }
0x327: {  	s0 =	simm.s32 @!p0 $0x6  }
0x328: {  	_ =	swait.ge @!p0 [sflag:s0], s1  }
0x329: {  	s1 =	ssub.s32 @!p0 $0x0, s1;
	[sflag:s0] =	ssyncset.done @!p0 $0x0  }
0x32a: {  	[sflag:s0] =	ssyncadd.s32 @!p0 s1  }
0x32b: {  	[bflag:$0x3] =	sbarrier.arrive $0xFFFF  }
0x32c: {  	_ =	shalt  }

</sc_bundles>
